<compile_context>
chip_gen: v7x
topology: tpu7x:2x2x1
jax: 0.10.2.dev20260603
libtpu: 0.0.44.dev20260713+nightly
codegen_flags: <defaults>
</compile_context>

<pallas_src>
import functools

import jax
import jax.numpy as jnp
from jax import lax
from jax.experimental import pallas as pl
from jax.experimental.pallas import tpu as pltpu
from jax.experimental.pallas import tpu_sc as plsc

NUM_DATA = 100000
NUM_CLASSES = 128
BATCH = 16384

NC = 2
NS = 16
NW = NC * NS
B_PER_W = BATCH // NW
IDX_CHUNK = 64
N_CHUNKS = B_PER_W // IDX_CHUNK
LANES = 16



def _gather_sigmoid_kernel(table_hbm, idx_hbm, out_hbm, idx_v, rows_v, gsem, ssem):
    wid = lax.axis_index("s") * NC + lax.axis_index("c")
    base = wid * B_PER_W

    pltpu.sync_copy(idx_hbm.at[wid], idx_v)

    gathers = []
    for j in range(N_CHUNKS):
        gathers.append(
            pltpu.async_copy(
                table_hbm.at[idx_v.at[j]],
                rows_v.at[pl.ds(j * IDX_CHUNK, IDX_CHUNK)],
                gsem.at[j],
            )
        )

    groups = [(0, 1), (1, 3), (3, 5), (5, 7), (7, 8)]
    stores = []
    for k, (g0, g1) in enumerate(groups):
        for g in range(g0, g1):
            gathers[g].wait()
        lo = g0 * IDX_CHUNK
        hi = g1 * IDX_CHUNK

        @plsc.parallel_loop(lo, hi, 1, unroll=2)
        def row_body(r):
            for c in range(NUM_CLASSES // LANES):
                x = rows_v[r, pl.ds(c * LANES, LANES)]
                rows_v[r, pl.ds(c * LANES, LANES)] = 1.0 / (1.0 + jnp.exp(-x))

        stores.append(
            pltpu.async_copy(
                rows_v.at[pl.ds(lo, hi - lo)],
                out_hbm.at[pl.ds(base + lo, hi - lo)],
                ssem.at[k],
            )
        )
    for s in stores:
        s.wait()


@functools.partial(jax.jit, static_argnums=())
def _run(table, idx):
    mesh = plsc.VectorSubcoreMesh(core_axis_name="c", subcore_axis_name="s")
    return pl.kernel(
        _gather_sigmoid_kernel,
        mesh=mesh,
        out_type=jax.ShapeDtypeStruct((BATCH, NUM_CLASSES), jnp.float32),
        scratch_types=[
            pltpu.VMEM((N_CHUNKS, IDX_CHUNK), jnp.int32),
            pltpu.VMEM((B_PER_W, NUM_CLASSES), jnp.float32),
            pltpu.SemaphoreType.DMA((N_CHUNKS,)),
            pltpu.SemaphoreType.DMA((5,)),
        ],
    )(table, idx)


def kernel(logits, indices):
    idx = indices.astype(jnp.int32).reshape(NW, N_CHUNKS, IDX_CHUNK)
    return _run(logits, idx)

# --- scband reference (transcript-rebuilt; emitter-appended) ---
"""Pipeline reference for scband-label-estimator-10728828306088 (READ-ONLY COPY).

The authoritative reference and input builder live on the scoring server;
editing this copy changes nothing except your own understanding.
"""

import jax, jax.numpy as jnp
import numpy as np

EPS = 1e-05

def inverse_sigmoid(x):
    x = min(x, 1 - EPS)
    x = max(x, EPS)
    return float(np.log(x / (1 - x)))

NUM_DATA = 100000
NUM_CLASSES = 128
BATCH = 16384

def setup_inputs(seed: int = 0) -> dict:
    key = jax.random.key(seed)
    k1, k2, k3 = jax.random.split(key, 3)
    # params_matrix ~ Uniform(inverse_sigmoid(0.2), inverse_sigmoid(0.8))
    lo = inverse_sigmoid(0.2)
    hi = inverse_sigmoid(0.8)
    params = jax.random.uniform(k1, (NUM_DATA, NUM_CLASSES), minval=lo, maxval=hi, dtype=jnp.float32)
    # observed label matrix with entries in {-1, 0, 1}
    observed = jax.random.randint(k2, (NUM_DATA, NUM_CLASSES), -1, 2)
    pos_val = inverse_sigmoid(0.995)
    neg_val = inverse_sigmoid(0.005)
    logits = jnp.where(observed == 1, jnp.float32(pos_val), params)
    logits = jnp.where(observed == -1, jnp.float32(neg_val), logits)
    indices = jax.random.randint(k3, (BATCH,), 0, NUM_DATA)
    return {"logits": logits, "indices": indices}

def reference(logits, indices):
    # forward: row-gather from the learned logits table, then sigmoid
    x = jnp.take(logits, indices, axis=0)
    x = jax.nn.sigmoid(x)
    return x

if __name__ == "__main__":
    import jax
    _d = setup_inputs()
    print(jax.jit(kernel)(*tuple(_d.values())))

</pallas_src>

<mosaic_0001>
#map = affine_map<(d0, d1) -> (0, 0)>
#map1 = affine_map<(d0, d1) -> (0, 0, 0)>
module attributes {stable_mosaic.version = 14 : i64} {
  func.func @_gather_sigmoid_kernel(%arg0: i32, %arg1: i32, %arg2: memref<100000x128xf32, #tpu.memory_space<hbm>>, %arg3: memref<32x8x64xi32, #tpu.memory_space<hbm>>, %arg4: memref<16384x128xf32, #tpu.memory_space<hbm>>, %arg5: memref<8x64xi32, #tpu.memory_space<vmem>>, %arg6: memref<512x128xf32, #tpu.memory_space<vmem>>, %arg7: memref<8x!tpu.dma_semaphore, #tpu.memory_space<semaphore_mem>>, %arg8: memref<5x!tpu.dma_semaphore, #tpu.memory_space<semaphore_mem>>) attributes {dimension_semantics = [#tpu.dimension_semantics<core_parallel>, #tpu.dimension_semantics<subcore_parallel>], iteration_bounds = array<i64: 2, 16>, scalar_prefetch = 0 : i64, scratch_operands = 4 : i64, tpu.core_type = #tpu.core_type<sc_vector_subcore>, window_params = [{transform_indices = #map}, {transform_indices = #map1}, {transform_indices = #map}]} {
    %mul3A = arith.constant 2 : i32
    %mul3A_0 = arith.muli %arg1, %mul3A : i32
    %add3A = arith.addi %mul3A_0, %arg0 : i32
    %mul3A_1 = arith.constant 512 : i32
    %mul3A_2 = arith.muli %add3A, %mul3A_1 : i32
    "tpu.region"() ({
      %run_scoped3A = tpu.sem_alloc : memref<!tpu.dma_semaphore, #tpu.memory_space<semaphore_mem>>
      %dma_start3A_363 = arith.constant 0 : i32
      %dma_start3A_364 = arith.constant 0 : i32
      %dma_start3A_365 = tpu.memref_slice %arg3[%add3A, %dma_start3A_363, %dma_start3A_364] : memref<32x8x64xi32, #tpu.memory_space<hbm>> -> memref<1x8x64xi32, #tpu.memory_space<hbm>>
      %dma_start3A_366 = tpu.memref_squeeze %dma_start3A_365 : memref<1x8x64xi32, #tpu.memory_space<hbm>> -> memref<8x64xi32, #tpu.memory_space<hbm>>
      %dma_start3A_367 = arith.constant 0 : i32
      %dma_start3A_368 = arith.constant 0 : i32
      %dma_start3A_369 = tpu.memref_slice %arg3[%add3A, %dma_start3A_367, %dma_start3A_368] : memref<32x8x64xi32, #tpu.memory_space<hbm>> -> memref<1x8x64xi32, #tpu.memory_space<hbm>>
      %dma_start3A_370 = tpu.memref_squeeze %dma_start3A_369 : memref<1x8x64xi32, #tpu.memory_space<hbm>> -> memref<8x64xi32, #tpu.memory_space<hbm>>
      tpu.enqueue_dma source(%dma_start3A_370 : memref<8x64xi32, #tpu.memory_space<hbm>>) target(%arg5 : memref<8x64xi32, #tpu.memory_space<vmem>>) target_semaphore(%run_scoped3A : memref<!tpu.dma_semaphore, #tpu.memory_space<semaphore_mem>>)
      %dma_wait3A_371 = arith.constant 0 : i32
      %dma_wait3A_372 = arith.constant 0 : i32
      %dma_wait3A_373 = tpu.memref_slice %arg3[%add3A, %dma_wait3A_371, %dma_wait3A_372] : memref<32x8x64xi32, #tpu.memory_space<hbm>> -> memref<1x8x64xi32, #tpu.memory_space<hbm>>
      %dma_wait3A_374 = tpu.memref_squeeze %dma_wait3A_373 : memref<1x8x64xi32, #tpu.memory_space<hbm>> -> memref<8x64xi32, #tpu.memory_space<hbm>>
      %dma_wait3A_375 = arith.constant 0 : i32
      %dma_wait3A_376 = arith.constant 0 : i32
      %dma_wait3A_377 = tpu.memref_slice %arg3[%add3A, %dma_wait3A_375, %dma_wait3A_376] : memref<32x8x64xi32, #tpu.memory_space<hbm>> -> memref<1x8x64xi32, #tpu.memory_space<hbm>>
      %dma_wait3A_378 = tpu.memref_squeeze %dma_wait3A_377 : memref<1x8x64xi32, #tpu.memory_space<hbm>> -> memref<8x64xi32, #tpu.memory_space<hbm>>
      tpu.wait_dma2 semaphore(%run_scoped3A : memref<!tpu.dma_semaphore, #tpu.memory_space<semaphore_mem>>) src(%dma_wait3A_378 : memref<8x64xi32, #tpu.memory_space<hbm>>) dst(%arg5 : memref<8x64xi32, #tpu.memory_space<vmem>>)
      tpu.yield
    }) : () -> ()
    %dma_start3A = arith.constant 0 : i32
    %dma_start3A_3 = arith.constant 0 : i32
    %dma_start3A_4 = arith.constant 0 : i32
    %dma_start3A_5 = arith.constant 0 : i32
    %dma_start3A_6 = tpu.memref_slice %arg6[%dma_start3A_4, %dma_start3A_5] : memref<512x128xf32, #tpu.memory_space<vmem>> -> memref<64x128xf32, #tpu.memory_space<vmem>>
    %dma_start3A_7 = arith.constant 0 : i32
    %dma_start3A_8 = tpu.memref_slice %arg5[%dma_start3A, %dma_start3A_7] : memref<8x64xi32, #tpu.memory_space<vmem>> -> memref<1x64xi32, #tpu.memory_space<vmem>>
    %dma_start3A_9 = tpu.memref_squeeze %dma_start3A_8 : memref<1x64xi32, #tpu.memory_space<vmem>> -> memref<64xi32, #tpu.memory_space<vmem>>
    %dma_start3A_10 = arith.constant 0 : i32
    %dma_start3A_11 = arith.constant 0 : i32
    %dma_start3A_12 = tpu.memref_slice %arg2[%dma_start3A_10, %dma_start3A_11] : memref<100000x128xf32, #tpu.memory_space<hbm>> -> memref<100000x128xf32, #tpu.memory_space<hbm>>
    %dma_start3A_13 = tpu.memref_slice %arg7[%dma_start3A_3] : memref<8x!tpu.dma_semaphore, #tpu.memory_space<semaphore_mem>> -> memref<1x!tpu.dma_semaphore, #tpu.memory_space<semaphore_mem>>
    %dma_start3A_14 = tpu.memref_squeeze %dma_start3A_13 : memref<1x!tpu.dma_semaphore, #tpu.memory_space<semaphore_mem>> -> memref<!tpu.dma_semaphore, #tpu.memory_space<semaphore_mem>>
    tpu.enqueue_indirect_dma source(%dma_start3A_12 : memref<100000x128xf32, #tpu.memory_space<hbm>>) target(%dma_start3A_6 : memref<64x128xf32, #tpu.memory_space<vmem>>) offsets(%dma_start3A_9 : memref<64xi32, #tpu.memory_space<vmem>>) semaphore(%dma_start3A_14 : memref<!tpu.dma_semaphore, #tpu.memory_space<semaphore_mem>>)
    %dma_start3A_15 = arith.constant 1 : i32
    %dma_start3A_16 = arith.constant 1 : i32
    %dma_start3A_17 = arith.constant 64 : i32
    %dma_start3A_18 = arith.constant 0 : i32
    %dma_start3A_19 = tpu.memref_slice %arg6[%dma_start3A_17, %dma_start3A_18] : memref<512x128xf32, #tpu.memory_space<vmem>> -> memref<64x128xf32, #tpu.memory_space<vmem>>
    %dma_start3A_20 = arith.constant 0 : i32
    %dma_start3A_21 = tpu.memref_slice %arg5[%dma_start3A_15, %dma_start3A_20] : memref<8x64xi32, #tpu.memory_space<vmem>> -> memref<1x64xi32, #tpu.memory_space<vmem>>
    %dma_start3A_22 = tpu.memref_squeeze %dma_start3A_21 : memref<1x64xi32, #tpu.memory_space<vmem>> -> memref<64xi32, #tpu.memory_space<vmem>>
    %dma_start3A_23 = arith.constant 0 : i32
    %dma_start3A_24 = arith.constant 0 : i32
    %dma_start3A_25 = tpu.memref_slice %arg2[%dma_start3A_23, %dma_start3A_24] : memref<100000x128xf32, #tpu.memory_space<hbm>> -> memref<100000x128xf32, #tpu.memory_space<hbm>>
    %dma_start3A_26 = tpu.memref_slice %arg7[%dma_start3A_16] : memref<8x!tpu.dma_semaphore, #tpu.memory_space<semaphore_mem>> -> memref<1x!tpu.dma_semaphore, #tpu.memory_space<semaphore_mem>>
    %dma_start3A_27 = tpu.memref_squeeze %dma_start3A_26 : memref<1x!tpu.dma_semaphore, #tpu.memory_space<semaphore_mem>> -> memref<!tpu.dma_semaphore, #tpu.memory_space<semaphore_mem>>
    tpu.enqueue_indirect_dma source(%dma_start3A_25 : memref<100000x128xf32, #tpu.memory_space<hbm>>) target(%dma_start3A_19 : memref<64x128xf32, #tpu.memory_space<vmem>>) offsets(%dma_start3A_22 : memref<64xi32, #tpu.memory_space<vmem>>) semaphore(%dma_start3A_27 : memref<!tpu.dma_semaphore, #tpu.memory_space<semaphore_mem>>)
    %dma_start3A_28 = arith.constant 2 : i32
    %dma_start3A_29 = arith.constant 2 : i32
    %dma_start3A_30 = arith.constant 128 : i32
    %dma_start3A_31 = arith.constant 0 : i32
    %dma_start3A_32 = tpu.memref_slice %arg6[%dma_start3A_30, %dma_start3A_31] : memref<512x128xf32, #tpu.memory_space<vmem>> -> memref<64x128xf32, #tpu.memory_space<vmem>>
    %dma_start3A_33 = arith.constant 0 : i32
    %dma_start3A_34 = tpu.memref_slice %arg5[%dma_start3A_28, %dma_start3A_33] : memref<8x64xi32, #tpu.memory_space<vmem>> -> memref<1x64xi32, #tpu.memory_space<vmem>>
    %dma_start3A_35 = tpu.memref_squeeze %dma_start3A_34 : memref<1x64xi32, #tpu.memory_space<vmem>> -> memref<64xi32, #tpu.memory_space<vmem>>
    %dma_start3A_36 = arith.constant 0 : i32
    %dma_start3A_37 = arith.constant 0 : i32
    %dma_start3A_38 = tpu.memref_slice %arg2[%dma_start3A_36, %dma_start3A_37] : memref<100000x128xf32, #tpu.memory_space<hbm>> -> memref<100000x128xf32, #tpu.memory_space<hbm>>
    %dma_start3A_39 = tpu.memref_slice %arg7[%dma_start3A_29] : memref<8x!tpu.dma_semaphore, #tpu.memory_space<semaphore_mem>> -> memref<1x!tpu.dma_semaphore, #tpu.memory_space<semaphore_mem>>
    %dma_start3A_40 = tpu.memref_squeeze %dma_start3A_39 : memref<1x!tpu.dma_semaphore, #tpu.memory_space<semaphore_mem>> -> memref<!tpu.dma_semaphore, #tpu.memory_space<semaphore_mem>>
    tpu.enqueue_indirect_dma source(%dma_start3A_38 : memref<100000x128xf32, #tpu.memory_space<hbm>>) target(%dma_start3A_32 : memref<64x128xf32, #tpu.memory_space<vmem>>) offsets(%dma_start3A_35 : memref<64xi32, #tpu.memory_space<vmem>>) semaphore(%dma_start3A_40 : memref<!tpu.dma_semaphore, #tpu.memory_space<semaphore_mem>>)
    %dma_start3A_41 = arith.constant 3 : i32
    %dma_start3A_42 = arith.constant 3 : i32
    %dma_start3A_43 = arith.constant 192 : i32
    %dma_start3A_44 = arith.constant 0 : i32
    %dma_start3A_45 = tpu.memref_slice %arg6[%dma_start3A_43, %dma_start3A_44] : memref<512x128xf32, #tpu.memory_space<vmem>> -> memref<64x128xf32, #tpu.memory_space<vmem>>
    %dma_start3A_46 = arith.constant 0 : i32
    %dma_start3A_47 = tpu.memref_slice %arg5[%dma_start3A_41, %dma_start3A_46] : memref<8x64xi32, #tpu.memory_space<vmem>> -> memref<1x64xi32, #tpu.memory_space<vmem>>
    %dma_start3A_48 = tpu.memref_squeeze %dma_start3A_47 : memref<1x64xi32, #tpu.memory_space<vmem>> -> memref<64xi32, #tpu.memory_space<vmem>>
    %dma_start3A_49 = arith.constant 0 : i32
    %dma_start3A_50 = arith.constant 0 : i32
    %dma_start3A_51 = tpu.memref_slice %arg2[%dma_start3A_49, %dma_start3A_50] : memref<100000x128xf32, #tpu.memory_space<hbm>> -> memref<100000x128xf32, #tpu.memory_space<hbm>>
    %dma_start3A_52 = tpu.memref_slice %arg7[%dma_start3A_42] : memref<8x!tpu.dma_semaphore, #tpu.memory_space<semaphore_mem>> -> memref<1x!tpu.dma_semaphore, #tpu.memory_space<semaphore_mem>>
    %dma_start3A_53 = tpu.memref_squeeze %dma_start3A_52 : memref<1x!tpu.dma_semaphore, #tpu.memory_space<semaphore_mem>> -> memref<!tpu.dma_semaphore, #tpu.memory_space<semaphore_mem>>
    tpu.enqueue_indirect_dma source(%dma_start3A_51 : memref<100000x128xf32, #tpu.memory_space<hbm>>) target(%dma_start3A_45 : memref<64x128xf32, #tpu.memory_space<vmem>>) offsets(%dma_start3A_48 : memref<64xi32, #tpu.memory_space<vmem>>) semaphore(%dma_start3A_53 : memref<!tpu.dma_semaphore, #tpu.memory_space<semaphore_mem>>)
    %dma_start3A_54 = arith.constant 4 : i32
    %dma_start3A_55 = arith.constant 4 : i32
    %dma_start3A_56 = arith.constant 256 : i32
    %dma_start3A_57 = arith.constant 0 : i32
    %dma_start3A_58 = tpu.memref_slice %arg6[%dma_start3A_56, %dma_start3A_57] : memref<512x128xf32, #tpu.memory_space<vmem>> -> memref<64x128xf32, #tpu.memory_space<vmem>>
    %dma_start3A_59 = arith.constant 0 : i32
    %dma_start3A_60 = tpu.memref_slice %arg5[%dma_start3A_54, %dma_start3A_59] : memref<8x64xi32, #tpu.memory_space<vmem>> -> memref<1x64xi32, #tpu.memory_space<vmem>>
    %dma_start3A_61 = tpu.memref_squeeze %dma_start3A_60 : memref<1x64xi32, #tpu.memory_space<vmem>> -> memref<64xi32, #tpu.memory_space<vmem>>
    %dma_start3A_62 = arith.constant 0 : i32
    %dma_start3A_63 = arith.constant 0 : i32
    %dma_start3A_64 = tpu.memref_slice %arg2[%dma_start3A_62, %dma_start3A_63] : memref<100000x128xf32, #tpu.memory_space<hbm>> -> memref<100000x128xf32, #tpu.memory_space<hbm>>
    %dma_start3A_65 = tpu.memref_slice %arg7[%dma_start3A_55] : memref<8x!tpu.dma_semaphore, #tpu.memory_space<semaphore_mem>> -> memref<1x!tpu.dma_semaphore, #tpu.memory_space<semaphore_mem>>
    %dma_start3A_66 = tpu.memref_squeeze %dma_start3A_65 : memref<1x!tpu.dma_semaphore, #tpu.memory_space<semaphore_mem>> -> memref<!tpu.dma_semaphore, #tpu.memory_space<semaphore_mem>>
    tpu.enqueue_indirect_dma source(%dma_start3A_64 : memref<100000x128xf32, #tpu.memory_space<hbm>>) target(%dma_start3A_58 : memref<64x128xf32, #tpu.memory_space<vmem>>) offsets(%dma_start3A_61 : memref<64xi32, #tpu.memory_space<vmem>>) semaphore(%dma_start3A_66 : memref<!tpu.dma_semaphore, #tpu.memory_space<semaphore_mem>>)
    %dma_start3A_67 = arith.constant 5 : i32
    %dma_start3A_68 = arith.constant 5 : i32
    %dma_start3A_69 = arith.constant 320 : i32
    %dma_start3A_70 = arith.constant 0 : i32
    %dma_start3A_71 = tpu.memref_slice %arg6[%dma_start3A_69, %dma_start3A_70] : memref<512x128xf32, #tpu.memory_space<vmem>> -> memref<64x128xf32, #tpu.memory_space<vmem>>
    %dma_start3A_72 = arith.constant 0 : i32
    %dma_start3A_73 = tpu.memref_slice %arg5[%dma_start3A_67, %dma_start3A_72] : memref<8x64xi32, #tpu.memory_space<vmem>> -> memref<1x64xi32, #tpu.memory_space<vmem>>
    %dma_start3A_74 = tpu.memref_squeeze %dma_start3A_73 : memref<1x64xi32, #tpu.memory_space<vmem>> -> memref<64xi32, #tpu.memory_space<vmem>>
    %dma_start3A_75 = arith.constant 0 : i32
    %dma_start3A_76 = arith.constant 0 : i32
    %dma_start3A_77 = tpu.memref_slice %arg2[%dma_start3A_75, %dma_start3A_76] : memref<100000x128xf32, #tpu.memory_space<hbm>> -> memref<100000x128xf32, #tpu.memory_space<hbm>>
    %dma_start3A_78 = tpu.memref_slice %arg7[%dma_start3A_68] : memref<8x!tpu.dma_semaphore, #tpu.memory_space<semaphore_mem>> -> memref<1x!tpu.dma_semaphore, #tpu.memory_space<semaphore_mem>>
    %dma_start3A_79 = tpu.memref_squeeze %dma_start3A_78 : memref<1x!tpu.dma_semaphore, #tpu.memory_space<semaphore_mem>> -> memref<!tpu.dma_semaphore, #tpu.memory_space<semaphore_mem>>
    tpu.enqueue_indirect_dma source(%dma_start3A_77 : memref<100000x128xf32, #tpu.memory_space<hbm>>) target(%dma_start3A_71 : memref<64x128xf32, #tpu.memory_space<vmem>>) offsets(%dma_start3A_74 : memref<64xi32, #tpu.memory_space<vmem>>) semaphore(%dma_start3A_79 : memref<!tpu.dma_semaphore, #tpu.memory_space<semaphore_mem>>)
    %dma_start3A_80 = arith.constant 6 : i32
    %dma_start3A_81 = arith.constant 6 : i32
    %dma_start3A_82 = arith.constant 384 : i32
    %dma_start3A_83 = arith.constant 0 : i32
    %dma_start3A_84 = tpu.memref_slice %arg6[%dma_start3A_82, %dma_start3A_83] : memref<512x128xf32, #tpu.memory_space<vmem>> -> memref<64x128xf32, #tpu.memory_space<vmem>>
    %dma_start3A_85 = arith.constant 0 : i32
    %dma_start3A_86 = tpu.memref_slice %arg5[%dma_start3A_80, %dma_start3A_85] : memref<8x64xi32, #tpu.memory_space<vmem>> -> memref<1x64xi32, #tpu.memory_space<vmem>>
    %dma_start3A_87 = tpu.memref_squeeze %dma_start3A_86 : memref<1x64xi32, #tpu.memory_space<vmem>> -> memref<64xi32, #tpu.memory_space<vmem>>
    %dma_start3A_88 = arith.constant 0 : i32
    %dma_start3A_89 = arith.constant 0 : i32
    %dma_start3A_90 = tpu.memref_slice %arg2[%dma_start3A_88, %dma_start3A_89] : memref<100000x128xf32, #tpu.memory_space<hbm>> -> memref<100000x128xf32, #tpu.memory_space<hbm>>
    %dma_start3A_91 = tpu.memref_slice %arg7[%dma_start3A_81] : memref<8x!tpu.dma_semaphore, #tpu.memory_space<semaphore_mem>> -> memref<1x!tpu.dma_semaphore, #tpu.memory_space<semaphore_mem>>
    %dma_start3A_92 = tpu.memref_squeeze %dma_start3A_91 : memref<1x!tpu.dma_semaphore, #tpu.memory_space<semaphore_mem>> -> memref<!tpu.dma_semaphore, #tpu.memory_space<semaphore_mem>>
    tpu.enqueue_indirect_dma source(%dma_start3A_90 : memref<100000x128xf32, #tpu.memory_space<hbm>>) target(%dma_start3A_84 : memref<64x128xf32, #tpu.memory_space<vmem>>) offsets(%dma_start3A_87 : memref<64xi32, #tpu.memory_space<vmem>>) semaphore(%dma_start3A_92 : memref<!tpu.dma_semaphore, #tpu.memory_space<semaphore_mem>>)
    %dma_start3A_93 = arith.constant 7 : i32
    %dma_start3A_94 = arith.constant 7 : i32
    %dma_start3A_95 = arith.constant 448 : i32
    %dma_start3A_96 = arith.constant 0 : i32
    %dma_start3A_97 = tpu.memref_slice %arg6[%dma_start3A_95, %dma_start3A_96] : memref<512x128xf32, #tpu.memory_space<vmem>> -> memref<64x128xf32, #tpu.memory_space<vmem>>
    %dma_start3A_98 = arith.constant 0 : i32
    %dma_start3A_99 = tpu.memref_slice %arg5[%dma_start3A_93, %dma_start3A_98] : memref<8x64xi32, #tpu.memory_space<vmem>> -> memref<1x64xi32, #tpu.memory_space<vmem>>
    %dma_start3A_100 = tpu.memref_squeeze %dma_start3A_99 : memref<1x64xi32, #tpu.memory_space<vmem>> -> memref<64xi32, #tpu.memory_space<vmem>>
    %dma_start3A_101 = arith.constant 0 : i32
    %dma_start3A_102 = arith.constant 0 : i32
    %dma_start3A_103 = tpu.memref_slice %arg2[%dma_start3A_101, %dma_start3A_102] : memref<100000x128xf32, #tpu.memory_space<hbm>> -> memref<100000x128xf32, #tpu.memory_space<hbm>>
    %dma_start3A_104 = tpu.memref_slice %arg7[%dma_start3A_94] : memref<8x!tpu.dma_semaphore, #tpu.memory_space<semaphore_mem>> -> memref<1x!tpu.dma_semaphore, #tpu.memory_space<semaphore_mem>>
    %dma_start3A_105 = tpu.memref_squeeze %dma_start3A_104 : memref<1x!tpu.dma_semaphore, #tpu.memory_space<semaphore_mem>> -> memref<!tpu.dma_semaphore, #tpu.memory_space<semaphore_mem>>
    tpu.enqueue_indirect_dma source(%dma_start3A_103 : memref<100000x128xf32, #tpu.memory_space<hbm>>) target(%dma_start3A_97 : memref<64x128xf32, #tpu.memory_space<vmem>>) offsets(%dma_start3A_100 : memref<64xi32, #tpu.memory_space<vmem>>) semaphore(%dma_start3A_105 : memref<!tpu.dma_semaphore, #tpu.memory_space<semaphore_mem>>)
    %dma_wait3A = arith.constant 0 : i32
    %dma_wait3A_106 = arith.constant 0 : i32
    %dma_wait3A_107 = arith.constant 0 : i32
    %dma_wait3A_108 = arith.constant 0 : i32
    %dma_wait3A_109 = tpu.memref_slice %arg6[%dma_wait3A_107, %dma_wait3A_108] : memref<512x128xf32, #tpu.memory_space<vmem>> -> memref<64x128xf32, #tpu.memory_space<vmem>>
    %dma_wait3A_110 = arith.constant 0 : i32
    %dma_wait3A_111 = tpu.memref_slice %arg5[%dma_wait3A, %dma_wait3A_110] : memref<8x64xi32, #tpu.memory_space<vmem>> -> memref<1x64xi32, #tpu.memory_space<vmem>>
    %dma_wait3A_112 = tpu.memref_squeeze %dma_wait3A_111 : memref<1x64xi32, #tpu.memory_space<vmem>> -> memref<64xi32, #tpu.memory_space<vmem>>
    %dma_wait3A_113 = arith.constant 0 : i32
    %dma_wait3A_114 = arith.constant 0 : i32
    %dma_wait3A_115 = tpu.memref_slice %arg2[%dma_wait3A_113, %dma_wait3A_114] : memref<100000x128xf32, #tpu.memory_space<hbm>> -> memref<100000x128xf32, #tpu.memory_space<hbm>>
    %dma_wait3A_116 = tpu.memref_slice %arg7[%dma_wait3A_106] : memref<8x!tpu.dma_semaphore, #tpu.memory_space<semaphore_mem>> -> memref<1x!tpu.dma_semaphore, #tpu.memory_space<semaphore_mem>>
    %dma_wait3A_117 = tpu.memref_squeeze %dma_wait3A_116 : memref<1x!tpu.dma_semaphore, #tpu.memory_space<semaphore_mem>> -> memref<!tpu.dma_semaphore, #tpu.memory_space<semaphore_mem>>
    tpu.wait_indirect_dma semaphore(%dma_wait3A_117 : memref<!tpu.dma_semaphore, #tpu.memory_space<semaphore_mem>>) src(%dma_wait3A_115 : memref<100000x128xf32, #tpu.memory_space<hbm>>) dst(%dma_wait3A_109 : memref<64x128xf32, #tpu.memory_space<vmem>>)
    %parallel_loop3A = arith.constant 0 : i32
    %parallel_loop3A_118 = arith.constant 64 : i32
    %parallel_loop3A_119 = arith.constant 1 : i32
    scf.for %parallel_loop3A_363 = %parallel_loop3A to %parallel_loop3A_118 step %parallel_loop3A_119  : i32 {
      %parallel_loop3A_364 = arith.index_cast %parallel_loop3A_363 : i32 to index
      %parallel_loop3A_365 = arith.constant 0 : index
      %parallel_loop3A_366 = tpu.vector_load %arg6[%parallel_loop3A_364, %parallel_loop3A_365] {strides = array<i32>} : memref<512x128xf32, #tpu.memory_space<vmem>>, vector<1x16xf32>,
      %parallel_loop3A_367 = vector.shape_cast %parallel_loop3A_366 : vector<1x16xf32> to vector<16xf32>
      %parallel_loop3A_368 = arith.constant 0.000000e+00 : f32
      %parallel_loop3A_369 = vector.broadcast %parallel_loop3A_368 : f32 to vector<16xf32>
      %parallel_loop3A_370 = arith.subf %parallel_loop3A_369, %parallel_loop3A_367 : vector<16xf32>
      %parallel_loop3A_371 = math.exp %parallel_loop3A_370 : vector<16xf32>
      %parallel_loop3A_372 = arith.constant 1.000000e+00 : f32
      %parallel_loop3A_373 = vector.broadcast %parallel_loop3A_372 : f32 to vector<16xf32>
      %parallel_loop3A_374 = arith.addf %parallel_loop3A_373, %parallel_loop3A_371 : vector<16xf32>
      %parallel_loop3A_375 = arith.constant 1.000000e+00 : f32
      %parallel_loop3A_376 = vector.broadcast %parallel_loop3A_375 : f32 to vector<16xf32>
      %parallel_loop3A_377 = arith.divf %parallel_loop3A_376, %parallel_loop3A_374 : vector<16xf32>
      %parallel_loop3A_378 = arith.index_cast %parallel_loop3A_363 : i32 to index
      %parallel_loop3A_379 = arith.constant 0 : index
      %parallel_loop3A_380 = tpu.vector_load %arg6[%parallel_loop3A_378, %parallel_loop3A_379] {strides = array<i32>} : memref<512x128xf32, #tpu.memory_space<vmem>>, vector<1x16xf32>,
      %parallel_loop3A_381 = vector.shape_cast %parallel_loop3A_380 : vector<1x16xf32> to vector<16xf32>
      %parallel_loop3A_382 = vector.shape_cast %parallel_loop3A_377 : vector<16xf32> to vector<1x16xf32>
      tpu.vector_store %arg6[%parallel_loop3A_378, %parallel_loop3A_379], %parallel_loop3A_382 {strides = array<i32>} : memref<512x128xf32, #tpu.memory_space<vmem>>, vector<1x16xf32>,
      %parallel_loop3A_383 = arith.index_cast %parallel_loop3A_363 : i32 to index
      %parallel_loop3A_384 = arith.constant 16 : index
      %parallel_loop3A_385 = tpu.vector_load %arg6[%parallel_loop3A_383, %parallel_loop3A_384] {strides = array<i32>} : memref<512x128xf32, #tpu.memory_space<vmem>>, vector<1x16xf32>,
      %parallel_loop3A_386 = vector.shape_cast %parallel_loop3A_385 : vector<1x16xf32> to vector<16xf32>
      %parallel_loop3A_387 = arith.constant 0.000000e+00 : f32
      %parallel_loop3A_388 = vector.broadcast %parallel_loop3A_387 : f32 to vector<16xf32>
      %parallel_loop3A_389 = arith.subf %parallel_loop3A_388, %parallel_loop3A_386 : vector<16xf32>
      %parallel_loop3A_390 = math.exp %parallel_loop3A_389 : vector<16xf32>
      %parallel_loop3A_391 = arith.constant 1.000000e+00 : f32
      %parallel_loop3A_392 = vector.broadcast %parallel_loop3A_391 : f32 to vector<16xf32>
      %parallel_loop3A_393 = arith.addf %parallel_loop3A_392, %parallel_loop3A_390 : vector<16xf32>
      %parallel_loop3A_394 = arith.constant 1.000000e+00 : f32
      %parallel_loop3A_395 = vector.broadcast %parallel_loop3A_394 : f32 to vector<16xf32>
      %parallel_loop3A_396 = arith.divf %parallel_loop3A_395, %parallel_loop3A_393 : vector<16xf32>
      %parallel_loop3A_397 = arith.index_cast %parallel_loop3A_363 : i32 to index
      %parallel_loop3A_398 = arith.constant 16 : index
      %parallel_loop3A_399 = tpu.vector_load %arg6[%parallel_loop3A_397, %parallel_loop3A_398] {strides = array<i32>} : memref<512x128xf32, #tpu.memory_space<vmem>>, vector<1x16xf32>,
      %parallel_loop3A_400 = vector.shape_cast %parallel_loop3A_399 : vector<1x16xf32> to vector<16xf32>
      %parallel_loop3A_401 = vector.shape_cast %parallel_loop3A_396 : vector<16xf32> to vector<1x16xf32>
      tpu.vector_store %arg6[%parallel_loop3A_397, %parallel_loop3A_398], %parallel_loop3A_401 {strides = array<i32>} : memref<512x128xf32, #tpu.memory_space<vmem>>, vector<1x16xf32>,
      %parallel_loop3A_402 = arith.index_cast %parallel_loop3A_363 : i32 to index
      %parallel_loop3A_403 = arith.constant 32 : index
      %parallel_loop3A_404 = tpu.vector_load %arg6[%parallel_loop3A_402, %parallel_loop3A_403] {strides = array<i32>} : memref<512x128xf32, #tpu.memory_space<vmem>>, vector<1x16xf32>,
      %parallel_loop3A_405 = vector.shape_cast %parallel_loop3A_404 : vector<1x16xf32> to vector<16xf32>
      %parallel_loop3A_406 = arith.constant 0.000000e+00 : f32
      %parallel_loop3A_407 = vector.broadcast %parallel_loop3A_406 : f32 to vector<16xf32>
      %parallel_loop3A_408 = arith.subf %parallel_loop3A_407, %parallel_loop3A_405 : vector<16xf32>
      %parallel_loop3A_409 = math.exp %parallel_loop3A_408 : vector<16xf32>
      %parallel_loop3A_410 = arith.constant 1.000000e+00 : f32
      %parallel_loop3A_411 = vector.broadcast %parallel_loop3A_410 : f32 to vector<16xf32>
      %parallel_loop3A_412 = arith.addf %parallel_loop3A_411, %parallel_loop3A_409 : vector<16xf32>
      %parallel_loop3A_413 = arith.constant 1.000000e+00 : f32
      %parallel_loop3A_414 = vector.broadcast %parallel_loop3A_413 : f32 to vector<16xf32>
      %parallel_loop3A_415 = arith.divf %parallel_loop3A_414, %parallel_loop3A_412 : vector<16xf32>
      %parallel_loop3A_416 = arith.index_cast %parallel_loop3A_363 : i32 to index
      %parallel_loop3A_417 = arith.constant 32 : index
      %parallel_loop3A_418 = tpu.vector_load %arg6[%parallel_loop3A_416, %parallel_loop3A_417] {strides = array<i32>} : memref<512x128xf32, #tpu.memory_space<vmem>>, vector<1x16xf32>,
      %parallel_loop3A_419 = vector.shape_cast %parallel_loop3A_418 : vector<1x16xf32> to vector<16xf32>
      %parallel_loop3A_420 = vector.shape_cast %parallel_loop3A_415 : vector<16xf32> to vector<1x16xf32>
      tpu.vector_store %arg6[%parallel_loop3A_416, %parallel_loop3A_417], %parallel_loop3A_420 {strides = array<i32>} : memref<512x128xf32, #tpu.memory_space<vmem>>, vector<1x16xf32>,
      %parallel_loop3A_421 = arith.index_cast %parallel_loop3A_363 : i32 to index
      %parallel_loop3A_422 = arith.constant 48 : index
      %parallel_loop3A_423 = tpu.vector_load %arg6[%parallel_loop3A_421, %parallel_loop3A_422] {strides = array<i32>} : memref<512x128xf32, #tpu.memory_space<vmem>>, vector<1x16xf32>,
      %parallel_loop3A_424 = vector.shape_cast %parallel_loop3A_423 : vector<1x16xf32> to vector<16xf32>
      %parallel_loop3A_425 = arith.constant 0.000000e+00 : f32
      %parallel_loop3A_426 = vector.broadcast %parallel_loop3A_425 : f32 to vector<16xf32>
      %parallel_loop3A_427 = arith.subf %parallel_loop3A_426, %parallel_loop3A_424 : vector<16xf32>
      %parallel_loop3A_428 = math.exp %parallel_loop3A_427 : vector<16xf32>
      %parallel_loop3A_429 = arith.constant 1.000000e+00 : f32
      %parallel_loop3A_430 = vector.broadcast %parallel_loop3A_429 : f32 to vector<16xf32>
      %parallel_loop3A_431 = arith.addf %parallel_loop3A_430, %parallel_loop3A_428 : vector<16xf32>
      %parallel_loop3A_432 = arith.constant 1.000000e+00 : f32
      %parallel_loop3A_433 = vector.broadcast %parallel_loop3A_432 : f32 to vector<16xf32>
      %parallel_loop3A_434 = arith.divf %parallel_loop3A_433, %parallel_loop3A_431 : vector<16xf32>
      %parallel_loop3A_435 = arith.index_cast %parallel_loop3A_363 : i32 to index
      %parallel_loop3A_436 = arith.constant 48 : index
      %parallel_loop3A_437 = tpu.vector_load %arg6[%parallel_loop3A_435, %parallel_loop3A_436] {strides = array<i32>} : memref<512x128xf32, #tpu.memory_space<vmem>>, vector<1x16xf32>,
      %parallel_loop3A_438 = vector.shape_cast %parallel_loop3A_437 : vector<1x16xf32> to vector<16xf32>
      %parallel_loop3A_439 = vector.shape_cast %parallel_loop3A_434 : vector<16xf32> to vector<1x16xf32>
      tpu.vector_store %arg6[%parallel_loop3A_435, %parallel_loop3A_436], %parallel_loop3A_439 {strides = array<i32>} : memref<512x128xf32, #tpu.memory_space<vmem>>, vector<1x16xf32>,
      %parallel_loop3A_440 = arith.index_cast %parallel_loop3A_363 : i32 to index
      %parallel_loop3A_441 = arith.constant 64 : index
      %parallel_loop3A_442 = tpu.vector_load %arg6[%parallel_loop3A_440, %parallel_loop3A_441] {strides = array<i32>} : memref<512x128xf32, #tpu.memory_space<vmem>>, vector<1x16xf32>,
      %parallel_loop3A_443 = vector.shape_cast %parallel_loop3A_442 : vector<1x16xf32> to vector<16xf32>
      %parallel_loop3A_444 = arith.constant 0.000000e+00 : f32
      %parallel_loop3A_445 = vector.broadcast %parallel_loop3A_444 : f32 to vector<16xf32>
      %parallel_loop3A_446 = arith.subf %parallel_loop3A_445, %parallel_loop3A_443 : vector<16xf32>
      %parallel_loop3A_447 = math.exp %parallel_loop3A_446 : vector<16xf32>
      %parallel_loop3A_448 = arith.constant 1.000000e+00 : f32
      %parallel_loop3A_449 = vector.broadcast %parallel_loop3A_448 : f32 to vector<16xf32>
      %parallel_loop3A_450 = arith.addf %parallel_loop3A_449, %parallel_loop3A_447 : vector<16xf32>
      %parallel_loop3A_451 = arith.constant 1.000000e+00 : f32
      %parallel_loop3A_452 = vector.broadcast %parallel_loop3A_451 : f32 to vector<16xf32>
      %parallel_loop3A_453 = arith.divf %parallel_loop3A_452, %parallel_loop3A_450 : vector<16xf32>
      %parallel_loop3A_454 = arith.index_cast %parallel_loop3A_363 : i32 to index
      %parallel_loop3A_455 = arith.constant 64 : index
      %parallel_loop3A_456 = tpu.vector_load %arg6[%parallel_loop3A_454, %parallel_loop3A_455] {strides = array<i32>} : memref<512x128xf32, #tpu.memory_space<vmem>>, vector<1x16xf32>,
      %parallel_loop3A_457 = vector.shape_cast %parallel_loop3A_456 : vector<1x16xf32> to vector<16xf32>
      %parallel_loop3A_458 = vector.shape_cast %parallel_loop3A_453 : vector<16xf32> to vector<1x16xf32>
      tpu.vector_store %arg6[%parallel_loop3A_454, %parallel_loop3A_455], %parallel_loop3A_458 {strides = array<i32>} : memref<512x128xf32, #tpu.memory_space<vmem>>, vector<1x16xf32>,
      %parallel_loop3A_459 = arith.index_cast %parallel_loop3A_363 : i32 to index
      %parallel_loop3A_460 = arith.constant 80 : index
      %parallel_loop3A_461 = tpu.vector_load %arg6[%parallel_loop3A_459, %parallel_loop3A_460] {strides = array<i32>} : memref<512x128xf32, #tpu.memory_space<vmem>>, vector<1x16xf32>,
      %parallel_loop3A_462 = vector.shape_cast %parallel_loop3A_461 : vector<1x16xf32> to vector<16xf32>
      %parallel_loop3A_463 = arith.constant 0.000000e+00 : f32
      %parallel_loop3A_464 = vector.broadcast %parallel_loop3A_463 : f32 to vector<16xf32>
      %parallel_loop3A_465 = arith.subf %parallel_loop3A_464, %parallel_loop3A_462 : vector<16xf32>
      %parallel_loop3A_466 = math.exp %parallel_loop3A_465 : vector<16xf32>
      %parallel_loop3A_467 = arith.constant 1.000000e+00 : f32
      %parallel_loop3A_468 = vector.broadcast %parallel_loop3A_467 : f32 to vector<16xf32>
      %parallel_loop3A_469 = arith.addf %parallel_loop3A_468, %parallel_loop3A_466 : vector<16xf32>
      %parallel_loop3A_470 = arith.constant 1.000000e+00 : f32
      %parallel_loop3A_471 = vector.broadcast %parallel_loop3A_470 : f32 to vector<16xf32>
      %parallel_loop3A_472 = arith.divf %parallel_loop3A_471, %parallel_loop3A_469 : vector<16xf32>
      %parallel_loop3A_473 = arith.index_cast %parallel_loop3A_363 : i32 to index
      %parallel_loop3A_474 = arith.constant 80 : index
      %parallel_loop3A_475 = tpu.vector_load %arg6[%parallel_loop3A_473, %parallel_loop3A_474] {strides = array<i32>} : memref<512x128xf32, #tpu.memory_space<vmem>>, vector<1x16xf32>,
      %parallel_loop3A_476 = vector.shape_cast %parallel_loop3A_475 : vector<1x16xf32> to vector<16xf32>
      %parallel_loop3A_477 = vector.shape_cast %parallel_loop3A_472 : vector<16xf32> to vector<1x16xf32>
      tpu.vector_store %arg6[%parallel_loop3A_473, %parallel_loop3A_474], %parallel_loop3A_477 {strides = array<i32>} : memref<512x128xf32, #tpu.memory_space<vmem>>, vector<1x16xf32>,
      %parallel_loop3A_478 = arith.index_cast %parallel_loop3A_363 : i32 to index
      %parallel_loop3A_479 = arith.constant 96 : index
      %parallel_loop3A_480 = tpu.vector_load %arg6[%parallel_loop3A_478, %parallel_loop3A_479] {strides = array<i32>} : memref<512x128xf32, #tpu.memory_space<vmem>>, vector<1x16xf32>,
      %parallel_loop3A_481 = vector.shape_cast %parallel_loop3A_480 : vector<1x16xf32> to vector<16xf32>
      %parallel_loop3A_482 = arith.constant 0.000000e+00 : f32
      %parallel_loop3A_483 = vector.broadcast %parallel_loop3A_482 : f32 to vector<16xf32>
      %parallel_loop3A_484 = arith.subf %parallel_loop3A_483, %parallel_loop3A_481 : vector<16xf32>
      %parallel_loop3A_485 = math.exp %parallel_loop3A_484 : vector<16xf32>
      %parallel_loop3A_486 = arith.constant 1.000000e+00 : f32
      %parallel_loop3A_487 = vector.broadcast %parallel_loop3A_486 : f32 to vector<16xf32>
      %parallel_loop3A_488 = arith.addf %parallel_loop3A_487, %parallel_loop3A_485 : vector<16xf32>
      %parallel_loop3A_489 = arith.constant 1.000000e+00 : f32
      %parallel_loop3A_490 = vector.broadcast %parallel_loop3A_489 : f32 to vector<16xf32>
      %parallel_loop3A_491 = arith.divf %parallel_loop3A_490, %parallel_loop3A_488 : vector<16xf32>
      %parallel_loop3A_492 = arith.index_cast %parallel_loop3A_363 : i32 to index
      %parallel_loop3A_493 = arith.constant 96 : index
      %parallel_loop3A_494 = tpu.vector_load %arg6[%parallel_loop3A_492, %parallel_loop3A_493] {strides = array<i32>} : memref<512x128xf32, #tpu.memory_space<vmem>>, vector<1x16xf32>,
      %parallel_loop3A_495 = vector.shape_cast %parallel_loop3A_494 : vector<1x16xf32> to vector<16xf32>
      %parallel_loop3A_496 = vector.shape_cast %parallel_loop3A_491 : vector<16xf32> to vector<1x16xf32>
      tpu.vector_store %arg6[%parallel_loop3A_492, %parallel_loop3A_493], %parallel_loop3A_496 {strides = array<i32>} : memref<512x128xf32, #tpu.memory_space<vmem>>, vector<1x16xf32>,
      %parallel_loop3A_497 = arith.index_cast %parallel_loop3A_363 : i32 to index
      %parallel_loop3A_498 = arith.constant 112 : index
      %parallel_loop3A_499 = tpu.vector_load %arg6[%parallel_loop3A_497, %parallel_loop3A_498] {strides = array<i32>} : memref<512x128xf32, #tpu.memory_space<vmem>>, vector<1x16xf32>,
      %parallel_loop3A_500 = vector.shape_cast %parallel_loop3A_499 : vector<1x16xf32> to vector<16xf32>
      %parallel_loop3A_501 = arith.constant 0.000000e+00 : f32
      %parallel_loop3A_502 = vector.broadcast %parallel_loop3A_501 : f32 to vector<16xf32>
      %parallel_loop3A_503 = arith.subf %parallel_loop3A_502, %parallel_loop3A_500 : vector<16xf32>
      %parallel_loop3A_504 = math.exp %parallel_loop3A_503 : vector<16xf32>
      %parallel_loop3A_505 = arith.constant 1.000000e+00 : f32
      %parallel_loop3A_506 = vector.broadcast %parallel_loop3A_505 : f32 to vector<16xf32>
      %parallel_loop3A_507 = arith.addf %parallel_loop3A_506, %parallel_loop3A_504 : vector<16xf32>
      %parallel_loop3A_508 = arith.constant 1.000000e+00 : f32
      %parallel_loop3A_509 = vector.broadcast %parallel_loop3A_508 : f32 to vector<16xf32>
      %parallel_loop3A_510 = arith.divf %parallel_loop3A_509, %parallel_loop3A_507 : vector<16xf32>
      %parallel_loop3A_511 = arith.index_cast %parallel_loop3A_363 : i32 to index
      %parallel_loop3A_512 = arith.constant 112 : index
      %parallel_loop3A_513 = tpu.vector_load %arg6[%parallel_loop3A_511, %parallel_loop3A_512] {strides = array<i32>} : memref<512x128xf32, #tpu.memory_space<vmem>>, vector<1x16xf32>,
      %parallel_loop3A_514 = vector.shape_cast %parallel_loop3A_513 : vector<1x16xf32> to vector<16xf32>
      %parallel_loop3A_515 = vector.shape_cast %parallel_loop3A_510 : vector<16xf32> to vector<1x16xf32>
      tpu.vector_store %arg6[%parallel_loop3A_511, %parallel_loop3A_512], %parallel_loop3A_515 {strides = array<i32>} : memref<512x128xf32, #tpu.memory_space<vmem>>, vector<1x16xf32>,
    } {sc.loop_unroll_factor = 2 : i64, sc.parallel_access}
    %add3A_120 = arith.constant 0 : i32
    %add3A_121 = arith.addi %mul3A_2, %add3A_120 : i32
    %dma_start3A_122 = arith.constant 0 : i32
    %dma_start3A_123 = arith.constant 0 : i32
    %dma_start3A_124 = arith.constant 0 : i32
    %dma_start3A_125 = tpu.memref_slice %arg6[%dma_start3A_123, %dma_start3A_124] : memref<512x128xf32, #tpu.memory_space<vmem>> -> memref<64x128xf32, #tpu.memory_space<vmem>>
    %dma_start3A_126 = arith.constant 0 : i32
    %dma_start3A_127 = tpu.memref_slice %arg4[%add3A_121, %dma_start3A_126] : memref<16384x128xf32, #tpu.memory_space<hbm>> -> memref<64x128xf32, #tpu.memory_space<hbm>>
    %dma_start3A_128 = tpu.memref_slice %arg8[%dma_start3A_122] : memref<5x!tpu.dma_semaphore, #tpu.memory_space<semaphore_mem>> -> memref<1x!tpu.dma_semaphore, #tpu.memory_space<semaphore_mem>>
    %dma_start3A_129 = tpu.memref_squeeze %dma_start3A_128 : memref<1x!tpu.dma_semaphore, #tpu.memory_space<semaphore_mem>> -> memref<!tpu.dma_semaphore, #tpu.memory_space<semaphore_mem>>
    %dma_start3A_130 = arith.constant 0 : i32
    %dma_start3A_131 = tpu.memref_slice %arg4[%add3A_121, %dma_start3A_130] : memref<16384x128xf32, #tpu.memory_space<hbm>> -> memref<64x128xf32, #tpu.memory_space<hbm>>
    %dma_start3A_132 = arith.constant 0 : i32
    %dma_start3A_133 = arith.constant 0 : i32
    %dma_start3A_134 = tpu.memref_slice %arg6[%dma_start3A_132, %dma_start3A_133] : memref<512x128xf32, #tpu.memory_space<vmem>> -> memref<64x128xf32, #tpu.memory_space<vmem>>
    tpu.enqueue_dma source(%dma_start3A_134 : memref<64x128xf32, #tpu.memory_space<vmem>>) target(%dma_start3A_131 : memref<64x128xf32, #tpu.memory_space<hbm>>) target_semaphore(%dma_start3A_129 : memref<!tpu.dma_semaphore, #tpu.memory_space<semaphore_mem>>)
    %dma_wait3A_135 = arith.constant 1 : i32
    %dma_wait3A_136 = arith.constant 1 : i32
    %dma_wait3A_137 = arith.constant 64 : i32
    %dma_wait3A_138 = arith.constant 0 : i32
    %dma_wait3A_139 = tpu.memref_slice %arg6[%dma_wait3A_137, %dma_wait3A_138] : memref<512x128xf32, #tpu.memory_space<vmem>> -> memref<64x128xf32, #tpu.memory_space<vmem>>
    %dma_wait3A_140 = arith.constant 0 : i32
    %dma_wait3A_141 = tpu.memref_slice %arg5[%dma_wait3A_135, %dma_wait3A_140] : memref<8x64xi32, #tpu.memory_space<vmem>> -> memref<1x64xi32, #tpu.memory_space<vmem>>
    %dma_wait3A_142 = tpu.memref_squeeze %dma_wait3A_141 : memref<1x64xi32, #tpu.memory_space<vmem>> -> memref<64xi32, #tpu.memory_space<vmem>>
    %dma_wait3A_143 = arith.constant 0 : i32
    %dma_wait3A_144 = arith.constant 0 : i32
    %dma_wait3A_145 = tpu.memref_slice %arg2[%dma_wait3A_143, %dma_wait3A_144] : memref<100000x128xf32, #tpu.memory_space<hbm>> -> memref<100000x128xf32, #tpu.memory_space<hbm>>
    %dma_wait3A_146 = tpu.memref_slice %arg7[%dma_wait3A_136] : memref<8x!tpu.dma_semaphore, #tpu.memory_space<semaphore_mem>> -> memref<1x!tpu.dma_semaphore, #tpu.memory_space<semaphore_mem>>
    %dma_wait3A_147 = tpu.memref_squeeze %dma_wait3A_146 : memref<1x!tpu.dma_semaphore, #tpu.memory_space<semaphore_mem>> -> memref<!tpu.dma_semaphore, #tpu.memory_space<semaphore_mem>>
    tpu.wait_indirect_dma semaphore(%dma_wait3A_147 : memref<!tpu.dma_semaphore, #tpu.memory_space<semaphore_mem>>) src(%dma_wait3A_145 : memref<100000x128xf32, #tpu.memory_space<hbm>>) dst(%dma_wait3A_139 : memref<64x128xf32, #tpu.memory_space<vmem>>)
    %dma_wait3A_148 = arith.constant 2 : i32
    %dma_wait3A_149 = arith.constant 2 : i32
    %dma_wait3A_150 = arith.constant 128 : i32
    %dma_wait3A_151 = arith.constant 0 : i32
    %dma_wait3A_152 = tpu.memref_slice %arg6[%dma_wait3A_150, %dma_wait3A_151] : memref<512x128xf32, #tpu.memory_space<vmem>> -> memref<64x128xf32, #tpu.memory_space<vmem>>
    %dma_wait3A_153 = arith.constant 0 : i32
    %dma_wait3A_154 = tpu.memref_slice %arg5[%dma_wait3A_148, %dma_wait3A_153] : memref<8x64xi32, #tpu.memory_space<vmem>> -> memref<1x64xi32, #tpu.memory_space<vmem>>
    %dma_wait3A_155 = tpu.memref_squeeze %dma_wait3A_154 : memref<1x64xi32, #tpu.memory_space<vmem>> -> memref<64xi32, #tpu.memory_space<vmem>>
    %dma_wait3A_156 = arith.constant 0 : i32
    %dma_wait3A_157 = arith.constant 0 : i32
    %dma_wait3A_158 = tpu.memref_slice %arg2[%dma_wait3A_156, %dma_wait3A_157] : memref<100000x128xf32, #tpu.memory_space<hbm>> -> memref<100000x128xf32, #tpu.memory_space<hbm>>
    %dma_wait3A_159 = tpu.memref_slice %arg7[%dma_wait3A_149] : memref<8x!tpu.dma_semaphore, #tpu.memory_space<semaphore_mem>> -> memref<1x!tpu.dma_semaphore, #tpu.memory_space<semaphore_mem>>
    %dma_wait3A_160 = tpu.memref_squeeze %dma_wait3A_159 : memref<1x!tpu.dma_semaphore, #tpu.memory_space<semaphore_mem>> -> memref<!tpu.dma_semaphore, #tpu.memory_space<semaphore_mem>>
    tpu.wait_indirect_dma semaphore(%dma_wait3A_160 : memref<!tpu.dma_semaphore, #tpu.memory_space<semaphore_mem>>) src(%dma_wait3A_158 : memref<100000x128xf32, #tpu.memory_space<hbm>>) dst(%dma_wait3A_152 : memref<64x128xf32, #tpu.memory_space<vmem>>)
    %parallel_loop3A_161 = arith.constant 64 : i32
    %parallel_loop3A_162 = arith.constant 192 : i32
    %parallel_loop3A_163 = arith.constant 1 : i32
    scf.for %parallel_loop3A_363 = %parallel_loop3A_161 to %parallel_loop3A_162 step %parallel_loop3A_163  : i32 {
      %parallel_loop3A_364 = arith.index_cast %parallel_loop3A_363 : i32 to index
      %parallel_loop3A_365 = arith.constant 0 : index
      %parallel_loop3A_366 = tpu.vector_load %arg6[%parallel_loop3A_364, %parallel_loop3A_365] {strides = array<i32>} : memref<512x128xf32, #tpu.memory_space<vmem>>, vector<1x16xf32>,
      %parallel_loop3A_367 = vector.shape_cast %parallel_loop3A_366 : vector<1x16xf32> to vector<16xf32>
      %parallel_loop3A_368 = arith.constant 0.000000e+00 : f32
      %parallel_loop3A_369 = vector.broadcast %parallel_loop3A_368 : f32 to vector<16xf32>
      %parallel_loop3A_370 = arith.subf %parallel_loop3A_369, %parallel_loop3A_367 : vector<16xf32>
      %parallel_loop3A_371 = math.exp %parallel_loop3A_370 : vector<16xf32>
      %parallel_loop3A_372 = arith.constant 1.000000e+00 : f32
      %parallel_loop3A_373 = vector.broadcast %parallel_loop3A_372 : f32 to vector<16xf32>
      %parallel_loop3A_374 = arith.addf %parallel_loop3A_373, %parallel_loop3A_371 : vector<16xf32>
      %parallel_loop3A_375 = arith.constant 1.000000e+00 : f32
      %parallel_loop3A_376 = vector.broadcast %parallel_loop3A_375 : f32 to vector<16xf32>
      %parallel_loop3A_377 = arith.divf %parallel_loop3A_376, %parallel_loop3A_374 : vector<16xf32>
      %parallel_loop3A_378 = arith.index_cast %parallel_loop3A_363 : i32 to index
      %parallel_loop3A_379 = arith.constant 0 : index
      %parallel_loop3A_380 = tpu.vector_load %arg6[%parallel_loop3A_378, %parallel_loop3A_379] {strides = array<i32>} : memref<512x128xf32, #tpu.memory_space<vmem>>, vector<1x16xf32>,
      %parallel_loop3A_381 = vector.shape_cast %parallel_loop3A_380 : vector<1x16xf32> to vector<16xf32>
      %parallel_loop3A_382 = vector.shape_cast %parallel_loop3A_377 : vector<16xf32> to vector<1x16xf32>
      tpu.vector_store %arg6[%parallel_loop3A_378, %parallel_loop3A_379], %parallel_loop3A_382 {strides = array<i32>} : memref<512x128xf32, #tpu.memory_space<vmem>>, vector<1x16xf32>,
      %parallel_loop3A_383 = arith.index_cast %parallel_loop3A_363 : i32 to index
      %parallel_loop3A_384 = arith.constant 16 : index
      %parallel_loop3A_385 = tpu.vector_load %arg6[%parallel_loop3A_383, %parallel_loop3A_384] {strides = array<i32>} : memref<512x128xf32, #tpu.memory_space<vmem>>, vector<1x16xf32>,
      %parallel_loop3A_386 = vector.shape_cast %parallel_loop3A_385 : vector<1x16xf32> to vector<16xf32>
      %parallel_loop3A_387 = arith.constant 0.000000e+00 : f32
      %parallel_loop3A_388 = vector.broadcast %parallel_loop3A_387 : f32 to vector<16xf32>
      %parallel_loop3A_389 = arith.subf %parallel_loop3A_388, %parallel_loop3A_386 : vector<16xf32>
      %parallel_loop3A_390 = math.exp %parallel_loop3A_389 : vector<16xf32>
      %parallel_loop3A_391 = arith.constant 1.000000e+00 : f32
      %parallel_loop3A_392 = vector.broadcast %parallel_loop3A_391 : f32 to vector<16xf32>
      %parallel_loop3A_393 = arith.addf %parallel_loop3A_392, %parallel_loop3A_390 : vector<16xf32>
      %parallel_loop3A_394 = arith.constant 1.000000e+00 : f32
      %parallel_loop3A_395 = vector.broadcast %parallel_loop3A_394 : f32 to vector<16xf32>
      %parallel_loop3A_396 = arith.divf %parallel_loop3A_395, %parallel_loop3A_393 : vector<16xf32>
      %parallel_loop3A_397 = arith.index_cast %parallel_loop3A_363 : i32 to index
      %parallel_loop3A_398 = arith.constant 16 : index
      %parallel_loop3A_399 = tpu.vector_load %arg6[%parallel_loop3A_397, %parallel_loop3A_398] {strides = array<i32>} : memref<512x128xf32, #tpu.memory_space<vmem>>, vector<1x16xf32>,
      %parallel_loop3A_400 = vector.shape_cast %parallel_loop3A_399 : vector<1x16xf32> to vector<16xf32>
      %parallel_loop3A_401 = vector.shape_cast %parallel_loop3A_396 : vector<16xf32> to vector<1x16xf32>
      tpu.vector_store %arg6[%parallel_loop3A_397, %parallel_loop3A_398], %parallel_loop3A_401 {strides = array<i32>} : memref<512x128xf32, #tpu.memory_space<vmem>>, vector<1x16xf32>,
      %parallel_loop3A_402 = arith.index_cast %parallel_loop3A_363 : i32 to index
      %parallel_loop3A_403 = arith.constant 32 : index
      %parallel_loop3A_404 = tpu.vector_load %arg6[%parallel_loop3A_402, %parallel_loop3A_403] {strides = array<i32>} : memref<512x128xf32, #tpu.memory_space<vmem>>, vector<1x16xf32>,
      %parallel_loop3A_405 = vector.shape_cast %parallel_loop3A_404 : vector<1x16xf32> to vector<16xf32>
      %parallel_loop3A_406 = arith.constant 0.000000e+00 : f32
      %parallel_loop3A_407 = vector.broadcast %parallel_loop3A_406 : f32 to vector<16xf32>
      %parallel_loop3A_408 = arith.subf %parallel_loop3A_407, %parallel_loop3A_405 : vector<16xf32>
      %parallel_loop3A_409 = math.exp %parallel_loop3A_408 : vector<16xf32>
      %parallel_loop3A_410 = arith.constant 1.000000e+00 : f32
      %parallel_loop3A_411 = vector.broadcast %parallel_loop3A_410 : f32 to vector<16xf32>
      %parallel_loop3A_412 = arith.addf %parallel_loop3A_411, %parallel_loop3A_409 : vector<16xf32>
      %parallel_loop3A_413 = arith.constant 1.000000e+00 : f32
      %parallel_loop3A_414 = vector.broadcast %parallel_loop3A_413 : f32 to vector<16xf32>
      %parallel_loop3A_415 = arith.divf %parallel_loop3A_414, %parallel_loop3A_412 : vector<16xf32>
      %parallel_loop3A_416 = arith.index_cast %parallel_loop3A_363 : i32 to index
      %parallel_loop3A_417 = arith.constant 32 : index
      %parallel_loop3A_418 = tpu.vector_load %arg6[%parallel_loop3A_416, %parallel_loop3A_417] {strides = array<i32>} : memref<512x128xf32, #tpu.memory_space<vmem>>, vector<1x16xf32>,
      %parallel_loop3A_419 = vector.shape_cast %parallel_loop3A_418 : vector<1x16xf32> to vector<16xf32>
      %parallel_loop3A_420 = vector.shape_cast %parallel_loop3A_415 : vector<16xf32> to vector<1x16xf32>
      tpu.vector_store %arg6[%parallel_loop3A_416, %parallel_loop3A_417], %parallel_loop3A_420 {strides = array<i32>} : memref<512x128xf32, #tpu.memory_space<vmem>>, vector<1x16xf32>,
      %parallel_loop3A_421 = arith.index_cast %parallel_loop3A_363 : i32 to index
      %parallel_loop3A_422 = arith.constant 48 : index
      %parallel_loop3A_423 = tpu.vector_load %arg6[%parallel_loop3A_421, %parallel_loop3A_422] {strides = array<i32>} : memref<512x128xf32, #tpu.memory_space<vmem>>, vector<1x16xf32>,
      %parallel_loop3A_424 = vector.shape_cast %parallel_loop3A_423 : vector<1x16xf32> to vector<16xf32>
      %parallel_loop3A_425 = arith.constant 0.000000e+00 : f32
      %parallel_loop3A_426 = vector.broadcast %parallel_loop3A_425 : f32 to vector<16xf32>
      %parallel_loop3A_427 = arith.subf %parallel_loop3A_426, %parallel_loop3A_424 : vector<16xf32>
      %parallel_loop3A_428 = math.exp %parallel_loop3A_427 : vector<16xf32>
      %parallel_loop3A_429 = arith.constant 1.000000e+00 : f32
      %parallel_loop3A_430 = vector.broadcast %parallel_loop3A_429 : f32 to vector<16xf32>
      %parallel_loop3A_431 = arith.addf %parallel_loop3A_430, %parallel_loop3A_428 : vector<16xf32>
      %parallel_loop3A_432 = arith.constant 1.000000e+00 : f32
      %parallel_loop3A_433 = vector.broadcast %parallel_loop3A_432 : f32 to vector<16xf32>
      %parallel_loop3A_434 = arith.divf %parallel_loop3A_433, %parallel_loop3A_431 : vector<16xf32>
      %parallel_loop3A_435 = arith.index_cast %parallel_loop3A_363 : i32 to index
      %parallel_loop3A_436 = arith.constant 48 : index
      %parallel_loop3A_437 = tpu.vector_load %arg6[%parallel_loop3A_435, %parallel_loop3A_436] {strides = array<i32>} : memref<512x128xf32, #tpu.memory_space<vmem>>, vector<1x16xf32>,
      %parallel_loop3A_438 = vector.shape_cast %parallel_loop3A_437 : vector<1x16xf32> to vector<16xf32>
      %parallel_loop3A_439 = vector.shape_cast %parallel_loop3A_434 : vector<16xf32> to vector<1x16xf32>
      tpu.vector_store %arg6[%parallel_loop3A_435, %parallel_loop3A_436], %parallel_loop3A_439 {strides = array<i32>} : memref<512x128xf32, #tpu.memory_space<vmem>>, vector<1x16xf32>,
      %parallel_loop3A_440 = arith.index_cast %parallel_loop3A_363 : i32 to index
      %parallel_loop3A_441 = arith.constant 64 : index
      %parallel_loop3A_442 = tpu.vector_load %arg6[%parallel_loop3A_440, %parallel_loop3A_441] {strides = array<i32>} : memref<512x128xf32, #tpu.memory_space<vmem>>, vector<1x16xf32>,
      %parallel_loop3A_443 = vector.shape_cast %parallel_loop3A_442 : vector<1x16xf32> to vector<16xf32>
      %parallel_loop3A_444 = arith.constant 0.000000e+00 : f32
      %parallel_loop3A_445 = vector.broadcast %parallel_loop3A_444 : f32 to vector<16xf32>
      %parallel_loop3A_446 = arith.subf %parallel_loop3A_445, %parallel_loop3A_443 : vector<16xf32>
      %parallel_loop3A_447 = math.exp %parallel_loop3A_446 : vector<16xf32>
      %parallel_loop3A_448 = arith.constant 1.000000e+00 : f32
      %parallel_loop3A_449 = vector.broadcast %parallel_loop3A_448 : f32 to vector<16xf32>
      %parallel_loop3A_450 = arith.addf %parallel_loop3A_449, %parallel_loop3A_447 : vector<16xf32>
      %parallel_loop3A_451 = arith.constant 1.000000e+00 : f32
      %parallel_loop3A_452 = vector.broadcast %parallel_loop3A_451 : f32 to vector<16xf32>
      %parallel_loop3A_453 = arith.divf %parallel_loop3A_452, %parallel_loop3A_450 : vector<16xf32>
      %parallel_loop3A_454 = arith.index_cast %parallel_loop3A_363 : i32 to index
      %parallel_loop3A_455 = arith.constant 64 : index
      %parallel_loop3A_456 = tpu.vector_load %arg6[%parallel_loop3A_454, %parallel_loop3A_455] {strides = array<i32>} : memref<512x128xf32, #tpu.memory_space<vmem>>, vector<1x16xf32>,
      %parallel_loop3A_457 = vector.shape_cast %parallel_loop3A_456 : vector<1x16xf32> to vector<16xf32>
      %parallel_loop3A_458 = vector.shape_cast %parallel_loop3A_453 : vector<16xf32> to vector<1x16xf32>
      tpu.vector_store %arg6[%parallel_loop3A_454, %parallel_loop3A_455], %parallel_loop3A_458 {strides = array<i32>} : memref<512x128xf32, #tpu.memory_space<vmem>>, vector<1x16xf32>,
      %parallel_loop3A_459 = arith.index_cast %parallel_loop3A_363 : i32 to index
      %parallel_loop3A_460 = arith.constant 80 : index
      %parallel_loop3A_461 = tpu.vector_load %arg6[%parallel_loop3A_459, %parallel_loop3A_460] {strides = array<i32>} : memref<512x128xf32, #tpu.memory_space<vmem>>, vector<1x16xf32>,
      %parallel_loop3A_462 = vector.shape_cast %parallel_loop3A_461 : vector<1x16xf32> to vector<16xf32>
      %parallel_loop3A_463 = arith.constant 0.000000e+00 : f32
      %parallel_loop3A_464 = vector.broadcast %parallel_loop3A_463 : f32 to vector<16xf32>
      %parallel_loop3A_465 = arith.subf %parallel_loop3A_464, %parallel_loop3A_462 : vector<16xf32>
      %parallel_loop3A_466 = math.exp %parallel_loop3A_465 : vector<16xf32>
      %parallel_loop3A_467 = arith.constant 1.000000e+00 : f32
      %parallel_loop3A_468 = vector.broadcast %parallel_loop3A_467 : f32 to vector<16xf32>
      %parallel_loop3A_469 = arith.addf %parallel_loop3A_468, %parallel_loop3A_466 : vector<16xf32>
      %parallel_loop3A_470 = arith.constant 1.000000e+00 : f32
      %parallel_loop3A_471 = vector.broadcast %parallel_loop3A_470 : f32 to vector<16xf32>
      %parallel_loop3A_472 = arith.divf %parallel_loop3A_471, %parallel_loop3A_469 : vector<16xf32>
      %parallel_loop3A_473 = arith.index_cast %parallel_loop3A_363 : i32 to index
      %parallel_loop3A_474 = arith.constant 80 : index
      %parallel_loop3A_475 = tpu.vector_load %arg6[%parallel_loop3A_473, %parallel_loop3A_474] {strides = array<i32>} : memref<512x128xf32, #tpu.memory_space<vmem>>, vector<1x16xf32>,
      %parallel_loop3A_476 = vector.shape_cast %parallel_loop3A_475 : vector<1x16xf32> to vector<16xf32>
      %parallel_loop3A_477 = vector.shape_cast %parallel_loop3A_472 : vector<16xf32> to vector<1x16xf32>
      tpu.vector_store %arg6[%parallel_loop3A_473, %parallel_loop3A_474], %parallel_loop3A_477 {strides = array<i32>} : memref<512x128xf32, #tpu.memory_space<vmem>>, vector<1x16xf32>,
      %parallel_loop3A_478 = arith.index_cast %parallel_loop3A_363 : i32 to index
      %parallel_loop3A_479 = arith.constant 96 : index
      %parallel_loop3A_480 = tpu.vector_load %arg6[%parallel_loop3A_478, %parallel_loop3A_479] {strides = array<i32>} : memref<512x128xf32, #tpu.memory_space<vmem>>, vector<1x16xf32>,
      %parallel_loop3A_481 = vector.shape_cast %parallel_loop3A_480 : vector<1x16xf32> to vector<16xf32>
      %parallel_loop3A_482 = arith.constant 0.000000e+00 : f32
      %parallel_loop3A_483 = vector.broadcast %parallel_loop3A_482 : f32 to vector<16xf32>
      %parallel_loop3A_484 = arith.subf %parallel_loop3A_483, %parallel_loop3A_481 : vector<16xf32>
      %parallel_loop3A_485 = math.exp %parallel_loop3A_484 : vector<16xf32>
      %parallel_loop3A_486 = arith.constant 1.000000e+00 : f32
      %parallel_loop3A_487 = vector.broadcast %parallel_loop3A_486 : f32 to vector<16xf32>
      %parallel_loop3A_488 = arith.addf %parallel_loop3A_487, %parallel_loop3A_485 : vector<16xf32>
      %parallel_loop3A_489 = arith.constant 1.000000e+00 : f32
      %parallel_loop3A_490 = vector.broadcast %parallel_loop3A_489 : f32 to vector<16xf32>
      %parallel_loop3A_491 = arith.divf %parallel_loop3A_490, %parallel_loop3A_488 : vector<16xf32>
      %parallel_loop3A_492 = arith.index_cast %parallel_loop3A_363 : i32 to index
      %parallel_loop3A_493 = arith.constant 96 : index
      %parallel_loop3A_494 = tpu.vector_load %arg6[%parallel_loop3A_492, %parallel_loop3A_493] {strides = array<i32>} : memref<512x128xf32, #tpu.memory_space<vmem>>, vector<1x16xf32>,
      %parallel_loop3A_495 = vector.shape_cast %parallel_loop3A_494 : vector<1x16xf32> to vector<16xf32>
      %parallel_loop3A_496 = vector.shape_cast %parallel_loop3A_491 : vector<16xf32> to vector<1x16xf32>
      tpu.vector_store %arg6[%parallel_loop3A_492, %parallel_loop3A_493], %parallel_loop3A_496 {strides = array<i32>} : memref<512x128xf32, #tpu.memory_space<vmem>>, vector<1x16xf32>,
      %parallel_loop3A_497 = arith.index_cast %parallel_loop3A_363 : i32 to index
      %parallel_loop3A_498 = arith.constant 112 : index
      %parallel_loop3A_499 = tpu.vector_load %arg6[%parallel_loop3A_497, %parallel_loop3A_498] {strides = array<i32>} : memref<512x128xf32, #tpu.memory_space<vmem>>, vector<1x16xf32>,
      %parallel_loop3A_500 = vector.shape_cast %parallel_loop3A_499 : vector<1x16xf32> to vector<16xf32>
      %parallel_loop3A_501 = arith.constant 0.000000e+00 : f32
      %parallel_loop3A_502 = vector.broadcast %parallel_loop3A_501 : f32 to vector<16xf32>
      %parallel_loop3A_503 = arith.subf %parallel_loop3A_502, %parallel_loop3A_500 : vector<16xf32>
      %parallel_loop3A_504 = math.exp %parallel_loop3A_503 : vector<16xf32>
      %parallel_loop3A_505 = arith.constant 1.000000e+00 : f32
      %parallel_loop3A_506 = vector.broadcast %parallel_loop3A_505 : f32 to vector<16xf32>
      %parallel_loop3A_507 = arith.addf %parallel_loop3A_506, %parallel_loop3A_504 : vector<16xf32>
      %parallel_loop3A_508 = arith.constant 1.000000e+00 : f32
      %parallel_loop3A_509 = vector.broadcast %parallel_loop3A_508 : f32 to vector<16xf32>
      %parallel_loop3A_510 = arith.divf %parallel_loop3A_509, %parallel_loop3A_507 : vector<16xf32>
      %parallel_loop3A_511 = arith.index_cast %parallel_loop3A_363 : i32 to index
      %parallel_loop3A_512 = arith.constant 112 : index
      %parallel_loop3A_513 = tpu.vector_load %arg6[%parallel_loop3A_511, %parallel_loop3A_512] {strides = array<i32>} : memref<512x128xf32, #tpu.memory_space<vmem>>, vector<1x16xf32>,
      %parallel_loop3A_514 = vector.shape_cast %parallel_loop3A_513 : vector<1x16xf32> to vector<16xf32>
      %parallel_loop3A_515 = vector.shape_cast %parallel_loop3A_510 : vector<16xf32> to vector<1x16xf32>
      tpu.vector_store %arg6[%parallel_loop3A_511, %parallel_loop3A_512], %parallel_loop3A_515 {strides = array<i32>} : memref<512x128xf32, #tpu.memory_space<vmem>>, vector<1x16xf32>,
    } {sc.loop_unroll_factor = 2 : i64, sc.parallel_access}
    %add3A_164 = arith.constant 64 : i32
    %add3A_165 = arith.addi %mul3A_2, %add3A_164 : i32
    %dma_start3A_166 = arith.constant 1 : i32
    %dma_start3A_167 = arith.constant 64 : i32
    %dma_start3A_168 = arith.constant 0 : i32
    %dma_start3A_169 = tpu.memref_slice %arg6[%dma_start3A_167, %dma_start3A_168] : memref<512x128xf32, #tpu.memory_space<vmem>> -> memref<128x128xf32, #tpu.memory_space<vmem>>
    %dma_start3A_170 = arith.constant 0 : i32
    %dma_start3A_171 = tpu.memref_slice %arg4[%add3A_165, %dma_start3A_170] : memref<16384x128xf32, #tpu.memory_space<hbm>> -> memref<128x128xf32, #tpu.memory_space<hbm>>
    %dma_start3A_172 = tpu.memref_slice %arg8[%dma_start3A_166] : memref<5x!tpu.dma_semaphore, #tpu.memory_space<semaphore_mem>> -> memref<1x!tpu.dma_semaphore, #tpu.memory_space<semaphore_mem>>
    %dma_start3A_173 = tpu.memref_squeeze %dma_start3A_172 : memref<1x!tpu.dma_semaphore, #tpu.memory_space<semaphore_mem>> -> memref<!tpu.dma_semaphore, #tpu.memory_space<semaphore_mem>>
    %dma_start3A_174 = arith.constant 0 : i32
    %dma_start3A_175 = tpu.memref_slice %arg4[%add3A_165, %dma_start3A_174] : memref<16384x128xf32, #tpu.memory_space<hbm>> -> memref<128x128xf32, #tpu.memory_space<hbm>>
    %dma_start3A_176 = arith.constant 64 : i32
    %dma_start3A_177 = arith.constant 0 : i32
    %dma_start3A_178 = tpu.memref_slice %arg6[%dma_start3A_176, %dma_start3A_177] : memref<512x128xf32, #tpu.memory_space<vmem>> -> memref<128x128xf32, #tpu.memory_space<vmem>>
    tpu.enqueue_dma source(%dma_start3A_178 : memref<128x128xf32, #tpu.memory_space<vmem>>) target(%dma_start3A_175 : memref<128x128xf32, #tpu.memory_space<hbm>>) target_semaphore(%dma_start3A_173 : memref<!tpu.dma_semaphore, #tpu.memory_space<semaphore_mem>>)
    %dma_wait3A_179 = arith.constant 3 : i32
    %dma_wait3A_180 = arith.constant 3 : i32
    %dma_wait3A_181 = arith.constant 192 : i32
    %dma_wait3A_182 = arith.constant 0 : i32
    %dma_wait3A_183 = tpu.memref_slice %arg6[%dma_wait3A_181, %dma_wait3A_182] : memref<512x128xf32, #tpu.memory_space<vmem>> -> memref<64x128xf32, #tpu.memory_space<vmem>>
    %dma_wait3A_184 = arith.constant 0 : i32
    %dma_wait3A_185 = tpu.memref_slice %arg5[%dma_wait3A_179, %dma_wait3A_184] : memref<8x64xi32, #tpu.memory_space<vmem>> -> memref<1x64xi32, #tpu.memory_space<vmem>>
    %dma_wait3A_186 = tpu.memref_squeeze %dma_wait3A_185 : memref<1x64xi32, #tpu.memory_space<vmem>> -> memref<64xi32, #tpu.memory_space<vmem>>
    %dma_wait3A_187 = arith.constant 0 : i32
    %dma_wait3A_188 = arith.constant 0 : i32
    %dma_wait3A_189 = tpu.memref_slice %arg2[%dma_wait3A_187, %dma_wait3A_188] : memref<100000x128xf32, #tpu.memory_space<hbm>> -> memref<100000x128xf32, #tpu.memory_space<hbm>>
    %dma_wait3A_190 = tpu.memref_slice %arg7[%dma_wait3A_180] : memref<8x!tpu.dma_semaphore, #tpu.memory_space<semaphore_mem>> -> memref<1x!tpu.dma_semaphore, #tpu.memory_space<semaphore_mem>>
    %dma_wait3A_191 = tpu.memref_squeeze %dma_wait3A_190 : memref<1x!tpu.dma_semaphore, #tpu.memory_space<semaphore_mem>> -> memref<!tpu.dma_semaphore, #tpu.memory_space<semaphore_mem>>
    tpu.wait_indirect_dma semaphore(%dma_wait3A_191 : memref<!tpu.dma_semaphore, #tpu.memory_space<semaphore_mem>>) src(%dma_wait3A_189 : memref<100000x128xf32, #tpu.memory_space<hbm>>) dst(%dma_wait3A_183 : memref<64x128xf32, #tpu.memory_space<vmem>>)
    %dma_wait3A_192 = arith.constant 4 : i32
    %dma_wait3A_193 = arith.constant 4 : i32
    %dma_wait3A_194 = arith.constant 256 : i32
    %dma_wait3A_195 = arith.constant 0 : i32
    %dma_wait3A_196 = tpu.memref_slice %arg6[%dma_wait3A_194, %dma_wait3A_195] : memref<512x128xf32, #tpu.memory_space<vmem>> -> memref<64x128xf32, #tpu.memory_space<vmem>>
    %dma_wait3A_197 = arith.constant 0 : i32
    %dma_wait3A_198 = tpu.memref_slice %arg5[%dma_wait3A_192, %dma_wait3A_197] : memref<8x64xi32, #tpu.memory_space<vmem>> -> memref<1x64xi32, #tpu.memory_space<vmem>>
    %dma_wait3A_199 = tpu.memref_squeeze %dma_wait3A_198 : memref<1x64xi32, #tpu.memory_space<vmem>> -> memref<64xi32, #tpu.memory_space<vmem>>
    %dma_wait3A_200 = arith.constant 0 : i32
    %dma_wait3A_201 = arith.constant 0 : i32
    %dma_wait3A_202 = tpu.memref_slice %arg2[%dma_wait3A_200, %dma_wait3A_201] : memref<100000x128xf32, #tpu.memory_space<hbm>> -> memref<100000x128xf32, #tpu.memory_space<hbm>>
    %dma_wait3A_203 = tpu.memref_slice %arg7[%dma_wait3A_193] : memref<8x!tpu.dma_semaphore, #tpu.memory_space<semaphore_mem>> -> memref<1x!tpu.dma_semaphore, #tpu.memory_space<semaphore_mem>>
    %dma_wait3A_204 = tpu.memref_squeeze %dma_wait3A_203 : memref<1x!tpu.dma_semaphore, #tpu.memory_space<semaphore_mem>> -> memref<!tpu.dma_semaphore, #tpu.memory_space<semaphore_mem>>
    tpu.wait_indirect_dma semaphore(%dma_wait3A_204 : memref<!tpu.dma_semaphore, #tpu.memory_space<semaphore_mem>>) src(%dma_wait3A_202 : memref<100000x128xf32, #tpu.memory_space<hbm>>) dst(%dma_wait3A_196 : memref<64x128xf32, #tpu.memory_space<vmem>>)
    %parallel_loop3A_205 = arith.constant 192 : i32
    %parallel_loop3A_206 = arith.constant 320 : i32
    %parallel_loop3A_207 = arith.constant 1 : i32
    scf.for %parallel_loop3A_363 = %parallel_loop3A_205 to %parallel_loop3A_206 step %parallel_loop3A_207  : i32 {
      %parallel_loop3A_364 = arith.index_cast %parallel_loop3A_363 : i32 to index
      %parallel_loop3A_365 = arith.constant 0 : index
      %parallel_loop3A_366 = tpu.vector_load %arg6[%parallel_loop3A_364, %parallel_loop3A_365] {strides = array<i32>} : memref<512x128xf32, #tpu.memory_space<vmem>>, vector<1x16xf32>,
      %parallel_loop3A_367 = vector.shape_cast %parallel_loop3A_366 : vector<1x16xf32> to vector<16xf32>
      %parallel_loop3A_368 = arith.constant 0.000000e+00 : f32
      %parallel_loop3A_369 = vector.broadcast %parallel_loop3A_368 : f32 to vector<16xf32>
      %parallel_loop3A_370 = arith.subf %parallel_loop3A_369, %parallel_loop3A_367 : vector<16xf32>
      %parallel_loop3A_371 = math.exp %parallel_loop3A_370 : vector<16xf32>
      %parallel_loop3A_372 = arith.constant 1.000000e+00 : f32
      %parallel_loop3A_373 = vector.broadcast %parallel_loop3A_372 : f32 to vector<16xf32>
      %parallel_loop3A_374 = arith.addf %parallel_loop3A_373, %parallel_loop3A_371 : vector<16xf32>
      %parallel_loop3A_375 = arith.constant 1.000000e+00 : f32
      %parallel_loop3A_376 = vector.broadcast %parallel_loop3A_375 : f32 to vector<16xf32>
      %parallel_loop3A_377 = arith.divf %parallel_loop3A_376, %parallel_loop3A_374 : vector<16xf32>
      %parallel_loop3A_378 = arith.index_cast %parallel_loop3A_363 : i32 to index
      %parallel_loop3A_379 = arith.constant 0 : index
      %parallel_loop3A_380 = tpu.vector_load %arg6[%parallel_loop3A_378, %parallel_loop3A_379] {strides = array<i32>} : memref<512x128xf32, #tpu.memory_space<vmem>>, vector<1x16xf32>,
      %parallel_loop3A_381 = vector.shape_cast %parallel_loop3A_380 : vector<1x16xf32> to vector<16xf32>
      %parallel_loop3A_382 = vector.shape_cast %parallel_loop3A_377 : vector<16xf32> to vector<1x16xf32>
      tpu.vector_store %arg6[%parallel_loop3A_378, %parallel_loop3A_379], %parallel_loop3A_382 {strides = array<i32>} : memref<512x128xf32, #tpu.memory_space<vmem>>, vector<1x16xf32>,
      %parallel_loop3A_383 = arith.index_cast %parallel_loop3A_363 : i32 to index
      %parallel_loop3A_384 = arith.constant 16 : index
      %parallel_loop3A_385 = tpu.vector_load %arg6[%parallel_loop3A_383, %parallel_loop3A_384] {strides = array<i32>} : memref<512x128xf32, #tpu.memory_space<vmem>>, vector<1x16xf32>,
      %parallel_loop3A_386 = vector.shape_cast %parallel_loop3A_385 : vector<1x16xf32> to vector<16xf32>
      %parallel_loop3A_387 = arith.constant 0.000000e+00 : f32
      %parallel_loop3A_388 = vector.broadcast %parallel_loop3A_387 : f32 to vector<16xf32>
      %parallel_loop3A_389 = arith.subf %parallel_loop3A_388, %parallel_loop3A_386 : vector<16xf32>
      %parallel_loop3A_390 = math.exp %parallel_loop3A_389 : vector<16xf32>
      %parallel_loop3A_391 = arith.constant 1.000000e+00 : f32
      %parallel_loop3A_392 = vector.broadcast %parallel_loop3A_391 : f32 to vector<16xf32>
      %parallel_loop3A_393 = arith.addf %parallel_loop3A_392, %parallel_loop3A_390 : vector<16xf32>
      %parallel_loop3A_394 = arith.constant 1.000000e+00 : f32
      %parallel_loop3A_395 = vector.broadcast %parallel_loop3A_394 : f32 to vector<16xf32>
      %parallel_loop3A_396 = arith.divf %parallel_loop3A_395, %parallel_loop3A_393 : vector<16xf32>
      %parallel_loop3A_397 = arith.index_cast %parallel_loop3A_363 : i32 to index
      %parallel_loop3A_398 = arith.constant 16 : index
      %parallel_loop3A_399 = tpu.vector_load %arg6[%parallel_loop3A_397, %parallel_loop3A_398] {strides = array<i32>} : memref<512x128xf32, #tpu.memory_space<vmem>>, vector<1x16xf32>,
      %parallel_loop3A_400 = vector.shape_cast %parallel_loop3A_399 : vector<1x16xf32> to vector<16xf32>
      %parallel_loop3A_401 = vector.shape_cast %parallel_loop3A_396 : vector<16xf32> to vector<1x16xf32>
      tpu.vector_store %arg6[%parallel_loop3A_397, %parallel_loop3A_398], %parallel_loop3A_401 {strides = array<i32>} : memref<512x128xf32, #tpu.memory_space<vmem>>, vector<1x16xf32>,
      %parallel_loop3A_402 = arith.index_cast %parallel_loop3A_363 : i32 to index
      %parallel_loop3A_403 = arith.constant 32 : index
      %parallel_loop3A_404 = tpu.vector_load %arg6[%parallel_loop3A_402, %parallel_loop3A_403] {strides = array<i32>} : memref<512x128xf32, #tpu.memory_space<vmem>>, vector<1x16xf32>,
      %parallel_loop3A_405 = vector.shape_cast %parallel_loop3A_404 : vector<1x16xf32> to vector<16xf32>
      %parallel_loop3A_406 = arith.constant 0.000000e+00 : f32
      %parallel_loop3A_407 = vector.broadcast %parallel_loop3A_406 : f32 to vector<16xf32>
      %parallel_loop3A_408 = arith.subf %parallel_loop3A_407, %parallel_loop3A_405 : vector<16xf32>
      %parallel_loop3A_409 = math.exp %parallel_loop3A_408 : vector<16xf32>
      %parallel_loop3A_410 = arith.constant 1.000000e+00 : f32
      %parallel_loop3A_411 = vector.broadcast %parallel_loop3A_410 : f32 to vector<16xf32>
      %parallel_loop3A_412 = arith.addf %parallel_loop3A_411, %parallel_loop3A_409 : vector<16xf32>
      %parallel_loop3A_413 = arith.constant 1.000000e+00 : f32
      %parallel_loop3A_414 = vector.broadcast %parallel_loop3A_413 : f32 to vector<16xf32>
      %parallel_loop3A_415 = arith.divf %parallel_loop3A_414, %parallel_loop3A_412 : vector<16xf32>
      %parallel_loop3A_416 = arith.index_cast %parallel_loop3A_363 : i32 to index
      %parallel_loop3A_417 = arith.constant 32 : index
      %parallel_loop3A_418 = tpu.vector_load %arg6[%parallel_loop3A_416, %parallel_loop3A_417] {strides = array<i32>} : memref<512x128xf32, #tpu.memory_space<vmem>>, vector<1x16xf32>,
      %parallel_loop3A_419 = vector.shape_cast %parallel_loop3A_418 : vector<1x16xf32> to vector<16xf32>
      %parallel_loop3A_420 = vector.shape_cast %parallel_loop3A_415 : vector<16xf32> to vector<1x16xf32>
      tpu.vector_store %arg6[%parallel_loop3A_416, %parallel_loop3A_417], %parallel_loop3A_420 {strides = array<i32>} : memref<512x128xf32, #tpu.memory_space<vmem>>, vector<1x16xf32>,
      %parallel_loop3A_421 = arith.index_cast %parallel_loop3A_363 : i32 to index
      %parallel_loop3A_422 = arith.constant 48 : index
      %parallel_loop3A_423 = tpu.vector_load %arg6[%parallel_loop3A_421, %parallel_loop3A_422] {strides = array<i32>} : memref<512x128xf32, #tpu.memory_space<vmem>>, vector<1x16xf32>,
      %parallel_loop3A_424 = vector.shape_cast %parallel_loop3A_423 : vector<1x16xf32> to vector<16xf32>
      %parallel_loop3A_425 = arith.constant 0.000000e+00 : f32
      %parallel_loop3A_426 = vector.broadcast %parallel_loop3A_425 : f32 to vector<16xf32>
      %parallel_loop3A_427 = arith.subf %parallel_loop3A_426, %parallel_loop3A_424 : vector<16xf32>
      %parallel_loop3A_428 = math.exp %parallel_loop3A_427 : vector<16xf32>
      %parallel_loop3A_429 = arith.constant 1.000000e+00 : f32
      %parallel_loop3A_430 = vector.broadcast %parallel_loop3A_429 : f32 to vector<16xf32>
      %parallel_loop3A_431 = arith.addf %parallel_loop3A_430, %parallel_loop3A_428 : vector<16xf32>
      %parallel_loop3A_432 = arith.constant 1.000000e+00 : f32
      %parallel_loop3A_433 = vector.broadcast %parallel_loop3A_432 : f32 to vector<16xf32>
      %parallel_loop3A_434 = arith.divf %parallel_loop3A_433, %parallel_loop3A_431 : vector<16xf32>
      %parallel_loop3A_435 = arith.index_cast %parallel_loop3A_363 : i32 to index
      %parallel_loop3A_436 = arith.constant 48 : index
      %parallel_loop3A_437 = tpu.vector_load %arg6[%parallel_loop3A_435, %parallel_loop3A_436] {strides = array<i32>} : memref<512x128xf32, #tpu.memory_space<vmem>>, vector<1x16xf32>,
      %parallel_loop3A_438 = vector.shape_cast %parallel_loop3A_437 : vector<1x16xf32> to vector<16xf32>
      %parallel_loop3A_439 = vector.shape_cast %parallel_loop3A_434 : vector<16xf32> to vector<1x16xf32>
      tpu.vector_store %arg6[%parallel_loop3A_435, %parallel_loop3A_436], %parallel_loop3A_439 {strides = array<i32>} : memref<512x128xf32, #tpu.memory_space<vmem>>, vector<1x16xf32>,
      %parallel_loop3A_440 = arith.index_cast %parallel_loop3A_363 : i32 to index
      %parallel_loop3A_441 = arith.constant 64 : index
      %parallel_loop3A_442 = tpu.vector_load %arg6[%parallel_loop3A_440, %parallel_loop3A_441] {strides = array<i32>} : memref<512x128xf32, #tpu.memory_space<vmem>>, vector<1x16xf32>,
      %parallel_loop3A_443 = vector.shape_cast %parallel_loop3A_442 : vector<1x16xf32> to vector<16xf32>
      %parallel_loop3A_444 = arith.constant 0.000000e+00 : f32
      %parallel_loop3A_445 = vector.broadcast %parallel_loop3A_444 : f32 to vector<16xf32>
      %parallel_loop3A_446 = arith.subf %parallel_loop3A_445, %parallel_loop3A_443 : vector<16xf32>
      %parallel_loop3A_447 = math.exp %parallel_loop3A_446 : vector<16xf32>
      %parallel_loop3A_448 = arith.constant 1.000000e+00 : f32
      %parallel_loop3A_449 = vector.broadcast %parallel_loop3A_448 : f32 to vector<16xf32>
      %parallel_loop3A_450 = arith.addf %parallel_loop3A_449, %parallel_loop3A_447 : vector<16xf32>
      %parallel_loop3A_451 = arith.constant 1.000000e+00 : f32
      %parallel_loop3A_452 = vector.broadcast %parallel_loop3A_451 : f32 to vector<16xf32>
      %parallel_loop3A_453 = arith.divf %parallel_loop3A_452, %parallel_loop3A_450 : vector<16xf32>
      %parallel_loop3A_454 = arith.index_cast %parallel_loop3A_363 : i32 to index
      %parallel_loop3A_455 = arith.constant 64 : index
      %parallel_loop3A_456 = tpu.vector_load %arg6[%parallel_loop3A_454, %parallel_loop3A_455] {strides = array<i32>} : memref<512x128xf32, #tpu.memory_space<vmem>>, vector<1x16xf32>,
      %parallel_loop3A_457 = vector.shape_cast %parallel_loop3A_456 : vector<1x16xf32> to vector<16xf32>
      %parallel_loop3A_458 = vector.shape_cast %parallel_loop3A_453 : vector<16xf32> to vector<1x16xf32>
      tpu.vector_store %arg6[%parallel_loop3A_454, %parallel_loop3A_455], %parallel_loop3A_458 {strides = array<i32>} : memref<512x128xf32, #tpu.memory_space<vmem>>, vector<1x16xf32>,
      %parallel_loop3A_459 = arith.index_cast %parallel_loop3A_363 : i32 to index
      %parallel_loop3A_460 = arith.constant 80 : index
      %parallel_loop3A_461 = tpu.vector_load %arg6[%parallel_loop3A_459, %parallel_loop3A_460] {strides = array<i32>} : memref<512x128xf32, #tpu.memory_space<vmem>>, vector<1x16xf32>,
      %parallel_loop3A_462 = vector.shape_cast %parallel_loop3A_461 : vector<1x16xf32> to vector<16xf32>
      %parallel_loop3A_463 = arith.constant 0.000000e+00 : f32
      %parallel_loop3A_464 = vector.broadcast %parallel_loop3A_463 : f32 to vector<16xf32>
      %parallel_loop3A_465 = arith.subf %parallel_loop3A_464, %parallel_loop3A_462 : vector<16xf32>
      %parallel_loop3A_466 = math.exp %parallel_loop3A_465 : vector<16xf32>
      %parallel_loop3A_467 = arith.constant 1.000000e+00 : f32
      %parallel_loop3A_468 = vector.broadcast %parallel_loop3A_467 : f32 to vector<16xf32>
      %parallel_loop3A_469 = arith.addf %parallel_loop3A_468, %parallel_loop3A_466 : vector<16xf32>
      %parallel_loop3A_470 = arith.constant 1.000000e+00 : f32
      %parallel_loop3A_471 = vector.broadcast %parallel_loop3A_470 : f32 to vector<16xf32>
      %parallel_loop3A_472 = arith.divf %parallel_loop3A_471, %parallel_loop3A_469 : vector<16xf32>
      %parallel_loop3A_473 = arith.index_cast %parallel_loop3A_363 : i32 to index
      %parallel_loop3A_474 = arith.constant 80 : index
      %parallel_loop3A_475 = tpu.vector_load %arg6[%parallel_loop3A_473, %parallel_loop3A_474] {strides = array<i32>} : memref<512x128xf32, #tpu.memory_space<vmem>>, vector<1x16xf32>,
      %parallel_loop3A_476 = vector.shape_cast %parallel_loop3A_475 : vector<1x16xf32> to vector<16xf32>
      %parallel_loop3A_477 = vector.shape_cast %parallel_loop3A_472 : vector<16xf32> to vector<1x16xf32>
      tpu.vector_store %arg6[%parallel_loop3A_473, %parallel_loop3A_474], %parallel_loop3A_477 {strides = array<i32>} : memref<512x128xf32, #tpu.memory_space<vmem>>, vector<1x16xf32>,
      %parallel_loop3A_478 = arith.index_cast %parallel_loop3A_363 : i32 to index
      %parallel_loop3A_479 = arith.constant 96 : index
      %parallel_loop3A_480 = tpu.vector_load %arg6[%parallel_loop3A_478, %parallel_loop3A_479] {strides = array<i32>} : memref<512x128xf32, #tpu.memory_space<vmem>>, vector<1x16xf32>,
      %parallel_loop3A_481 = vector.shape_cast %parallel_loop3A_480 : vector<1x16xf32> to vector<16xf32>
      %parallel_loop3A_482 = arith.constant 0.000000e+00 : f32
      %parallel_loop3A_483 = vector.broadcast %parallel_loop3A_482 : f32 to vector<16xf32>
      %parallel_loop3A_484 = arith.subf %parallel_loop3A_483, %parallel_loop3A_481 : vector<16xf32>
      %parallel_loop3A_485 = math.exp %parallel_loop3A_484 : vector<16xf32>
      %parallel_loop3A_486 = arith.constant 1.000000e+00 : f32
      %parallel_loop3A_487 = vector.broadcast %parallel_loop3A_486 : f32 to vector<16xf32>
      %parallel_loop3A_488 = arith.addf %parallel_loop3A_487, %parallel_loop3A_485 : vector<16xf32>
      %parallel_loop3A_489 = arith.constant 1.000000e+00 : f32
      %parallel_loop3A_490 = vector.broadcast %parallel_loop3A_489 : f32 to vector<16xf32>
      %parallel_loop3A_491 = arith.divf %parallel_loop3A_490, %parallel_loop3A_488 : vector<16xf32>
      %parallel_loop3A_492 = arith.index_cast %parallel_loop3A_363 : i32 to index
      %parallel_loop3A_493 = arith.constant 96 : index
      %parallel_loop3A_494 = tpu.vector_load %arg6[%parallel_loop3A_492, %parallel_loop3A_493] {strides = array<i32>} : memref<512x128xf32, #tpu.memory_space<vmem>>, vector<1x16xf32>,
      %parallel_loop3A_495 = vector.shape_cast %parallel_loop3A_494 : vector<1x16xf32> to vector<16xf32>
      %parallel_loop3A_496 = vector.shape_cast %parallel_loop3A_491 : vector<16xf32> to vector<1x16xf32>
      tpu.vector_store %arg6[%parallel_loop3A_492, %parallel_loop3A_493], %parallel_loop3A_496 {strides = array<i32>} : memref<512x128xf32, #tpu.memory_space<vmem>>, vector<1x16xf32>,
      %parallel_loop3A_497 = arith.index_cast %parallel_loop3A_363 : i32 to index
      %parallel_loop3A_498 = arith.constant 112 : index
      %parallel_loop3A_499 = tpu.vector_load %arg6[%parallel_loop3A_497, %parallel_loop3A_498] {strides = array<i32>} : memref<512x128xf32, #tpu.memory_space<vmem>>, vector<1x16xf32>,
      %parallel_loop3A_500 = vector.shape_cast %parallel_loop3A_499 : vector<1x16xf32> to vector<16xf32>
      %parallel_loop3A_501 = arith.constant 0.000000e+00 : f32
      %parallel_loop3A_502 = vector.broadcast %parallel_loop3A_501 : f32 to vector<16xf32>
      %parallel_loop3A_503 = arith.subf %parallel_loop3A_502, %parallel_loop3A_500 : vector<16xf32>
      %parallel_loop3A_504 = math.exp %parallel_loop3A_503 : vector<16xf32>
      %parallel_loop3A_505 = arith.constant 1.000000e+00 : f32
      %parallel_loop3A_506 = vector.broadcast %parallel_loop3A_505 : f32 to vector<16xf32>
      %parallel_loop3A_507 = arith.addf %parallel_loop3A_506, %parallel_loop3A_504 : vector<16xf32>
      %parallel_loop3A_508 = arith.constant 1.000000e+00 : f32
      %parallel_loop3A_509 = vector.broadcast %parallel_loop3A_508 : f32 to vector<16xf32>
      %parallel_loop3A_510 = arith.divf %parallel_loop3A_509, %parallel_loop3A_507 : vector<16xf32>
      %parallel_loop3A_511 = arith.index_cast %parallel_loop3A_363 : i32 to index
      %parallel_loop3A_512 = arith.constant 112 : index
      %parallel_loop3A_513 = tpu.vector_load %arg6[%parallel_loop3A_511, %parallel_loop3A_512] {strides = array<i32>} : memref<512x128xf32, #tpu.memory_space<vmem>>, vector<1x16xf32>,
      %parallel_loop3A_514 = vector.shape_cast %parallel_loop3A_513 : vector<1x16xf32> to vector<16xf32>
      %parallel_loop3A_515 = vector.shape_cast %parallel_loop3A_510 : vector<16xf32> to vector<1x16xf32>
      tpu.vector_store %arg6[%parallel_loop3A_511, %parallel_loop3A_512], %parallel_loop3A_515 {strides = array<i32>} : memref<512x128xf32, #tpu.memory_space<vmem>>, vector<1x16xf32>,
    } {sc.loop_unroll_factor = 2 : i64, sc.parallel_access}
    %add3A_208 = arith.constant 192 : i32
    %add3A_209 = arith.addi %mul3A_2, %add3A_208 : i32
    %dma_start3A_210 = arith.constant 2 : i32
    %dma_start3A_211 = arith.constant 192 : i32
    %dma_start3A_212 = arith.constant 0 : i32
    %dma_start3A_213 = tpu.memref_slice %arg6[%dma_start3A_211, %dma_start3A_212] : memref<512x128xf32, #tpu.memory_space<vmem>> -> memref<128x128xf32, #tpu.memory_space<vmem>>
    %dma_start3A_214 = arith.constant 0 : i32
    %dma_start3A_215 = tpu.memref_slice %arg4[%add3A_209, %dma_start3A_214] : memref<16384x128xf32, #tpu.memory_space<hbm>> -> memref<128x128xf32, #tpu.memory_space<hbm>>
    %dma_start3A_216 = tpu.memref_slice %arg8[%dma_start3A_210] : memref<5x!tpu.dma_semaphore, #tpu.memory_space<semaphore_mem>> -> memref<1x!tpu.dma_semaphore, #tpu.memory_space<semaphore_mem>>
    %dma_start3A_217 = tpu.memref_squeeze %dma_start3A_216 : memref<1x!tpu.dma_semaphore, #tpu.memory_space<semaphore_mem>> -> memref<!tpu.dma_semaphore, #tpu.memory_space<semaphore_mem>>
    %dma_start3A_218 = arith.constant 0 : i32
    %dma_start3A_219 = tpu.memref_slice %arg4[%add3A_209, %dma_start3A_218] : memref<16384x128xf32, #tpu.memory_space<hbm>> -> memref<128x128xf32, #tpu.memory_space<hbm>>
    %dma_start3A_220 = arith.constant 192 : i32
    %dma_start3A_221 = arith.constant 0 : i32
    %dma_start3A_222 = tpu.memref_slice %arg6[%dma_start3A_220, %dma_start3A_221] : memref<512x128xf32, #tpu.memory_space<vmem>> -> memref<128x128xf32, #tpu.memory_space<vmem>>
    tpu.enqueue_dma source(%dma_start3A_222 : memref<128x128xf32, #tpu.memory_space<vmem>>) target(%dma_start3A_219 : memref<128x128xf32, #tpu.memory_space<hbm>>) target_semaphore(%dma_start3A_217 : memref<!tpu.dma_semaphore, #tpu.memory_space<semaphore_mem>>)
    %dma_wait3A_223 = arith.constant 5 : i32
    %dma_wait3A_224 = arith.constant 5 : i32
    %dma_wait3A_225 = arith.constant 320 : i32
    %dma_wait3A_226 = arith.constant 0 : i32
    %dma_wait3A_227 = tpu.memref_slice %arg6[%dma_wait3A_225, %dma_wait3A_226] : memref<512x128xf32, #tpu.memory_space<vmem>> -> memref<64x128xf32, #tpu.memory_space<vmem>>
    %dma_wait3A_228 = arith.constant 0 : i32
    %dma_wait3A_229 = tpu.memref_slice %arg5[%dma_wait3A_223, %dma_wait3A_228] : memref<8x64xi32, #tpu.memory_space<vmem>> -> memref<1x64xi32, #tpu.memory_space<vmem>>
    %dma_wait3A_230 = tpu.memref_squeeze %dma_wait3A_229 : memref<1x64xi32, #tpu.memory_space<vmem>> -> memref<64xi32, #tpu.memory_space<vmem>>
    %dma_wait3A_231 = arith.constant 0 : i32
    %dma_wait3A_232 = arith.constant 0 : i32
    %dma_wait3A_233 = tpu.memref_slice %arg2[%dma_wait3A_231, %dma_wait3A_232] : memref<100000x128xf32, #tpu.memory_space<hbm>> -> memref<100000x128xf32, #tpu.memory_space<hbm>>
    %dma_wait3A_234 = tpu.memref_slice %arg7[%dma_wait3A_224] : memref<8x!tpu.dma_semaphore, #tpu.memory_space<semaphore_mem>> -> memref<1x!tpu.dma_semaphore, #tpu.memory_space<semaphore_mem>>
    %dma_wait3A_235 = tpu.memref_squeeze %dma_wait3A_234 : memref<1x!tpu.dma_semaphore, #tpu.memory_space<semaphore_mem>> -> memref<!tpu.dma_semaphore, #tpu.memory_space<semaphore_mem>>
    tpu.wait_indirect_dma semaphore(%dma_wait3A_235 : memref<!tpu.dma_semaphore, #tpu.memory_space<semaphore_mem>>) src(%dma_wait3A_233 : memref<100000x128xf32, #tpu.memory_space<hbm>>) dst(%dma_wait3A_227 : memref<64x128xf32, #tpu.memory_space<vmem>>)
    %dma_wait3A_236 = arith.constant 6 : i32
    %dma_wait3A_237 = arith.constant 6 : i32
    %dma_wait3A_238 = arith.constant 384 : i32
    %dma_wait3A_239 = arith.constant 0 : i32
    %dma_wait3A_240 = tpu.memref_slice %arg6[%dma_wait3A_238, %dma_wait3A_239] : memref<512x128xf32, #tpu.memory_space<vmem>> -> memref<64x128xf32, #tpu.memory_space<vmem>>
    %dma_wait3A_241 = arith.constant 0 : i32
    %dma_wait3A_242 = tpu.memref_slice %arg5[%dma_wait3A_236, %dma_wait3A_241] : memref<8x64xi32, #tpu.memory_space<vmem>> -> memref<1x64xi32, #tpu.memory_space<vmem>>
    %dma_wait3A_243 = tpu.memref_squeeze %dma_wait3A_242 : memref<1x64xi32, #tpu.memory_space<vmem>> -> memref<64xi32, #tpu.memory_space<vmem>>
    %dma_wait3A_244 = arith.constant 0 : i32
    %dma_wait3A_245 = arith.constant 0 : i32
    %dma_wait3A_246 = tpu.memref_slice %arg2[%dma_wait3A_244, %dma_wait3A_245] : memref<100000x128xf32, #tpu.memory_space<hbm>> -> memref<100000x128xf32, #tpu.memory_space<hbm>>
    %dma_wait3A_247 = tpu.memref_slice %arg7[%dma_wait3A_237] : memref<8x!tpu.dma_semaphore, #tpu.memory_space<semaphore_mem>> -> memref<1x!tpu.dma_semaphore, #tpu.memory_space<semaphore_mem>>
    %dma_wait3A_248 = tpu.memref_squeeze %dma_wait3A_247 : memref<1x!tpu.dma_semaphore, #tpu.memory_space<semaphore_mem>> -> memref<!tpu.dma_semaphore, #tpu.memory_space<semaphore_mem>>
    tpu.wait_indirect_dma semaphore(%dma_wait3A_248 : memref<!tpu.dma_semaphore, #tpu.memory_space<semaphore_mem>>) src(%dma_wait3A_246 : memref<100000x128xf32, #tpu.memory_space<hbm>>) dst(%dma_wait3A_240 : memref<64x128xf32, #tpu.memory_space<vmem>>)
    %parallel_loop3A_249 = arith.constant 320 : i32
    %parallel_loop3A_250 = arith.constant 448 : i32
    %parallel_loop3A_251 = arith.constant 1 : i32
    scf.for %parallel_loop3A_363 = %parallel_loop3A_249 to %parallel_loop3A_250 step %parallel_loop3A_251  : i32 {
      %parallel_loop3A_364 = arith.index_cast %parallel_loop3A_363 : i32 to index
      %parallel_loop3A_365 = arith.constant 0 : index
      %parallel_loop3A_366 = tpu.vector_load %arg6[%parallel_loop3A_364, %parallel_loop3A_365] {strides = array<i32>} : memref<512x128xf32, #tpu.memory_space<vmem>>, vector<1x16xf32>,
      %parallel_loop3A_367 = vector.shape_cast %parallel_loop3A_366 : vector<1x16xf32> to vector<16xf32>
      %parallel_loop3A_368 = arith.constant 0.000000e+00 : f32
      %parallel_loop3A_369 = vector.broadcast %parallel_loop3A_368 : f32 to vector<16xf32>
      %parallel_loop3A_370 = arith.subf %parallel_loop3A_369, %parallel_loop3A_367 : vector<16xf32>
      %parallel_loop3A_371 = math.exp %parallel_loop3A_370 : vector<16xf32>
      %parallel_loop3A_372 = arith.constant 1.000000e+00 : f32
      %parallel_loop3A_373 = vector.broadcast %parallel_loop3A_372 : f32 to vector<16xf32>
      %parallel_loop3A_374 = arith.addf %parallel_loop3A_373, %parallel_loop3A_371 : vector<16xf32>
      %parallel_loop3A_375 = arith.constant 1.000000e+00 : f32
      %parallel_loop3A_376 = vector.broadcast %parallel_loop3A_375 : f32 to vector<16xf32>
      %parallel_loop3A_377 = arith.divf %parallel_loop3A_376, %parallel_loop3A_374 : vector<16xf32>
      %parallel_loop3A_378 = arith.index_cast %parallel_loop3A_363 : i32 to index
      %parallel_loop3A_379 = arith.constant 0 : index
      %parallel_loop3A_380 = tpu.vector_load %arg6[%parallel_loop3A_378, %parallel_loop3A_379] {strides = array<i32>} : memref<512x128xf32, #tpu.memory_space<vmem>>, vector<1x16xf32>,
      %parallel_loop3A_381 = vector.shape_cast %parallel_loop3A_380 : vector<1x16xf32> to vector<16xf32>
      %parallel_loop3A_382 = vector.shape_cast %parallel_loop3A_377 : vector<16xf32> to vector<1x16xf32>
      tpu.vector_store %arg6[%parallel_loop3A_378, %parallel_loop3A_379], %parallel_loop3A_382 {strides = array<i32>} : memref<512x128xf32, #tpu.memory_space<vmem>>, vector<1x16xf32>,
      %parallel_loop3A_383 = arith.index_cast %parallel_loop3A_363 : i32 to index
      %parallel_loop3A_384 = arith.constant 16 : index
      %parallel_loop3A_385 = tpu.vector_load %arg6[%parallel_loop3A_383, %parallel_loop3A_384] {strides = array<i32>} : memref<512x128xf32, #tpu.memory_space<vmem>>, vector<1x16xf32>,
      %parallel_loop3A_386 = vector.shape_cast %parallel_loop3A_385 : vector<1x16xf32> to vector<16xf32>
      %parallel_loop3A_387 = arith.constant 0.000000e+00 : f32
      %parallel_loop3A_388 = vector.broadcast %parallel_loop3A_387 : f32 to vector<16xf32>
      %parallel_loop3A_389 = arith.subf %parallel_loop3A_388, %parallel_loop3A_386 : vector<16xf32>
      %parallel_loop3A_390 = math.exp %parallel_loop3A_389 : vector<16xf32>
      %parallel_loop3A_391 = arith.constant 1.000000e+00 : f32
      %parallel_loop3A_392 = vector.broadcast %parallel_loop3A_391 : f32 to vector<16xf32>
      %parallel_loop3A_393 = arith.addf %parallel_loop3A_392, %parallel_loop3A_390 : vector<16xf32>
      %parallel_loop3A_394 = arith.constant 1.000000e+00 : f32
      %parallel_loop3A_395 = vector.broadcast %parallel_loop3A_394 : f32 to vector<16xf32>
      %parallel_loop3A_396 = arith.divf %parallel_loop3A_395, %parallel_loop3A_393 : vector<16xf32>
      %parallel_loop3A_397 = arith.index_cast %parallel_loop3A_363 : i32 to index
      %parallel_loop3A_398 = arith.constant 16 : index
      %parallel_loop3A_399 = tpu.vector_load %arg6[%parallel_loop3A_397, %parallel_loop3A_398] {strides = array<i32>} : memref<512x128xf32, #tpu.memory_space<vmem>>, vector<1x16xf32>,
      %parallel_loop3A_400 = vector.shape_cast %parallel_loop3A_399 : vector<1x16xf32> to vector<16xf32>
      %parallel_loop3A_401 = vector.shape_cast %parallel_loop3A_396 : vector<16xf32> to vector<1x16xf32>
      tpu.vector_store %arg6[%parallel_loop3A_397, %parallel_loop3A_398], %parallel_loop3A_401 {strides = array<i32>} : memref<512x128xf32, #tpu.memory_space<vmem>>, vector<1x16xf32>,
      %parallel_loop3A_402 = arith.index_cast %parallel_loop3A_363 : i32 to index
      %parallel_loop3A_403 = arith.constant 32 : index
      %parallel_loop3A_404 = tpu.vector_load %arg6[%parallel_loop3A_402, %parallel_loop3A_403] {strides = array<i32>} : memref<512x128xf32, #tpu.memory_space<vmem>>, vector<1x16xf32>,
      %parallel_loop3A_405 = vector.shape_cast %parallel_loop3A_404 : vector<1x16xf32> to vector<16xf32>
      %parallel_loop3A_406 = arith.constant 0.000000e+00 : f32
      %parallel_loop3A_407 = vector.broadcast %parallel_loop3A_406 : f32 to vector<16xf32>
      %parallel_loop3A_408 = arith.subf %parallel_loop3A_407, %parallel_loop3A_405 : vector<16xf32>
      %parallel_loop3A_409 = math.exp %parallel_loop3A_408 : vector<16xf32>
      %parallel_loop3A_410 = arith.constant 1.000000e+00 : f32
      %parallel_loop3A_411 = vector.broadcast %parallel_loop3A_410 : f32 to vector<16xf32>
      %parallel_loop3A_412 = arith.addf %parallel_loop3A_411, %parallel_loop3A_409 : vector<16xf32>
      %parallel_loop3A_413 = arith.constant 1.000000e+00 : f32
      %parallel_loop3A_414 = vector.broadcast %parallel_loop3A_413 : f32 to vector<16xf32>
      %parallel_loop3A_415 = arith.divf %parallel_loop3A_414, %parallel_loop3A_412 : vector<16xf32>
      %parallel_loop3A_416 = arith.index_cast %parallel_loop3A_363 : i32 to index
      %parallel_loop3A_417 = arith.constant 32 : index
      %parallel_loop3A_418 = tpu.vector_load %arg6[%parallel_loop3A_416, %parallel_loop3A_417] {strides = array<i32>} : memref<512x128xf32, #tpu.memory_space<vmem>>, vector<1x16xf32>,
      %parallel_loop3A_419 = vector.shape_cast %parallel_loop3A_418 : vector<1x16xf32> to vector<16xf32>
      %parallel_loop3A_420 = vector.shape_cast %parallel_loop3A_415 : vector<16xf32> to vector<1x16xf32>
      tpu.vector_store %arg6[%parallel_loop3A_416, %parallel_loop3A_417], %parallel_loop3A_420 {strides = array<i32>} : memref<512x128xf32, #tpu.memory_space<vmem>>, vector<1x16xf32>,
      %parallel_loop3A_421 = arith.index_cast %parallel_loop3A_363 : i32 to index
      %parallel_loop3A_422 = arith.constant 48 : index
      %parallel_loop3A_423 = tpu.vector_load %arg6[%parallel_loop3A_421, %parallel_loop3A_422] {strides = array<i32>} : memref<512x128xf32, #tpu.memory_space<vmem>>, vector<1x16xf32>,
      %parallel_loop3A_424 = vector.shape_cast %parallel_loop3A_423 : vector<1x16xf32> to vector<16xf32>
      %parallel_loop3A_425 = arith.constant 0.000000e+00 : f32
      %parallel_loop3A_426 = vector.broadcast %parallel_loop3A_425 : f32 to vector<16xf32>
      %parallel_loop3A_427 = arith.subf %parallel_loop3A_426, %parallel_loop3A_424 : vector<16xf32>
      %parallel_loop3A_428 = math.exp %parallel_loop3A_427 : vector<16xf32>
      %parallel_loop3A_429 = arith.constant 1.000000e+00 : f32
      %parallel_loop3A_430 = vector.broadcast %parallel_loop3A_429 : f32 to vector<16xf32>
      %parallel_loop3A_431 = arith.addf %parallel_loop3A_430, %parallel_loop3A_428 : vector<16xf32>
      %parallel_loop3A_432 = arith.constant 1.000000e+00 : f32
      %parallel_loop3A_433 = vector.broadcast %parallel_loop3A_432 : f32 to vector<16xf32>
      %parallel_loop3A_434 = arith.divf %parallel_loop3A_433, %parallel_loop3A_431 : vector<16xf32>
      %parallel_loop3A_435 = arith.index_cast %parallel_loop3A_363 : i32 to index
      %parallel_loop3A_436 = arith.constant 48 : index
      %parallel_loop3A_437 = tpu.vector_load %arg6[%parallel_loop3A_435, %parallel_loop3A_436] {strides = array<i32>} : memref<512x128xf32, #tpu.memory_space<vmem>>, vector<1x16xf32>,
      %parallel_loop3A_438 = vector.shape_cast %parallel_loop3A_437 : vector<1x16xf32> to vector<16xf32>
      %parallel_loop3A_439 = vector.shape_cast %parallel_loop3A_434 : vector<16xf32> to vector<1x16xf32>
      tpu.vector_store %arg6[%parallel_loop3A_435, %parallel_loop3A_436], %parallel_loop3A_439 {strides = array<i32>} : memref<512x128xf32, #tpu.memory_space<vmem>>, vector<1x16xf32>,
      %parallel_loop3A_440 = arith.index_cast %parallel_loop3A_363 : i32 to index
      %parallel_loop3A_441 = arith.constant 64 : index
      %parallel_loop3A_442 = tpu.vector_load %arg6[%parallel_loop3A_440, %parallel_loop3A_441] {strides = array<i32>} : memref<512x128xf32, #tpu.memory_space<vmem>>, vector<1x16xf32>,
      %parallel_loop3A_443 = vector.shape_cast %parallel_loop3A_442 : vector<1x16xf32> to vector<16xf32>
      %parallel_loop3A_444 = arith.constant 0.000000e+00 : f32
      %parallel_loop3A_445 = vector.broadcast %parallel_loop3A_444 : f32 to vector<16xf32>
      %parallel_loop3A_446 = arith.subf %parallel_loop3A_445, %parallel_loop3A_443 : vector<16xf32>
      %parallel_loop3A_447 = math.exp %parallel_loop3A_446 : vector<16xf32>
      %parallel_loop3A_448 = arith.constant 1.000000e+00 : f32
      %parallel_loop3A_449 = vector.broadcast %parallel_loop3A_448 : f32 to vector<16xf32>
      %parallel_loop3A_450 = arith.addf %parallel_loop3A_449, %parallel_loop3A_447 : vector<16xf32>
      %parallel_loop3A_451 = arith.constant 1.000000e+00 : f32
      %parallel_loop3A_452 = vector.broadcast %parallel_loop3A_451 : f32 to vector<16xf32>
      %parallel_loop3A_453 = arith.divf %parallel_loop3A_452, %parallel_loop3A_450 : vector<16xf32>
      %parallel_loop3A_454 = arith.index_cast %parallel_loop3A_363 : i32 to index
      %parallel_loop3A_455 = arith.constant 64 : index
      %parallel_loop3A_456 = tpu.vector_load %arg6[%parallel_loop3A_454, %parallel_loop3A_455] {strides = array<i32>} : memref<512x128xf32, #tpu.memory_space<vmem>>, vector<1x16xf32>,
      %parallel_loop3A_457 = vector.shape_cast %parallel_loop3A_456 : vector<1x16xf32> to vector<16xf32>
      %parallel_loop3A_458 = vector.shape_cast %parallel_loop3A_453 : vector<16xf32> to vector<1x16xf32>
      tpu.vector_store %arg6[%parallel_loop3A_454, %parallel_loop3A_455], %parallel_loop3A_458 {strides = array<i32>} : memref<512x128xf32, #tpu.memory_space<vmem>>, vector<1x16xf32>,
      %parallel_loop3A_459 = arith.index_cast %parallel_loop3A_363 : i32 to index
      %parallel_loop3A_460 = arith.constant 80 : index
      %parallel_loop3A_461 = tpu.vector_load %arg6[%parallel_loop3A_459, %parallel_loop3A_460] {strides = array<i32>} : memref<512x128xf32, #tpu.memory_space<vmem>>, vector<1x16xf32>,
      %parallel_loop3A_462 = vector.shape_cast %parallel_loop3A_461 : vector<1x16xf32> to vector<16xf32>
      %parallel_loop3A_463 = arith.constant 0.000000e+00 : f32
      %parallel_loop3A_464 = vector.broadcast %parallel_loop3A_463 : f32 to vector<16xf32>
      %parallel_loop3A_465 = arith.subf %parallel_loop3A_464, %parallel_loop3A_462 : vector<16xf32>
      %parallel_loop3A_466 = math.exp %parallel_loop3A_465 : vector<16xf32>
      %parallel_loop3A_467 = arith.constant 1.000000e+00 : f32
      %parallel_loop3A_468 = vector.broadcast %parallel_loop3A_467 : f32 to vector<16xf32>
      %parallel_loop3A_469 = arith.addf %parallel_loop3A_468, %parallel_loop3A_466 : vector<16xf32>
      %parallel_loop3A_470 = arith.constant 1.000000e+00 : f32
      %parallel_loop3A_471 = vector.broadcast %parallel_loop3A_470 : f32 to vector<16xf32>
      %parallel_loop3A_472 = arith.divf %parallel_loop3A_471, %parallel_loop3A_469 : vector<16xf32>
      %parallel_loop3A_473 = arith.index_cast %parallel_loop3A_363 : i32 to index
      %parallel_loop3A_474 = arith.constant 80 : index
      %parallel_loop3A_475 = tpu.vector_load %arg6[%parallel_loop3A_473, %parallel_loop3A_474] {strides = array<i32>} : memref<512x128xf32, #tpu.memory_space<vmem>>, vector<1x16xf32>,
      %parallel_loop3A_476 = vector.shape_cast %parallel_loop3A_475 : vector<1x16xf32> to vector<16xf32>
      %parallel_loop3A_477 = vector.shape_cast %parallel_loop3A_472 : vector<16xf32> to vector<1x16xf32>
      tpu.vector_store %arg6[%parallel_loop3A_473, %parallel_loop3A_474], %parallel_loop3A_477 {strides = array<i32>} : memref<512x128xf32, #tpu.memory_space<vmem>>, vector<1x16xf32>,
      %parallel_loop3A_478 = arith.index_cast %parallel_loop3A_363 : i32 to index
      %parallel_loop3A_479 = arith.constant 96 : index
      %parallel_loop3A_480 = tpu.vector_load %arg6[%parallel_loop3A_478, %parallel_loop3A_479] {strides = array<i32>} : memref<512x128xf32, #tpu.memory_space<vmem>>, vector<1x16xf32>,
      %parallel_loop3A_481 = vector.shape_cast %parallel_loop3A_480 : vector<1x16xf32> to vector<16xf32>
      %parallel_loop3A_482 = arith.constant 0.000000e+00 : f32
      %parallel_loop3A_483 = vector.broadcast %parallel_loop3A_482 : f32 to vector<16xf32>
      %parallel_loop3A_484 = arith.subf %parallel_loop3A_483, %parallel_loop3A_481 : vector<16xf32>
      %parallel_loop3A_485 = math.exp %parallel_loop3A_484 : vector<16xf32>
      %parallel_loop3A_486 = arith.constant 1.000000e+00 : f32
      %parallel_loop3A_487 = vector.broadcast %parallel_loop3A_486 : f32 to vector<16xf32>
      %parallel_loop3A_488 = arith.addf %parallel_loop3A_487, %parallel_loop3A_485 : vector<16xf32>
      %parallel_loop3A_489 = arith.constant 1.000000e+00 : f32
      %parallel_loop3A_490 = vector.broadcast %parallel_loop3A_489 : f32 to vector<16xf32>
      %parallel_loop3A_491 = arith.divf %parallel_loop3A_490, %parallel_loop3A_488 : vector<16xf32>
      %parallel_loop3A_492 = arith.index_cast %parallel_loop3A_363 : i32 to index
      %parallel_loop3A_493 = arith.constant 96 : index
      %parallel_loop3A_494 = tpu.vector_load %arg6[%parallel_loop3A_492, %parallel_loop3A_493] {strides = array<i32>} : memref<512x128xf32, #tpu.memory_space<vmem>>, vector<1x16xf32>,
      %parallel_loop3A_495 = vector.shape_cast %parallel_loop3A_494 : vector<1x16xf32> to vector<16xf32>
      %parallel_loop3A_496 = vector.shape_cast %parallel_loop3A_491 : vector<16xf32> to vector<1x16xf32>
      tpu.vector_store %arg6[%parallel_loop3A_492, %parallel_loop3A_493], %parallel_loop3A_496 {strides = array<i32>} : memref<512x128xf32, #tpu.memory_space<vmem>>, vector<1x16xf32>,
      %parallel_loop3A_497 = arith.index_cast %parallel_loop3A_363 : i32 to index
      %parallel_loop3A_498 = arith.constant 112 : index
      %parallel_loop3A_499 = tpu.vector_load %arg6[%parallel_loop3A_497, %parallel_loop3A_498] {strides = array<i32>} : memref<512x128xf32, #tpu.memory_space<vmem>>, vector<1x16xf32>,
      %parallel_loop3A_500 = vector.shape_cast %parallel_loop3A_499 : vector<1x16xf32> to vector<16xf32>
      %parallel_loop3A_501 = arith.constant 0.000000e+00 : f32
      %parallel_loop3A_502 = vector.broadcast %parallel_loop3A_501 : f32 to vector<16xf32>
      %parallel_loop3A_503 = arith.subf %parallel_loop3A_502, %parallel_loop3A_500 : vector<16xf32>
      %parallel_loop3A_504 = math.exp %parallel_loop3A_503 : vector<16xf32>
      %parallel_loop3A_505 = arith.constant 1.000000e+00 : f32
      %parallel_loop3A_506 = vector.broadcast %parallel_loop3A_505 : f32 to vector<16xf32>
      %parallel_loop3A_507 = arith.addf %parallel_loop3A_506, %parallel_loop3A_504 : vector<16xf32>
      %parallel_loop3A_508 = arith.constant 1.000000e+00 : f32
      %parallel_loop3A_509 = vector.broadcast %parallel_loop3A_508 : f32 to vector<16xf32>
      %parallel_loop3A_510 = arith.divf %parallel_loop3A_509, %parallel_loop3A_507 : vector<16xf32>
      %parallel_loop3A_511 = arith.index_cast %parallel_loop3A_363 : i32 to index
      %parallel_loop3A_512 = arith.constant 112 : index
      %parallel_loop3A_513 = tpu.vector_load %arg6[%parallel_loop3A_511, %parallel_loop3A_512] {strides = array<i32>} : memref<512x128xf32, #tpu.memory_space<vmem>>, vector<1x16xf32>,
      %parallel_loop3A_514 = vector.shape_cast %parallel_loop3A_513 : vector<1x16xf32> to vector<16xf32>
      %parallel_loop3A_515 = vector.shape_cast %parallel_loop3A_510 : vector<16xf32> to vector<1x16xf32>
      tpu.vector_store %arg6[%parallel_loop3A_511, %parallel_loop3A_512], %parallel_loop3A_515 {strides = array<i32>} : memref<512x128xf32, #tpu.memory_space<vmem>>, vector<1x16xf32>,
    } {sc.loop_unroll_factor = 2 : i64, sc.parallel_access}
    %add3A_252 = arith.constant 320 : i32
    %add3A_253 = arith.addi %mul3A_2, %add3A_252 : i32
    %dma_start3A_254 = arith.constant 3 : i32
    %dma_start3A_255 = arith.constant 320 : i32
    %dma_start3A_256 = arith.constant 0 : i32
    %dma_start3A_257 = tpu.memref_slice %arg6[%dma_start3A_255, %dma_start3A_256] : memref<512x128xf32, #tpu.memory_space<vmem>> -> memref<128x128xf32, #tpu.memory_space<vmem>>
    %dma_start3A_258 = arith.constant 0 : i32
    %dma_start3A_259 = tpu.memref_slice %arg4[%add3A_253, %dma_start3A_258] : memref<16384x128xf32, #tpu.memory_space<hbm>> -> memref<128x128xf32, #tpu.memory_space<hbm>>
    %dma_start3A_260 = tpu.memref_slice %arg8[%dma_start3A_254] : memref<5x!tpu.dma_semaphore, #tpu.memory_space<semaphore_mem>> -> memref<1x!tpu.dma_semaphore, #tpu.memory_space<semaphore_mem>>
    %dma_start3A_261 = tpu.memref_squeeze %dma_start3A_260 : memref<1x!tpu.dma_semaphore, #tpu.memory_space<semaphore_mem>> -> memref<!tpu.dma_semaphore, #tpu.memory_space<semaphore_mem>>
    %dma_start3A_262 = arith.constant 0 : i32
    %dma_start3A_263 = tpu.memref_slice %arg4[%add3A_253, %dma_start3A_262] : memref<16384x128xf32, #tpu.memory_space<hbm>> -> memref<128x128xf32, #tpu.memory_space<hbm>>
    %dma_start3A_264 = arith.constant 320 : i32
    %dma_start3A_265 = arith.constant 0 : i32
    %dma_start3A_266 = tpu.memref_slice %arg6[%dma_start3A_264, %dma_start3A_265] : memref<512x128xf32, #tpu.memory_space<vmem>> -> memref<128x128xf32, #tpu.memory_space<vmem>>
    tpu.enqueue_dma source(%dma_start3A_266 : memref<128x128xf32, #tpu.memory_space<vmem>>) target(%dma_start3A_263 : memref<128x128xf32, #tpu.memory_space<hbm>>) target_semaphore(%dma_start3A_261 : memref<!tpu.dma_semaphore, #tpu.memory_space<semaphore_mem>>)
    %dma_wait3A_267 = arith.constant 7 : i32
    %dma_wait3A_268 = arith.constant 7 : i32
    %dma_wait3A_269 = arith.constant 448 : i32
    %dma_wait3A_270 = arith.constant 0 : i32
    %dma_wait3A_271 = tpu.memref_slice %arg6[%dma_wait3A_269, %dma_wait3A_270] : memref<512x128xf32, #tpu.memory_space<vmem>> -> memref<64x128xf32, #tpu.memory_space<vmem>>
    %dma_wait3A_272 = arith.constant 0 : i32
    %dma_wait3A_273 = tpu.memref_slice %arg5[%dma_wait3A_267, %dma_wait3A_272] : memref<8x64xi32, #tpu.memory_space<vmem>> -> memref<1x64xi32, #tpu.memory_space<vmem>>
    %dma_wait3A_274 = tpu.memref_squeeze %dma_wait3A_273 : memref<1x64xi32, #tpu.memory_space<vmem>> -> memref<64xi32, #tpu.memory_space<vmem>>
    %dma_wait3A_275 = arith.constant 0 : i32
    %dma_wait3A_276 = arith.constant 0 : i32
    %dma_wait3A_277 = tpu.memref_slice %arg2[%dma_wait3A_275, %dma_wait3A_276] : memref<100000x128xf32, #tpu.memory_space<hbm>> -> memref<100000x128xf32, #tpu.memory_space<hbm>>
    %dma_wait3A_278 = tpu.memref_slice %arg7[%dma_wait3A_268] : memref<8x!tpu.dma_semaphore, #tpu.memory_space<semaphore_mem>> -> memref<1x!tpu.dma_semaphore, #tpu.memory_space<semaphore_mem>>
    %dma_wait3A_279 = tpu.memref_squeeze %dma_wait3A_278 : memref<1x!tpu.dma_semaphore, #tpu.memory_space<semaphore_mem>> -> memref<!tpu.dma_semaphore, #tpu.memory_space<semaphore_mem>>
    tpu.wait_indirect_dma semaphore(%dma_wait3A_279 : memref<!tpu.dma_semaphore, #tpu.memory_space<semaphore_mem>>) src(%dma_wait3A_277 : memref<100000x128xf32, #tpu.memory_space<hbm>>) dst(%dma_wait3A_271 : memref<64x128xf32, #tpu.memory_space<vmem>>)
    %parallel_loop3A_280 = arith.constant 448 : i32
    %parallel_loop3A_281 = arith.constant 512 : i32
    %parallel_loop3A_282 = arith.constant 1 : i32
    scf.for %parallel_loop3A_363 = %parallel_loop3A_280 to %parallel_loop3A_281 step %parallel_loop3A_282  : i32 {
      %parallel_loop3A_364 = arith.index_cast %parallel_loop3A_363 : i32 to index
      %parallel_loop3A_365 = arith.constant 0 : index
      %parallel_loop3A_366 = tpu.vector_load %arg6[%parallel_loop3A_364, %parallel_loop3A_365] {strides = array<i32>} : memref<512x128xf32, #tpu.memory_space<vmem>>, vector<1x16xf32>,
      %parallel_loop3A_367 = vector.shape_cast %parallel_loop3A_366 : vector<1x16xf32> to vector<16xf32>
      %parallel_loop3A_368 = arith.constant 0.000000e+00 : f32
      %parallel_loop3A_369 = vector.broadcast %parallel_loop3A_368 : f32 to vector<16xf32>
      %parallel_loop3A_370 = arith.subf %parallel_loop3A_369, %parallel_loop3A_367 : vector<16xf32>
      %parallel_loop3A_371 = math.exp %parallel_loop3A_370 : vector<16xf32>
      %parallel_loop3A_372 = arith.constant 1.000000e+00 : f32
      %parallel_loop3A_373 = vector.broadcast %parallel_loop3A_372 : f32 to vector<16xf32>
      %parallel_loop3A_374 = arith.addf %parallel_loop3A_373, %parallel_loop3A_371 : vector<16xf32>
      %parallel_loop3A_375 = arith.constant 1.000000e+00 : f32
      %parallel_loop3A_376 = vector.broadcast %parallel_loop3A_375 : f32 to vector<16xf32>
      %parallel_loop3A_377 = arith.divf %parallel_loop3A_376, %parallel_loop3A_374 : vector<16xf32>
      %parallel_loop3A_378 = arith.index_cast %parallel_loop3A_363 : i32 to index
      %parallel_loop3A_379 = arith.constant 0 : index
      %parallel_loop3A_380 = tpu.vector_load %arg6[%parallel_loop3A_378, %parallel_loop3A_379] {strides = array<i32>} : memref<512x128xf32, #tpu.memory_space<vmem>>, vector<1x16xf32>,
      %parallel_loop3A_381 = vector.shape_cast %parallel_loop3A_380 : vector<1x16xf32> to vector<16xf32>
      %parallel_loop3A_382 = vector.shape_cast %parallel_loop3A_377 : vector<16xf32> to vector<1x16xf32>
      tpu.vector_store %arg6[%parallel_loop3A_378, %parallel_loop3A_379], %parallel_loop3A_382 {strides = array<i32>} : memref<512x128xf32, #tpu.memory_space<vmem>>, vector<1x16xf32>,
      %parallel_loop3A_383 = arith.index_cast %parallel_loop3A_363 : i32 to index
      %parallel_loop3A_384 = arith.constant 16 : index
      %parallel_loop3A_385 = tpu.vector_load %arg6[%parallel_loop3A_383, %parallel_loop3A_384] {strides = array<i32>} : memref<512x128xf32, #tpu.memory_space<vmem>>, vector<1x16xf32>,
      %parallel_loop3A_386 = vector.shape_cast %parallel_loop3A_385 : vector<1x16xf32> to vector<16xf32>
      %parallel_loop3A_387 = arith.constant 0.000000e+00 : f32
      %parallel_loop3A_388 = vector.broadcast %parallel_loop3A_387 : f32 to vector<16xf32>
      %parallel_loop3A_389 = arith.subf %parallel_loop3A_388, %parallel_loop3A_386 : vector<16xf32>
      %parallel_loop3A_390 = math.exp %parallel_loop3A_389 : vector<16xf32>
      %parallel_loop3A_391 = arith.constant 1.000000e+00 : f32
      %parallel_loop3A_392 = vector.broadcast %parallel_loop3A_391 : f32 to vector<16xf32>
      %parallel_loop3A_393 = arith.addf %parallel_loop3A_392, %parallel_loop3A_390 : vector<16xf32>
      %parallel_loop3A_394 = arith.constant 1.000000e+00 : f32
      %parallel_loop3A_395 = vector.broadcast %parallel_loop3A_394 : f32 to vector<16xf32>
      %parallel_loop3A_396 = arith.divf %parallel_loop3A_395, %parallel_loop3A_393 : vector<16xf32>
      %parallel_loop3A_397 = arith.index_cast %parallel_loop3A_363 : i32 to index
      %parallel_loop3A_398 = arith.constant 16 : index
      %parallel_loop3A_399 = tpu.vector_load %arg6[%parallel_loop3A_397, %parallel_loop3A_398] {strides = array<i32>} : memref<512x128xf32, #tpu.memory_space<vmem>>, vector<1x16xf32>,
      %parallel_loop3A_400 = vector.shape_cast %parallel_loop3A_399 : vector<1x16xf32> to vector<16xf32>
      %parallel_loop3A_401 = vector.shape_cast %parallel_loop3A_396 : vector<16xf32> to vector<1x16xf32>
      tpu.vector_store %arg6[%parallel_loop3A_397, %parallel_loop3A_398], %parallel_loop3A_401 {strides = array<i32>} : memref<512x128xf32, #tpu.memory_space<vmem>>, vector<1x16xf32>,
      %parallel_loop3A_402 = arith.index_cast %parallel_loop3A_363 : i32 to index
      %parallel_loop3A_403 = arith.constant 32 : index
      %parallel_loop3A_404 = tpu.vector_load %arg6[%parallel_loop3A_402, %parallel_loop3A_403] {strides = array<i32>} : memref<512x128xf32, #tpu.memory_space<vmem>>, vector<1x16xf32>,
      %parallel_loop3A_405 = vector.shape_cast %parallel_loop3A_404 : vector<1x16xf32> to vector<16xf32>
      %parallel_loop3A_406 = arith.constant 0.000000e+00 : f32
      %parallel_loop3A_407 = vector.broadcast %parallel_loop3A_406 : f32 to vector<16xf32>
      %parallel_loop3A_408 = arith.subf %parallel_loop3A_407, %parallel_loop3A_405 : vector<16xf32>
      %parallel_loop3A_409 = math.exp %parallel_loop3A_408 : vector<16xf32>
      %parallel_loop3A_410 = arith.constant 1.000000e+00 : f32
      %parallel_loop3A_411 = vector.broadcast %parallel_loop3A_410 : f32 to vector<16xf32>
      %parallel_loop3A_412 = arith.addf %parallel_loop3A_411, %parallel_loop3A_409 : vector<16xf32>
      %parallel_loop3A_413 = arith.constant 1.000000e+00 : f32
      %parallel_loop3A_414 = vector.broadcast %parallel_loop3A_413 : f32 to vector<16xf32>
      %parallel_loop3A_415 = arith.divf %parallel_loop3A_414, %parallel_loop3A_412 : vector<16xf32>
      %parallel_loop3A_416 = arith.index_cast %parallel_loop3A_363 : i32 to index
      %parallel_loop3A_417 = arith.constant 32 : index
      %parallel_loop3A_418 = tpu.vector_load %arg6[%parallel_loop3A_416, %parallel_loop3A_417] {strides = array<i32>} : memref<512x128xf32, #tpu.memory_space<vmem>>, vector<1x16xf32>,
      %parallel_loop3A_419 = vector.shape_cast %parallel_loop3A_418 : vector<1x16xf32> to vector<16xf32>
      %parallel_loop3A_420 = vector.shape_cast %parallel_loop3A_415 : vector<16xf32> to vector<1x16xf32>
      tpu.vector_store %arg6[%parallel_loop3A_416, %parallel_loop3A_417], %parallel_loop3A_420 {strides = array<i32>} : memref<512x128xf32, #tpu.memory_space<vmem>>, vector<1x16xf32>,
      %parallel_loop3A_421 = arith.index_cast %parallel_loop3A_363 : i32 to index
      %parallel_loop3A_422 = arith.constant 48 : index
      %parallel_loop3A_423 = tpu.vector_load %arg6[%parallel_loop3A_421, %parallel_loop3A_422] {strides = array<i32>} : memref<512x128xf32, #tpu.memory_space<vmem>>, vector<1x16xf32>,
      %parallel_loop3A_424 = vector.shape_cast %parallel_loop3A_423 : vector<1x16xf32> to vector<16xf32>
      %parallel_loop3A_425 = arith.constant 0.000000e+00 : f32
      %parallel_loop3A_426 = vector.broadcast %parallel_loop3A_425 : f32 to vector<16xf32>
      %parallel_loop3A_427 = arith.subf %parallel_loop3A_426, %parallel_loop3A_424 : vector<16xf32>
      %parallel_loop3A_428 = math.exp %parallel_loop3A_427 : vector<16xf32>
      %parallel_loop3A_429 = arith.constant 1.000000e+00 : f32
      %parallel_loop3A_430 = vector.broadcast %parallel_loop3A_429 : f32 to vector<16xf32>
      %parallel_loop3A_431 = arith.addf %parallel_loop3A_430, %parallel_loop3A_428 : vector<16xf32>
      %parallel_loop3A_432 = arith.constant 1.000000e+00 : f32
      %parallel_loop3A_433 = vector.broadcast %parallel_loop3A_432 : f32 to vector<16xf32>
      %parallel_loop3A_434 = arith.divf %parallel_loop3A_433, %parallel_loop3A_431 : vector<16xf32>
      %parallel_loop3A_435 = arith.index_cast %parallel_loop3A_363 : i32 to index
      %parallel_loop3A_436 = arith.constant 48 : index
      %parallel_loop3A_437 = tpu.vector_load %arg6[%parallel_loop3A_435, %parallel_loop3A_436] {strides = array<i32>} : memref<512x128xf32, #tpu.memory_space<vmem>>, vector<1x16xf32>,
      %parallel_loop3A_438 = vector.shape_cast %parallel_loop3A_437 : vector<1x16xf32> to vector<16xf32>
      %parallel_loop3A_439 = vector.shape_cast %parallel_loop3A_434 : vector<16xf32> to vector<1x16xf32>
      tpu.vector_store %arg6[%parallel_loop3A_435, %parallel_loop3A_436], %parallel_loop3A_439 {strides = array<i32>} : memref<512x128xf32, #tpu.memory_space<vmem>>, vector<1x16xf32>,
      %parallel_loop3A_440 = arith.index_cast %parallel_loop3A_363 : i32 to index
      %parallel_loop3A_441 = arith.constant 64 : index
      %parallel_loop3A_442 = tpu.vector_load %arg6[%parallel_loop3A_440, %parallel_loop3A_441] {strides = array<i32>} : memref<512x128xf32, #tpu.memory_space<vmem>>, vector<1x16xf32>,
      %parallel_loop3A_443 = vector.shape_cast %parallel_loop3A_442 : vector<1x16xf32> to vector<16xf32>
      %parallel_loop3A_444 = arith.constant 0.000000e+00 : f32
      %parallel_loop3A_445 = vector.broadcast %parallel_loop3A_444 : f32 to vector<16xf32>
      %parallel_loop3A_446 = arith.subf %parallel_loop3A_445, %parallel_loop3A_443 : vector<16xf32>
      %parallel_loop3A_447 = math.exp %parallel_loop3A_446 : vector<16xf32>
      %parallel_loop3A_448 = arith.constant 1.000000e+00 : f32
      %parallel_loop3A_449 = vector.broadcast %parallel_loop3A_448 : f32 to vector<16xf32>
      %parallel_loop3A_450 = arith.addf %parallel_loop3A_449, %parallel_loop3A_447 : vector<16xf32>
      %parallel_loop3A_451 = arith.constant 1.000000e+00 : f32
      %parallel_loop3A_452 = vector.broadcast %parallel_loop3A_451 : f32 to vector<16xf32>
      %parallel_loop3A_453 = arith.divf %parallel_loop3A_452, %parallel_loop3A_450 : vector<16xf32>
      %parallel_loop3A_454 = arith.index_cast %parallel_loop3A_363 : i32 to index
      %parallel_loop3A_455 = arith.constant 64 : index
      %parallel_loop3A_456 = tpu.vector_load %arg6[%parallel_loop3A_454, %parallel_loop3A_455] {strides = array<i32>} : memref<512x128xf32, #tpu.memory_space<vmem>>, vector<1x16xf32>,
      %parallel_loop3A_457 = vector.shape_cast %parallel_loop3A_456 : vector<1x16xf32> to vector<16xf32>
      %parallel_loop3A_458 = vector.shape_cast %parallel_loop3A_453 : vector<16xf32> to vector<1x16xf32>
      tpu.vector_store %arg6[%parallel_loop3A_454, %parallel_loop3A_455], %parallel_loop3A_458 {strides = array<i32>} : memref<512x128xf32, #tpu.memory_space<vmem>>, vector<1x16xf32>,
      %parallel_loop3A_459 = arith.index_cast %parallel_loop3A_363 : i32 to index
      %parallel_loop3A_460 = arith.constant 80 : index
      %parallel_loop3A_461 = tpu.vector_load %arg6[%parallel_loop3A_459, %parallel_loop3A_460] {strides = array<i32>} : memref<512x128xf32, #tpu.memory_space<vmem>>, vector<1x16xf32>,
      %parallel_loop3A_462 = vector.shape_cast %parallel_loop3A_461 : vector<1x16xf32> to vector<16xf32>
      %parallel_loop3A_463 = arith.constant 0.000000e+00 : f32
      %parallel_loop3A_464 = vector.broadcast %parallel_loop3A_463 : f32 to vector<16xf32>
      %parallel_loop3A_465 = arith.subf %parallel_loop3A_464, %parallel_loop3A_462 : vector<16xf32>
      %parallel_loop3A_466 = math.exp %parallel_loop3A_465 : vector<16xf32>
      %parallel_loop3A_467 = arith.constant 1.000000e+00 : f32
      %parallel_loop3A_468 = vector.broadcast %parallel_loop3A_467 : f32 to vector<16xf32>
      %parallel_loop3A_469 = arith.addf %parallel_loop3A_468, %parallel_loop3A_466 : vector<16xf32>
      %parallel_loop3A_470 = arith.constant 1.000000e+00 : f32
      %parallel_loop3A_471 = vector.broadcast %parallel_loop3A_470 : f32 to vector<16xf32>
      %parallel_loop3A_472 = arith.divf %parallel_loop3A_471, %parallel_loop3A_469 : vector<16xf32>
      %parallel_loop3A_473 = arith.index_cast %parallel_loop3A_363 : i32 to index
      %parallel_loop3A_474 = arith.constant 80 : index
      %parallel_loop3A_475 = tpu.vector_load %arg6[%parallel_loop3A_473, %parallel_loop3A_474] {strides = array<i32>} : memref<512x128xf32, #tpu.memory_space<vmem>>, vector<1x16xf32>,
      %parallel_loop3A_476 = vector.shape_cast %parallel_loop3A_475 : vector<1x16xf32> to vector<16xf32>
      %parallel_loop3A_477 = vector.shape_cast %parallel_loop3A_472 : vector<16xf32> to vector<1x16xf32>
      tpu.vector_store %arg6[%parallel_loop3A_473, %parallel_loop3A_474], %parallel_loop3A_477 {strides = array<i32>} : memref<512x128xf32, #tpu.memory_space<vmem>>, vector<1x16xf32>,
      %parallel_loop3A_478 = arith.index_cast %parallel_loop3A_363 : i32 to index
      %parallel_loop3A_479 = arith.constant 96 : index
      %parallel_loop3A_480 = tpu.vector_load %arg6[%parallel_loop3A_478, %parallel_loop3A_479] {strides = array<i32>} : memref<512x128xf32, #tpu.memory_space<vmem>>, vector<1x16xf32>,
      %parallel_loop3A_481 = vector.shape_cast %parallel_loop3A_480 : vector<1x16xf32> to vector<16xf32>
      %parallel_loop3A_482 = arith.constant 0.000000e+00 : f32
      %parallel_loop3A_483 = vector.broadcast %parallel_loop3A_482 : f32 to vector<16xf32>
      %parallel_loop3A_484 = arith.subf %parallel_loop3A_483, %parallel_loop3A_481 : vector<16xf32>
      %parallel_loop3A_485 = math.exp %parallel_loop3A_484 : vector<16xf32>
      %parallel_loop3A_486 = arith.constant 1.000000e+00 : f32
      %parallel_loop3A_487 = vector.broadcast %parallel_loop3A_486 : f32 to vector<16xf32>
      %parallel_loop3A_488 = arith.addf %parallel_loop3A_487, %parallel_loop3A_485 : vector<16xf32>
      %parallel_loop3A_489 = arith.constant 1.000000e+00 : f32
      %parallel_loop3A_490 = vector.broadcast %parallel_loop3A_489 : f32 to vector<16xf32>
      %parallel_loop3A_491 = arith.divf %parallel_loop3A_490, %parallel_loop3A_488 : vector<16xf32>
      %parallel_loop3A_492 = arith.index_cast %parallel_loop3A_363 : i32 to index
      %parallel_loop3A_493 = arith.constant 96 : index
      %parallel_loop3A_494 = tpu.vector_load %arg6[%parallel_loop3A_492, %parallel_loop3A_493] {strides = array<i32>} : memref<512x128xf32, #tpu.memory_space<vmem>>, vector<1x16xf32>,
      %parallel_loop3A_495 = vector.shape_cast %parallel_loop3A_494 : vector<1x16xf32> to vector<16xf32>
      %parallel_loop3A_496 = vector.shape_cast %parallel_loop3A_491 : vector<16xf32> to vector<1x16xf32>
      tpu.vector_store %arg6[%parallel_loop3A_492, %parallel_loop3A_493], %parallel_loop3A_496 {strides = array<i32>} : memref<512x128xf32, #tpu.memory_space<vmem>>, vector<1x16xf32>,
      %parallel_loop3A_497 = arith.index_cast %parallel_loop3A_363 : i32 to index
      %parallel_loop3A_498 = arith.constant 112 : index
      %parallel_loop3A_499 = tpu.vector_load %arg6[%parallel_loop3A_497, %parallel_loop3A_498] {strides = array<i32>} : memref<512x128xf32, #tpu.memory_space<vmem>>, vector<1x16xf32>,
      %parallel_loop3A_500 = vector.shape_cast %parallel_loop3A_499 : vector<1x16xf32> to vector<16xf32>
      %parallel_loop3A_501 = arith.constant 0.000000e+00 : f32
      %parallel_loop3A_502 = vector.broadcast %parallel_loop3A_501 : f32 to vector<16xf32>
      %parallel_loop3A_503 = arith.subf %parallel_loop3A_502, %parallel_loop3A_500 : vector<16xf32>
      %parallel_loop3A_504 = math.exp %parallel_loop3A_503 : vector<16xf32>
      %parallel_loop3A_505 = arith.constant 1.000000e+00 : f32
      %parallel_loop3A_506 = vector.broadcast %parallel_loop3A_505 : f32 to vector<16xf32>
      %parallel_loop3A_507 = arith.addf %parallel_loop3A_506, %parallel_loop3A_504 : vector<16xf32>
      %parallel_loop3A_508 = arith.constant 1.000000e+00 : f32
      %parallel_loop3A_509 = vector.broadcast %parallel_loop3A_508 : f32 to vector<16xf32>
      %parallel_loop3A_510 = arith.divf %parallel_loop3A_509, %parallel_loop3A_507 : vector<16xf32>
      %parallel_loop3A_511 = arith.index_cast %parallel_loop3A_363 : i32 to index
      %parallel_loop3A_512 = arith.constant 112 : index
      %parallel_loop3A_513 = tpu.vector_load %arg6[%parallel_loop3A_511, %parallel_loop3A_512] {strides = array<i32>} : memref<512x128xf32, #tpu.memory_space<vmem>>, vector<1x16xf32>,
      %parallel_loop3A_514 = vector.shape_cast %parallel_loop3A_513 : vector<1x16xf32> to vector<16xf32>
      %parallel_loop3A_515 = vector.shape_cast %parallel_loop3A_510 : vector<16xf32> to vector<1x16xf32>
      tpu.vector_store %arg6[%parallel_loop3A_511, %parallel_loop3A_512], %parallel_loop3A_515 {strides = array<i32>} : memref<512x128xf32, #tpu.memory_space<vmem>>, vector<1x16xf32>,
    } {sc.loop_unroll_factor = 2 : i64, sc.parallel_access}
    %add3A_283 = arith.constant 448 : i32
    %add3A_284 = arith.addi %mul3A_2, %add3A_283 : i32
    %dma_start3A_285 = arith.constant 4 : i32
    %dma_start3A_286 = arith.constant 448 : i32
    %dma_start3A_287 = arith.constant 0 : i32
    %dma_start3A_288 = tpu.memref_slice %arg6[%dma_start3A_286, %dma_start3A_287] : memref<512x128xf32, #tpu.memory_space<vmem>> -> memref<64x128xf32, #tpu.memory_space<vmem>>
    %dma_start3A_289 = arith.constant 0 : i32
    %dma_start3A_290 = tpu.memref_slice %arg4[%add3A_284, %dma_start3A_289] : memref<16384x128xf32, #tpu.memory_space<hbm>> -> memref<64x128xf32, #tpu.memory_space<hbm>>
    %dma_start3A_291 = tpu.memref_slice %arg8[%dma_start3A_285] : memref<5x!tpu.dma_semaphore, #tpu.memory_space<semaphore_mem>> -> memref<1x!tpu.dma_semaphore, #tpu.memory_space<semaphore_mem>>
    %dma_start3A_292 = tpu.memref_squeeze %dma_start3A_291 : memref<1x!tpu.dma_semaphore, #tpu.memory_space<semaphore_mem>> -> memref<!tpu.dma_semaphore, #tpu.memory_space<semaphore_mem>>
    %dma_start3A_293 = arith.constant 0 : i32
    %dma_start3A_294 = tpu.memref_slice %arg4[%add3A_284, %dma_start3A_293] : memref<16384x128xf32, #tpu.memory_space<hbm>> -> memref<64x128xf32, #tpu.memory_space<hbm>>
    %dma_start3A_295 = arith.constant 448 : i32
    %dma_start3A_296 = arith.constant 0 : i32
    %dma_start3A_297 = tpu.memref_slice %arg6[%dma_start3A_295, %dma_start3A_296] : memref<512x128xf32, #tpu.memory_space<vmem>> -> memref<64x128xf32, #tpu.memory_space<vmem>>
    tpu.enqueue_dma source(%dma_start3A_297 : memref<64x128xf32, #tpu.memory_space<vmem>>) target(%dma_start3A_294 : memref<64x128xf32, #tpu.memory_space<hbm>>) target_semaphore(%dma_start3A_292 : memref<!tpu.dma_semaphore, #tpu.memory_space<semaphore_mem>>)
    %dma_wait3A_298 = arith.constant 0 : i32
    %dma_wait3A_299 = arith.constant 0 : i32
    %dma_wait3A_300 = arith.constant 0 : i32
    %dma_wait3A_301 = tpu.memref_slice %arg6[%dma_wait3A_299, %dma_wait3A_300] : memref<512x128xf32, #tpu.memory_space<vmem>> -> memref<64x128xf32, #tpu.memory_space<vmem>>
    %dma_wait3A_302 = arith.constant 0 : i32
    %dma_wait3A_303 = tpu.memref_slice %arg4[%add3A_121, %dma_wait3A_302] : memref<16384x128xf32, #tpu.memory_space<hbm>> -> memref<64x128xf32, #tpu.memory_space<hbm>>
    %dma_wait3A_304 = tpu.memref_slice %arg8[%dma_wait3A_298] : memref<5x!tpu.dma_semaphore, #tpu.memory_space<semaphore_mem>> -> memref<1x!tpu.dma_semaphore, #tpu.memory_space<semaphore_mem>>
    %dma_wait3A_305 = tpu.memref_squeeze %dma_wait3A_304 : memref<1x!tpu.dma_semaphore, #tpu.memory_space<semaphore_mem>> -> memref<!tpu.dma_semaphore, #tpu.memory_space<semaphore_mem>>
    %dma_wait3A_306 = arith.constant 0 : i32
    %dma_wait3A_307 = tpu.memref_slice %arg4[%add3A_121, %dma_wait3A_306] : memref<16384x128xf32, #tpu.memory_space<hbm>> -> memref<64x128xf32, #tpu.memory_space<hbm>>
    %dma_wait3A_308 = arith.constant 0 : i32
    %dma_wait3A_309 = arith.constant 0 : i32
    %dma_wait3A_310 = tpu.memref_slice %arg6[%dma_wait3A_308, %dma_wait3A_309] : memref<512x128xf32, #tpu.memory_space<vmem>> -> memref<64x128xf32, #tpu.memory_space<vmem>>
    tpu.wait_dma2 semaphore(%dma_wait3A_305 : memref<!tpu.dma_semaphore, #tpu.memory_space<semaphore_mem>>) src(%dma_wait3A_310 : memref<64x128xf32, #tpu.memory_space<vmem>>) dst(%dma_wait3A_307 : memref<64x128xf32, #tpu.memory_space<hbm>>)
    %dma_wait3A_311 = arith.constant 1 : i32
    %dma_wait3A_312 = arith.constant 64 : i32
    %dma_wait3A_313 = arith.constant 0 : i32
    %dma_wait3A_314 = tpu.memref_slice %arg6[%dma_wait3A_312, %dma_wait3A_313] : memref<512x128xf32, #tpu.memory_space<vmem>> -> memref<128x128xf32, #tpu.memory_space<vmem>>
    %dma_wait3A_315 = arith.constant 0 : i32
    %dma_wait3A_316 = tpu.memref_slice %arg4[%add3A_165, %dma_wait3A_315] : memref<16384x128xf32, #tpu.memory_space<hbm>> -> memref<128x128xf32, #tpu.memory_space<hbm>>
    %dma_wait3A_317 = tpu.memref_slice %arg8[%dma_wait3A_311] : memref<5x!tpu.dma_semaphore, #tpu.memory_space<semaphore_mem>> -> memref<1x!tpu.dma_semaphore, #tpu.memory_space<semaphore_mem>>
    %dma_wait3A_318 = tpu.memref_squeeze %dma_wait3A_317 : memref<1x!tpu.dma_semaphore, #tpu.memory_space<semaphore_mem>> -> memref<!tpu.dma_semaphore, #tpu.memory_space<semaphore_mem>>
    %dma_wait3A_319 = arith.constant 0 : i32
    %dma_wait3A_320 = tpu.memref_slice %arg4[%add3A_165, %dma_wait3A_319] : memref<16384x128xf32, #tpu.memory_space<hbm>> -> memref<128x128xf32, #tpu.memory_space<hbm>>
    %dma_wait3A_321 = arith.constant 64 : i32
    %dma_wait3A_322 = arith.constant 0 : i32
    %dma_wait3A_323 = tpu.memref_slice %arg6[%dma_wait3A_321, %dma_wait3A_322] : memref<512x128xf32, #tpu.memory_space<vmem>> -> memref<128x128xf32, #tpu.memory_space<vmem>>
    tpu.wait_dma2 semaphore(%dma_wait3A_318 : memref<!tpu.dma_semaphore, #tpu.memory_space<semaphore_mem>>) src(%dma_wait3A_323 : memref<128x128xf32, #tpu.memory_space<vmem>>) dst(%dma_wait3A_320 : memref<128x128xf32, #tpu.memory_space<hbm>>)
    %dma_wait3A_324 = arith.constant 2 : i32
    %dma_wait3A_325 = arith.constant 192 : i32
    %dma_wait3A_326 = arith.constant 0 : i32
    %dma_wait3A_327 = tpu.memref_slice %arg6[%dma_wait3A_325, %dma_wait3A_326] : memref<512x128xf32, #tpu.memory_space<vmem>> -> memref<128x128xf32, #tpu.memory_space<vmem>>
    %dma_wait3A_328 = arith.constant 0 : i32
    %dma_wait3A_329 = tpu.memref_slice %arg4[%add3A_209, %dma_wait3A_328] : memref<16384x128xf32, #tpu.memory_space<hbm>> -> memref<128x128xf32, #tpu.memory_space<hbm>>
    %dma_wait3A_330 = tpu.memref_slice %arg8[%dma_wait3A_324] : memref<5x!tpu.dma_semaphore, #tpu.memory_space<semaphore_mem>> -> memref<1x!tpu.dma_semaphore, #tpu.memory_space<semaphore_mem>>
    %dma_wait3A_331 = tpu.memref_squeeze %dma_wait3A_330 : memref<1x!tpu.dma_semaphore, #tpu.memory_space<semaphore_mem>> -> memref<!tpu.dma_semaphore, #tpu.memory_space<semaphore_mem>>
    %dma_wait3A_332 = arith.constant 0 : i32
    %dma_wait3A_333 = tpu.memref_slice %arg4[%add3A_209, %dma_wait3A_332] : memref<16384x128xf32, #tpu.memory_space<hbm>> -> memref<128x128xf32, #tpu.memory_space<hbm>>
    %dma_wait3A_334 = arith.constant 192 : i32
    %dma_wait3A_335 = arith.constant 0 : i32
    %dma_wait3A_336 = tpu.memref_slice %arg6[%dma_wait3A_334, %dma_wait3A_335] : memref<512x128xf32, #tpu.memory_space<vmem>> -> memref<128x128xf32, #tpu.memory_space<vmem>>
    tpu.wait_dma2 semaphore(%dma_wait3A_331 : memref<!tpu.dma_semaphore, #tpu.memory_space<semaphore_mem>>) src(%dma_wait3A_336 : memref<128x128xf32, #tpu.memory_space<vmem>>) dst(%dma_wait3A_333 : memref<128x128xf32, #tpu.memory_space<hbm>>)
    %dma_wait3A_337 = arith.constant 3 : i32
    %dma_wait3A_338 = arith.constant 320 : i32
    %dma_wait3A_339 = arith.constant 0 : i32
    %dma_wait3A_340 = tpu.memref_slice %arg6[%dma_wait3A_338, %dma_wait3A_339] : memref<512x128xf32, #tpu.memory_space<vmem>> -> memref<128x128xf32, #tpu.memory_space<vmem>>
    %dma_wait3A_341 = arith.constant 0 : i32
    %dma_wait3A_342 = tpu.memref_slice %arg4[%add3A_253, %dma_wait3A_341] : memref<16384x128xf32, #tpu.memory_space<hbm>> -> memref<128x128xf32, #tpu.memory_space<hbm>>
    %dma_wait3A_343 = tpu.memref_slice %arg8[%dma_wait3A_337] : memref<5x!tpu.dma_semaphore, #tpu.memory_space<semaphore_mem>> -> memref<1x!tpu.dma_semaphore, #tpu.memory_space<semaphore_mem>>
    %dma_wait3A_344 = tpu.memref_squeeze %dma_wait3A_343 : memref<1x!tpu.dma_semaphore, #tpu.memory_space<semaphore_mem>> -> memref<!tpu.dma_semaphore, #tpu.memory_space<semaphore_mem>>
    %dma_wait3A_345 = arith.constant 0 : i32
    %dma_wait3A_346 = tpu.memref_slice %arg4[%add3A_253, %dma_wait3A_345] : memref<16384x128xf32, #tpu.memory_space<hbm>> -> memref<128x128xf32, #tpu.memory_space<hbm>>
    %dma_wait3A_347 = arith.constant 320 : i32
    %dma_wait3A_348 = arith.constant 0 : i32
    %dma_wait3A_349 = tpu.memref_slice %arg6[%dma_wait3A_347, %dma_wait3A_348] : memref<512x128xf32, #tpu.memory_space<vmem>> -> memref<128x128xf32, #tpu.memory_space<vmem>>
    tpu.wait_dma2 semaphore(%dma_wait3A_344 : memref<!tpu.dma_semaphore, #tpu.memory_space<semaphore_mem>>) src(%dma_wait3A_349 : memref<128x128xf32, #tpu.memory_space<vmem>>) dst(%dma_wait3A_346 : memref<128x128xf32, #tpu.memory_space<hbm>>)
    %dma_wait3A_350 = arith.constant 4 : i32
    %dma_wait3A_351 = arith.constant 448 : i32
    %dma_wait3A_352 = arith.constant 0 : i32
    %dma_wait3A_353 = tpu.memref_slice %arg6[%dma_wait3A_351, %dma_wait3A_352] : memref<512x128xf32, #tpu.memory_space<vmem>> -> memref<64x128xf32, #tpu.memory_space<vmem>>
    %dma_wait3A_354 = arith.constant 0 : i32
    %dma_wait3A_355 = tpu.memref_slice %arg4[%add3A_284, %dma_wait3A_354] : memref<16384x128xf32, #tpu.memory_space<hbm>> -> memref<64x128xf32, #tpu.memory_space<hbm>>
    %dma_wait3A_356 = tpu.memref_slice %arg8[%dma_wait3A_350] : memref<5x!tpu.dma_semaphore, #tpu.memory_space<semaphore_mem>> -> memref<1x!tpu.dma_semaphore, #tpu.memory_space<semaphore_mem>>
    %dma_wait3A_357 = tpu.memref_squeeze %dma_wait3A_356 : memref<1x!tpu.dma_semaphore, #tpu.memory_space<semaphore_mem>> -> memref<!tpu.dma_semaphore, #tpu.memory_space<semaphore_mem>>
    %dma_wait3A_358 = arith.constant 0 : i32
    %dma_wait3A_359 = tpu.memref_slice %arg4[%add3A_284, %dma_wait3A_358] : memref<16384x128xf32, #tpu.memory_space<hbm>> -> memref<64x128xf32, #tpu.memory_space<hbm>>
    %dma_wait3A_360 = arith.constant 448 : i32
    %dma_wait3A_361 = arith.constant 0 : i32
    %dma_wait3A_362 = tpu.memref_slice %arg6[%dma_wait3A_360, %dma_wait3A_361] : memref<512x128xf32, #tpu.memory_space<vmem>> -> memref<64x128xf32, #tpu.memory_space<vmem>>
    tpu.wait_dma2 semaphore(%dma_wait3A_357 : memref<!tpu.dma_semaphore, #tpu.memory_space<semaphore_mem>>) src(%dma_wait3A_362 : memref<64x128xf32, #tpu.memory_space<vmem>>) dst(%dma_wait3A_359 : memref<64x128xf32, #tpu.memory_space<hbm>>)
    return
  }
}

</mosaic_0001>

<sc_bundles>
// kernel: _run.3.cloned.1.call-start
scs
__scs_entry_jumppad:
0x0: {  	(pc) =	sbr.rel $0x88, $3  }
0x1: {  	(tag) =	ssettag $0x0;
	lr =	simm.s32 $0x1  }
0x2: {  	[smem:$0x3F9F] =	sst lr;
	_ =	strace $0xD0000000  }
0x3: {  	_ = 	snop  }
0x4: {  	_ = 	snop  }
0x5: {  	_ = 	snop  }
0x6: {  	_ = 	snop  }
0x7: {  	_ = 	snop  }
__scs_overlays_trampoline_lowered:
0x8: {  	[smem:$0x3FAE] =	sst s0  }
0x9: {  	[smem:$0x3FAF] =	sst s1  }
0xa: {  	[smem:$0x3FB0] =	sst s2  }
0xb: {  	[smem:$0x3FB1] =	sst s3  }
0xc: {  	[smem:$0x3FB2] =	sst s4  }
0xd: {  	[smem:$0x3FB3] =	sst s5  }
0xe: {  	[smem:$0x3FB4] =	sst s6  }
0xf: {  	[smem:$0x3FB5] =	sst s7  }
0x10: {  	[smem:$0x3FB6] =	sst s8  }
0x11: {  	[smem:$0x3FB7] =	sst s9;
	s0 =	simm.s32 @!p0 $0x0  }
0x12: {  	s1 =	sld [smem:$0x3F9D];
	s0 =	simm.s32 @p0 $0x1  }
0x13: {  	[smem:$0x3FB8] =	sst s0;
	s0 =	simm.s32 @!p1 $0x0  }
0x14: {  	s2 =	sld [smem:$0x3F9C];
	s0 =	simm.s32 @p1 $0x1  }
0x15: {  	[smem:$0x3FB9] =	sst s0;
	s0 =	simm.s32 @!p2 $0x0  }
0x16: {  	s3 =	sld [smem:$0x3FDB];
	s0 =	simm.s32 @p2 $0x1  }
0x17: {  	s4 =	simm.s32 $0x1BF5;
	[smem:$0x3FBB] =	sst s0  }
0x18: {  	s0 =	sld [smem:$0x3F9E];
	_ =	swait.ge [sflag:s4], $0x0  }
0x19: {  	s7 =	sld [smem:$0x3F9F]  }
0x1a: {  	s8 =	sadd.s32 $0xFFFFE003, lr  }
0x1b: {  	s9 =	sadd.s32 $0xFFFFFEF7, lr;
	s5 =	simm.s32 $0xFFFFFFFF;
	p2 =	slt.u32 s8, $0xFFFFF086  }
0x1c: {  	p1 =	slt.u32 s9, $0xF7A;
	s5 =	simm.s32 @!p2 $0x0  }
0x1d: {  	s5 =	simm.s32 @p1 $0x1;
	p0 =	seq.s32 s7, s2  }
0x1e: {  	s7 =	smul.u32 @!p0 $0xF7A, s2;
	p2 =	seq.s32 @!p0 s5, $0x0  }
0x1f: {  	s9 =	smul.u32 $0xF7A, s1;
	s8 =	simm.s32 @!p0 $0x1BF5;
	p2 =	por !p2, p0  }
0x20: {  	[sflag:s8] =	ssyncset.s32 @!p0 $0xFFFFF086;
	s6 =	sadd.s32 @!p0 s3, s7;
	s7 =	simm.s32 @!p0 $0x108  }
0x21: {  	s3 =	sadd.s32 s3, s9;
	s6 =	sadd.s32 @!p0 $0x88, s6;
	s7 =	simm.s32 @p2 $0x1082  }
0x22: {  	[simem:s7], [sflag:s8] =	dma.local @!p0 [hbm:s6], $0xF7A  }
0x23: {  	s9 =	sor.u32 $0xD0000000, s2;
	s6 =	simm.s32 $0x108;
	_ =	swait.ge @!p0 [sflag:s8], $0x0  }
0x24: {  	s3 =	sadd.s32 $0x88, s3;
	s6 =	simm.s32 @!p1 $0x1082;
	[sflag:s4] =	ssyncset.s32 $0xFFFFF086  }
0x25: {  	[simem:s6], [sflag:s4] =	dma.local [hbm:s3], $0xF7A  }
0x26: {  	[smem:$0x3F9F] =	sst s1;
	(tag) =	ssettag s2;
	_ =	strace s9  }
0x27: {  	s1 =	sld [smem:$0x3FAF]  }
0x28: {  	s2 =	sld [smem:$0x3FB0]  }
0x29: {  	s4 =	sld [smem:$0x3FB2]  }
0x2a: {  	p0 =	seq.s32 s5, $0x0;
	s5 =	sld [smem:$0x3FB3]  }
0x2b: {  	s6 =	sld [smem:$0x3FB4]  }
0x2c: {  	s7 =	sld [smem:$0x3FB5]  }
0x2d: {  	s3 =	simm.s32 $0x108;
	s8 =	sld [smem:$0x3FB6]  }
0x2e: {  	s3 =	simm.s32 @!p0 $0x1082;
	s9 =	sld [smem:$0x3FB7]  }
0x2f: {  	lr =	sadd.s32 s0, s3;
	s0 =	sld [smem:$0x3FAE]  }
0x30: {  	s3 =	sld [smem:$0x3FB1]  }
0x31: {  	[smem:$0x3FBA] =	sst s10  }
0x32: {  	s10 =	sld [smem:$0x3FB8];
	_ =	sdelay $0x3  }
0x33: {  	p0 =	seq.s32 s10, $0x1;
	s10 =	sld [smem:$0x3FBA];
	_ =	sdelay $0x3  }
0x34: {  	[smem:$0x3FBA] =	sst s10  }
0x35: {  	s10 =	sld [smem:$0x3FB9];
	_ =	sdelay $0x3  }
0x36: {  	p1 =	seq.s32 s10, $0x1;
	s10 =	sld [smem:$0x3FBA];
	_ =	sdelay $0x3  }
0x37: {  	[smem:$0x3FBA] =	sst s10  }
0x38: {  	s10 =	sld [smem:$0x3FBB]  }
0x39: {  	_ = 	snop;
	(pc) =	sbr.ind lr, $3  }
0x3a: {  	_ = 	snop  }
0x3b: {  	_ = 	snop  }
0x3c: {  	p2 =	seq.s32 s10, $0x1;
	s10 =	sld [smem:$0x3FBA]  }
0x3d: {  	_ =	shalt  }
0x3e: {  	_ =	shalt  }
0x3f: {  	_ =	shalt  }
0x40: {  	_ =	shalt  }
0x41: {  	_ =	shalt  }
0x42: {  	_ =	shalt  }
0x43: {  	_ =	shalt  }
0x44: {  	_ =	shalt  }
0x45: {  	_ =	shalt  }
0x46: {  	_ =	shalt  }
0x47: {  	_ =	shalt  }
0x48: {  	_ =	shalt  }
0x49: {  	_ =	shalt  }
0x4a: {  	_ =	shalt  }
0x4b: {  	_ =	shalt  }
0x4c: {  	_ =	shalt  }
0x4d: {  	_ =	shalt  }
0x4e: {  	_ =	shalt  }
0x4f: {  	_ =	shalt  }
0x50: {  	_ =	shalt  }
0x51: {  	_ =	shalt  }
0x52: {  	_ =	shalt  }
0x53: {  	_ =	shalt  }
0x54: {  	_ =	shalt  }
0x55: {  	_ =	shalt  }
0x56: {  	_ =	shalt  }
0x57: {  	_ =	shalt  }
0x58: {  	_ =	shalt  }
0x59: {  	_ =	shalt  }
0x5a: {  	_ =	shalt  }
0x5b: {  	_ =	shalt  }
0x5c: {  	_ =	shalt  }
0x5d: {  	_ =	shalt  }
0x5e: {  	_ =	shalt  }
0x5f: {  	_ =	shalt  }
0x60: {  	_ =	shalt  }
0x61: {  	_ =	shalt  }
0x62: {  	_ =	shalt  }
0x63: {  	_ =	shalt  }
0x64: {  	_ =	shalt  }
0x65: {  	_ =	shalt  }
0x66: {  	_ =	shalt  }
0x67: {  	_ =	shalt  }
0x68: {  	_ =	shalt  }
0x69: {  	_ =	shalt  }
0x6a: {  	_ =	shalt  }
0x6b: {  	_ =	shalt  }
0x6c: {  	_ =	shalt  }
0x6d: {  	_ =	shalt  }
0x6e: {  	_ =	shalt  }
0x6f: {  	_ =	shalt  }
0x70: {  	_ =	shalt  }
0x71: {  	_ =	shalt  }
0x72: {  	_ =	shalt  }
0x73: {  	_ =	shalt  }
0x74: {  	_ =	shalt  }
0x75: {  	_ =	shalt  }
0x76: {  	_ =	shalt  }
0x77: {  	_ =	shalt  }
0x78: {  	_ =	shalt  }
0x79: {  	_ =	shalt  }
0x7a: {  	_ =	shalt  }
0x7b: {  	_ =	shalt  }
0x7c: {  	_ =	shalt  }
0x7d: {  	_ =	shalt  }
0x7e: {  	_ =	shalt  }
0x7f: {  	_ =	shalt  }
0x80: {  	_ =	shalt  }
0x81: {  	_ =	shalt  }
0x82: {  	_ =	shalt  }
0x83: {  	_ =	shalt  }
0x84: {  	_ =	shalt  }
0x85: {  	_ =	shalt  }
0x86: {  	_ =	shalt  }
0x87: {  	_ =	shalt  }
.Lfunc_end0:
.L_simem_size_0:
called_computation_lowered:
.L_overlay_start_0:
0x88: {  	s2 =	sld [smem:$0x3FD9]  }
0x89: {  	s3 =	sld [smem:$0x3FFE];
	_ =	sdelay $0x1  }
0x8a: {  	s1 =	srdreg.scid  }
0x8b: {  	s0 =	sand.u32 $0x1, s1  }
0x8c: {  	s18 =	sshll.u32 s0, $0xA;
	s2 =	sadd.s32 s3, s2  }
0x8d: {  	s2 =	sadd.s32 s2, s18  }
0x8e: {  	[smem:$0x3FC6] =	sst s2  }
0x8f: {  	_ = 	snop  }
0x90: {  	s2 =	sld [smem:$0x3FC9]  }
0x91: {  	s19 =	sld [smem:$0x3FC8]  }
0x92: {  	s4 =	sld [smem:$0x3FD0];
	(tm) =	ssettm $0x1  }
0x93: {  	s5 =	sld [smem:$0x3FFB];
	_ =	sdelay $0x3  }
0x94: {  	_ =	strace s5  }
0x95: {  	s5 =	sld [smem:$0x3FFC];
	_ =	sdelay $0x3  }
0x96: {  	_ =	strace s5  }
0x97: {  	s5 =	sld [smem:$0x3FFD];
	_ =	sdelay $0x3  }
0x98: {  	_ =	strace s5  }
0x99: {  	_ =	strace $0x8FFFFFFF  }
0x9a: {  	s20 =	sld [smem:$0x3FDB];
	_ =	sdelay $0x1  }
0x9b: {  	s6 =	simm.s32 $_scs_section_size  }
0x9c: {  	s7 =	simm.s32 $_size__tile_overlayer_lowered;
	s8 =	simm.s32 $_tile_overlayer_lowered  }
0x9d: {  	s23 =	simm.s32 $0x1BFF;
	s22 =	sshll.u32 s8, $0x1;
	s5 =	sadd.s32 s6, s20  }
0x9e: {  	s9 =	simm.s32 $0x0;
	s21 =	sshll.u32 s7, $0x1;
	s7 =	sadd.s32 s22, s5  }
0x9f: {  	[timem:s9], [sflag:s23] =	dma.local [hbm:s7], s21  }
0xa0: {  	_ =	swait.ge [sflag:s23], s21  }
0xa1: {  	s6 =	ssub.s32 $0x0, s21;
	[sflag:s23] =	ssyncset.done $0x0  }
0xa2: {  	[sflag:s23] =	ssyncadd.s32 s6;
	_ =	sdelay $0x1  }
0xa3: {  	s24 =	simm.s32 $0x1B8B  }
0xa4: {  	_ =	swait.ge [sflag:s24], $0x1  }
0xa5: {  	[sflag:s24] =	ssyncset.done $0x0  }
0xa6: {  	s25 =	simm.s32 $0x1B8E;
	[sflag:s24] =	ssyncadd.s32 $0xFFFFFFFF  }
0xa7: {  	s26 =	simm.s32 $execute0_lowered;
	[smem:$0x3FD2] =	sst s25  }
0xa8: {  	s6 =	sshll.u32 s26, $0x1;
	_ =	strace $0x80000046;
	[dreg:$0x1] =	wrdreg $0xFFFFFFFF  }
0xa9: {  	s28 =	simm.s32 $_size_execute0_lowered;
	s5 =	sadd.s32 s5, s6;
	[dreg:$0x0] =	wrdreg $0x0  }
0xaa: {  	s6 =	sshll.u32 s28, $0x1;
	[dreg:$0x2] =	wrdreg s5  }
0xab: {  	[dreg:$0x3] =	wrdreg s6  }
0xac: {  	[dreg:$0x4] =	wrdreg $0xC0  }
0xad: {  	_ =	task [dreg:s9], $0x5FFFF  }
0xae: {  	[dreg:$0x1] =	wrdreg $0xFFFFFFFF  }
0xaf: {  	[dreg:$0x0] =	wrdreg $0x60  }
0xb0: {  	[dreg:$0x2] =	wrdreg s2  }
0xb1: {  	[dreg:$0x3] =	wrdreg s19  }
0xb2: {  	[dreg:$0x4] =	wrdreg s4  }
0xb3: {  	[dreg:$0x5] =	wrdreg $0x9  }
0xb4: {  	_ =	task.clear_ibuf [dreg:s9], $0x6FFFF;
	_ =	strace $0x90000046  }
0xb5: {  	s29 =	simm.s32 $0x9;
	_ =	strace $0x80000048  }
0xb6: {  	_ =	swait.ge [sflag:s29], $0x1  }
0xb7: {  	[sflag:s29] =	ssyncadd.s32 $0xFFFFFFFF  }
0xb8: {  	_ =	strace $0x90000048  }
0xb9: {  	_ =	sfence  }
0xba: {  	s30 =	sld [smem:$0x0];
	_ =	sdelay $0x2  }
0xbb: {  	s31 =	sshll.u32 s1, $0xD;
	s1 =	sshrl.u32 s1, $0x2  }
0xbc: {  	s3 =	sand.u32 $0x4000, s31;
	s1 =	sadd.s32 s1, s30  }
0xbd: {  	s0 =	sor.u32 s3, s0;
	s1 =	sshll.u32 s1, $0x11  }
0xbe: {  	s0 =	sor.u32 s1, s0  }
0xbf: {  	s0 =	sadd.s32 $0x8F2B, s0  }
0xc0: {  	[sflag:s0] =	ssyncadd.remote.s32 $0x1  }
0xc1: {  	_ =	sfence.sel $0xFFFF  }
0xc2: {  	[dreg:$0x0] =	wrdreg $0xFFFFFFFF;
	(pc) =	sbr.abs _section_cstart, $3  }
0xc3: {  	[dreg:$0x1] =	wrdreg $0xFFFFFFFF  }
0xc4: {  	_ =	task.clear_ibuf [dreg:s9], $0x2FFFF;
	_ =	strace $0x9FFFFFFF  }
0xc5: {  	(tm) =	ssettm $0x7FFFFFFF  }
tec
execute0_lowered:
.L_overlay_start_1:
0x0: {  	(tag) =	ssettag $0x1  }
0x1: {  	s1 =	rddreg [dreg:$0x0]  }
0x2: {  	s0 =	rddreg [dreg:$0x1]  }
0x3: {  	s2 =	rddreg [dreg:$0x2];
	s3 =	simm.s32 $0x0;
	s4 =	srdreg.scid  }
0x4: {  	s5 =	stileid.u32;
	s11 =	simm.s32 $0xE;
	s12 =	simm.s32 $0x40  }
0x5: {  	s23 =	simm.s32 $0xA400;
	s28 =	simm.s32 $0xE400;
	s29 =	simm.s32 $0x1  }
0x6: {  	s30 =	simm.s32 $0x2;
	s31 =	simm.s32 $0x3;
	s14 =	simm.s32 $0x6  }
0x7: {  	s16 =	simm.s32 $0x7;
	s17 =	simm.s32 $0x8;
	s18 =	simm.s32 $0x9  }
0x8: {  	s20 =	simm.s32 $0xA;
	s21 =	simm.s32 $0xB;
	s22 =	simm.s32 $0xC  }
0x9: {  	s24 =	simm.s32 $0xD;
	s25 =	simm.s32 $0x0;
	s4 =	sand.u32 $0x1, s4  }
0xa: {  	[smem:$0x7FF] =	sst s3;
	s5 =	sshll.u32 s5, $0x1;
	s6 =	ssub.s32 $0x2, s4  }
0xb: {  	_ =	strace $0x80000047;
	s4 =	sor.u32 s4, s5;
	s26 =	sshrl.u32 s6, $0x1  }
0xc: {  	s7 =	sshll.u32 s4, $0x7;
	s8 =	sshll.u32 s4, $0xD;
	s10 =	ssub.s32 s6, s26  }
0xd: {  	s4 =	sadd.s32 s0, s7;
	s5 =	sadd.s32 s2, s8;
	s0 =	simm.s32 $0x4  }
0xe: {  	s2 =	simm.s32 $0x5;
	s6 =	sadd.s32 $0x400, s5;
	s7 =	sadd.s32 $0xC00, s5  }
0xf: {  	s8 =	sadd.s32 $0x1400, s5;
	s9 =	sadd.s32 $0x1C00, s5;
	s10 =	smax.u32 s10, $0x1  }
.LBB2_1:
0x10: {  	[tilespmem:s3], [sflag:$0xE] =	stream.linear.gather [hbm4b:s4+s3], $0x400, $0x38;
	[tilespmem:$0x10400] =	vst v63  }
0x11: {  	_ =	swait.ge [sflag:s11], $0x400  }
0x12: {  	[sflag:s11] =	ssyncset.done $0x0  }
0x13: {  	s13 =	simm.s32 $0x400;
	[sflag:s11] =	ssyncadd.s32 $0xFFFFFC00  }
0x14: {  	[tilespmem:s13], [sflag:$0x1] =	stream.indirect.gather [hbm4b:s1+s12], $0x80, s3, s12, $0xb8;
	[tilespmem:$0x10400] =	vst v63  }
0x15: {  	s26 =	simm.s32 $0x80;
	s15 =	simm.s32 $0x2400  }
0x16: {  	[tilespmem:s15], [sflag:$0x2] =	stream.indirect.gather [hbm4b:s1+s12], $0x80, s26, s12, $0xb8;
	[tilespmem:$0x10400] =	vst v63  }
0x17: {  	s19 =	simm.s32 $0x100;
	s26 =	simm.s32 $0x4400  }
0x18: {  	[tilespmem:s26], [sflag:$0x3] =	stream.indirect.gather [hbm4b:s1+s12], $0x80, s19, s12, $0xb8;
	[tilespmem:$0x10400] =	vst v63  }
0x19: {  	s19 =	simm.s32 $0x180;
	s26 =	simm.s32 $0x6400  }
0x1a: {  	[tilespmem:s26], [sflag:$0x4] =	stream.indirect.gather [hbm4b:s1+s12], $0x80, s19, s12, $0xb8;
	[tilespmem:$0x10400] =	vst v63  }
0x1b: {  	s15 =	simm.s32 $0x200;
	s19 =	simm.s32 $0x8400  }
0x1c: {  	[tilespmem:s19], [sflag:$0x5] =	stream.indirect.gather [hbm4b:s1+s12], $0x80, s15, s12, $0xb8;
	[tilespmem:$0x10400] =	vst v63  }
0x1d: {  	s26 =	simm.s32 $0x280  }
0x1e: {  	[tilespmem:s23], [sflag:$0x6] =	stream.indirect.gather [hbm4b:s1+s12], $0x80, s26, s12, $0xb8;
	[tilespmem:$0x10400] =	vst v63  }
0x1f: {  	s15 =	simm.s32 $0x300;
	s19 =	simm.s32 $0xC400  }
0x20: {  	[tilespmem:s19], [sflag:$0x7] =	stream.indirect.gather [hbm4b:s1+s12], $0x80, s15, s12, $0xb8;
	[tilespmem:$0x10400] =	vst v63  }
0x21: {  	s26 =	simm.s32 $0x380  }
0x22: {  	[tilespmem:s28], [sflag:$0x8] =	stream.indirect.gather [hbm4b:s1+s12], $0x80, s26, s12, $0xb8;
	[tilespmem:$0x10400] =	vst v63  }
0x23: {  	_ =	swait.ge [sflag:s29], $0x2000  }
0x24: {  	[sflag:s29] =	ssyncset.done $0x0  }
0x25: {  	s26 =	simm.s32 $0x480;
	[sflag:s29] =	ssyncadd.s32 $0xFFFFE000  }
0x26: {  	v0 =	vld [tilespmem:s26+$0x40]  }
0x27: {  	v1 =	vld [tilespmem:s26+$0xFFFFFFA0]  }
0x28: {  	v2 =	vld [tilespmem:s26+$0xFFFFFF80]  }
0x29: {  	v3 =	vld [tilespmem:s26+$0x60]  }
0x2a: {  	v4 =	vld [tilespmem:s26+$0x0]  }
0x2b: {  	v5 =	vld [tilespmem:s26+$0xFFFFFF90];
	v0 =	vsub.f32 $0.0e+00, v0  }
0x2c: {  	v6 =	vld [tilespmem:s26+$0x70];
	v1 =	vsub.f32 $0.0e+00, v1  }
0x2d: {  	v7 =	vld [tilespmem:s26+$0x50];
	v2 =	vsub.f32 $0.0e+00, v2;
	v0 =	vmul.f32 $1.442695020e+00, v0  }
0x2e: {  	s13 =	simm.s32 $0x580;
	v8 =	vld [tilespmem:s26+$0xFFFFFFF0];
	v3 =	vsub.f32 $0.0e+00, v3;
	v1 =	vmul.f32 $1.442695020e+00, v1  }
0x2f: {  	v10 =	vld [tilespmem:s13+$0xFFFFFFA0];
	v4 =	vsub.f32 $0.0e+00, v4;
	v2 =	vmul.f32 $1.442695020e+00, v2;
	(erf) = vpow2.f32 v0  }
0x30: {  	v14 =	vld [tilespmem:s13+$0x70];
	v5 =	vsub.f32 $0.0e+00, v5;
	v3 =	vmul.f32 $1.442695020e+00, v3;
	(erf) = vpow2.f32 v1  }
0x31: {  	v12 =	vld [tilespmem:s13+$0xFFFFFF80];
	v4 =	vmul.f32 $1.442695020e+00, v4;
	(erf) = vpow2.f32 v2  }
0x32: {  	v18 =	vld [tilespmem:s13+$0x40];
	v5 =	vmul.f32 $1.442695020e+00, v5;
	(erf) = vpow2.f32 v3  }
0x33: {  	v8 =	vsub.f32 $0.0e+00, v8;
	v0 =	vld [tilespmem:s26+$0x30];
	(erf) = vpow2.f32 v4  }
0x34: {  	v19 =	vld [tilespmem:s13+$0x30];
	v1 =	vsub.f32 $0.0e+00, v6;
	(erf) = vpow2.f32 v5;
	v5 =	vsub.f32 $0.0e+00, v7  }
0x35: {  	v10 =	vsub.f32 $0.0e+00, v10;
	v14 =	vsub.f32 $0.0e+00, v14;
	v6 =	vld [tilespmem:s26+$0x10]  }
0x36: {  	v12 =	vsub.f32 $0.0e+00, v12;
	v1 =	vmul.f32 $1.442695020e+00, v1;
	v7 =	vld [tilespmem:s26+$0x20];
	v5 =	vmul.f32 $1.442695020e+00, v5  }
0x37: {  	v8 =	vmul.f32 $1.442695020e+00, v8;
	v21 =	vmul.f32 $1.442695020e+00, v14;
	v14 =	vsub.f32 $0.0e+00, v18;
	v2 =	vld [tilespmem:s26+$0xFFFFFFD0]  }
0x38: {  	v10 =	vmul.f32 $1.442695020e+00, v10;
	v0 =	vsub.f32 $0.0e+00, v0;
	(erf) = vpow2.f32 v1  }
0x39: {  	v12 =	vmul.f32 $1.442695020e+00, v12;
	v18 =	vsub.f32 $0.0e+00, v19;
	v14 =	vmul.f32 $1.442695020e+00, v14;
	v4 =	vld [tilespmem:s26+$0xFFFFFFE0];
	v9 =	vpop (erf)  }
0x3a: {  	v1 =	vld [tilespmem:s26+$0xFFFFFFC0];
	v6 =	vsub.f32 $0.0e+00, v6;
	v11 =	vmul.f32 $1.442695020e+00, v0;
	(erf) = vpow2.f32 v5;
	v5 =	vpop (erf)  }
0x3b: {  	v23 =	vmul.f32 $1.442695020e+00, v18;
	v3 =	vld [tilespmem:s26+$0xFFFFFFB0];
	v7 =	vsub.f32 $0.0e+00, v7;
	v5 =	vadd.f32 $1.000000000e+00, v5  }
0x3c: {  	v20 =	vld [tilespmem:s13+$0x10];
	v2 =	vsub.f32 $0.0e+00, v2;
	v6 =	vmul.f32 $1.442695020e+00, v6;
	(erf) = vpow2.f32 v11;
	v0 =	vpop (erf)  }
0x3d: {  	v11 =	vld [tilespmem:s13+$0x60];
	v7 =	vmul.f32 $1.442695020e+00, v7;
	v13 =	vpop (erf);
	(erf) = vrcp.f32 v5  }
0x3e: {  	v4 =	vsub.f32 $0.0e+00, v4;
	v2 =	vmul.f32 $1.442695020e+00, v2;
	v15 =	vpop (erf);
	v5 =	vld [tilespmem:s13+$0x50];
	(erf) = vpow2.f32 v8  }
0x3f: {  	v1 =	vsub.f32 $0.0e+00, v1;
	v8 =	vadd.f32 $1.000000000e+00, v15;
	v15 =	vld [tilespmem:s13+$0x0];
	(erf) = vpow2.f32 v7  }
0x40: {  	v3 =	vsub.f32 $0.0e+00, v3;
	v4 =	vmul.f32 $1.442695020e+00, v4;
	v16 =	vpop (erf);
	(erf) = vpow2.f32 v2;
	v2 =	vld [tilespmem:s13+$0xFFFFFFD0]  }
0x41: {  	v20 =	vsub.f32 $0.0e+00, v20;
	v1 =	vmul.f32 $1.442695020e+00, v1;
	v17 =	vpop (erf);
	(erf) = vpow2.f32 v6  }
0x42: {  	v3 =	vmul.f32 $1.442695020e+00, v3;
	v17 =	vadd.f32 $1.000000000e+00, v17;
	v6 =	vld [tilespmem:s13+$0xFFFFFF90];
	(erf) = vpow2.f32 v4  }
0x43: {  	v11 =	vsub.f32 $0.0e+00, v11;
	v7 =	vpop (erf);
	v5 =	vsub.f32 $0.0e+00, v5;
	v4 =	vld [tilespmem:s13+$0xFFFFFFB0];
	(erf) = vpow2.f32 v1  }
0x44: {  	v19 =	vld [tilespmem:s13+$0xFFFFFFC0];
	v7 =	vadd.f32 $1.000000000e+00, v7;
	v15 =	vsub.f32 $0.0e+00, v15;
	(erf) = vpow2.f32 v3  }
0x45: {  	v1 =	vpop (erf);
	v22 =	vmul.f32 $1.442695020e+00, v5;
	v5 =	vld [tilespmem:s13+$0xFFFFFFE0];
	(erf) = vrcp.f32 v17;
	v2 =	vsub.f32 $0.0e+00, v2  }
0x46: {  	v18 =	vld [tilespmem:s13+$0x20];
	v11 =	vmul.f32 $1.442695020e+00, v11;
	v1 =	vadd.f32 $1.000000000e+00, v1;
	v17 =	vpop (erf);
	(erf) = vrcp.f32 v7  }
0x47: {  	v15 =	vmul.f32 $1.442695020e+00, v15;
	v7 =	vsub.f32 $0.0e+00, v6;
	v24 =	vpop (erf);
	(erf) = vpow2.f32 v14  }
0x48: {  	v6 =	vadd.f32 $1.000000000e+00, v16;
	v4 =	vsub.f32 $0.0e+00, v4;
	v16 =	vpop (erf);
	(erf) = vrcp.f32 v1  }
0x49: {  	v19 =	vsub.f32 $0.0e+00, v19;
	v14 =	vld [tilespmem:s13+$0xFFFFFFF0];
	v3 =	vmul.f32 $1.442695020e+00, v2;
	(erf) = vpow2.f32 v10;
	v2 =	vpop (erf)  }
0x4a: {  	v1 =	vmul.f32 $1.442695020e+00, v4;
	v4 =	vsub.f32 $0.0e+00, v5;
	(erf) = vpow2.f32 v12;
	v12 =	vpop (erf)  }
0x4b: {  	v10 =	vmul.f32 $1.442695020e+00, v7;
	v5 =	vsub.f32 $0.0e+00, v18;
	v25 =	vpop (erf);
	(erf) = vrcp.f32 v8  }
0x4c: {  	v4 =	vmul.f32 $1.442695020e+00, v4;
	v8 =	vadd.f32 $1.000000000e+00, v9;
	(erf) = vpow2.f32 v11;
	v9 =	vpop (erf)  }
0x4d: {  	[tilespmem:s26+$0xFFFFFFA0] =	vst v17;
	v17 =	vadd.f32 $1.000000000e+00, v2;
	v7 =	vmul.f32 $1.442695020e+00, v5;
	(erf) = vpow2.f32 v15;
	v18 =	vpop (erf)  }
0x4e: {  	v5 =	vmul.f32 $1.442695020e+00, v19;
	v11 =	vsub.f32 $0.0e+00, v14;
	(erf) = vpow2.f32 v10;
	v19 =	vpop (erf)  }
0x4f: {  	v12 =	vadd.f32 $1.000000000e+00, v12;
	v14 =	vadd.f32 $1.000000000e+00, v16;
	(erf) = vpow2.f32 v21;
	v16 =	vpop (erf)  }
0x50: {  	v15 =	vadd.f32 $1.000000000e+00, v24;
	v10 =	vmul.f32 $1.442695020e+00, v11;
	v2 =	vpop (erf);
	(erf) = vrcp.f32 v8  }
0x51: {  	v18 =	vadd.f32 $1.000000000e+00, v18;
	[tilespmem:s26+$0x70] =	vst v19;
	v8 =	vadd.f32 $1.000000000e+00, v25;
	(erf) = vpow2.f32 v22;
	v19 =	vpop (erf)  }
0x52: {  	v11 =	vadd.f32 $1.000000000e+00, v9;
	v9 =	vmul.f32 $1.442695020e+00, v20;
	[tilespmem:s26+$0x50] =	vst v16;
	v20 =	vpop (erf);
	(erf) = vpow2.f32 v23  }
0x53: {  	s15 =	simm.s32 $0x2;
	s19 =	simm.s32 $0x680;
	v16 =	vadd.f32 $1.000000000e+00, v13;
	[tilespmem:s26+$0x30] =	vst v19;
	v19 =	vadd.f32 $1.000000000e+00, v20;
	v13 =	vpop (erf);
	(erf) = vrcp.f32 v8  }
.LBB2_2:
0x54: {  	v20 =	vld [tilespmem:s19+$0xFFFFFFA0];
	s15 =	sadd.s32 $0x2, s15;
	(erf) = vrcp.f32 v18;
	v18 =	vpop (erf)  }
0x55: {  	v21 =	vld [tilespmem:s19+$0xFFFFFF80];
	p0 =	slt.u32 s15, $0x3E;
	v8 =	vpop (erf);
	[tilespmem:s26+$0x0] =	vst v18;
	(erf) = vrcp.f32 v17  }
0x56: {  	v17 =	vld [tilespmem:s19+$0x70];
	v18 =	vpop (erf);
	(erf) = vrcp.f32 v15  }
0x57: {  	v15 =	vld [tilespmem:s19+$0x60];
	v22 =	vpop (erf);
	(erf) = vrcp.f32 v19  }
0x58: {  	v26 =	vadd.f32 $1.000000000e+00, v0;
	v0 =	vmov v13;
	v19 =	vld [tilespmem:s19+$0x50];
	v23 =	vpop (erf);
	(erf) = vrcp.f32 v14  }
0x59: {  	v13 =	vsub.f32 $0.0e+00, v20;
	v14 =	vld [tilespmem:s19+$0x40];
	v20 =	vadd.f32 $1.000000000e+00, v23;
	(erf) = vrcp.f32 v6;
	v6 =	vpop (erf)  }
0x5a: {  	v18 =	vadd.f32 $1.000000000e+00, v18;
	v21 =	vsub.f32 $0.0e+00, v21;
	v23 =	vld [tilespmem:s19+$0x30];
	v25 =	vpop (erf);
	[tilespmem:s26+$0x40] =	vst v6;
	(erf) = vrcp.f32 v26  }
0x5b: {  	v13 =	vmul.f32 $1.442695020e+00, v13;
	v6 =	vld [tilespmem:s19+$0x0];
	v17 =	vsub.f32 $0.0e+00, v17;
	v24 =	vpop (erf);
	(erf) = vrcp.f32 v12  }
0x5c: {  	v12 =	vmul.f32 $1.442695020e+00, v21;
	v21 =	vld [tilespmem:s19+$0x10];
	v15 =	vsub.f32 $0.0e+00, v15;
	(erf) = vpow2.f32 v10;
	v10 =	vpop (erf)  }
0x5d: {  	v26 =	vld [tilespmem:s19+$0xFFFFFFD0];
	v27 =	vmul.f32 $1.442695020e+00, v17;
	v17 =	vadd.f32 $1.000000000e+00, v25;
	[tilespmem:s26+$0xFFFFFFE0] =	vst v10;
	v10 =	vpop (erf);
	(erf) = vrcp.f32 v16  }
0x5e: {  	v16 =	vld [tilespmem:s19+$0xFFFFFF90];
	v14 =	vsub.f32 $0.0e+00, v14;
	v25 =	vmul.f32 $1.442695020e+00, v15;
	[tilespmem:s26+$0xFFFFFFB0] =	vst v10;
	(erf) = vrcp.f32 v11;
	v10 =	vpop (erf)  }
0x5f: {  	v15 =	vsub.f32 $0.0e+00, v19;
	v19 =	vadd.f32 $1.000000000e+00, v24;
	v11 =	vld [tilespmem:s19+$0xFFFFFFB0];
	(erf) = vpow2.f32 v7;
	[tilespmem:s26+$0xFFFFFFD0] =	vst v10;
	v7 =	vpop (erf)  }
0x60: {  	v23 =	vsub.f32 $0.0e+00, v23;
	v10 =	vld [tilespmem:s19+$0xFFFFFFC0];
	v14 =	vmul.f32 $1.442695020e+00, v14;
	v24 =	vpop (erf);
	(erf) = vpow2.f32 v3;
	[tilespmem:s26+$0xFFFFFFF0] =	vst v7  }
0x61: {  	v29 =	vsub.f32 $0.0e+00, v6;
	v28 =	vmul.f32 $1.442695020e+00, v15;
	[tilespmem:s13+$0xFFFFFFA0] =	vst v24;
	(erf) = vpow2.f32 v9;
	v6 =	vpop (erf)  }
0x62: {  	v23 =	vmul.f32 $1.442695020e+00, v23;
	v7 =	vsub.f32 $0.0e+00, v26;
	v9 =	vld [tilespmem:s19+$0xFFFFFFE0];
	(erf) = vpow2.f32 v4;
	[tilespmem:s26+$0x20] =	vst v6;
	v4 =	vpop (erf)  }
0x63: {  	v21 =	vsub.f32 $0.0e+00, v21;
	v24 =	vmul.f32 $1.442695020e+00, v29;
	v15 =	vld [tilespmem:s19+$0x20];
	(erf) = vpow2.f32 v5;
	[tilespmem:s26+$0xFFFFFF90] =	vst v4;
	v3 =	vpop (erf)  }
0x64: {  	v6 =	vadd.f32 $1.000000000e+00, v22;
	v4 =	vsub.f32 $0.0e+00, v16;
	(erf) = vpow2.f32 v1;
	[tilespmem:s26+$0xFFFFFF80] =	vst v3;
	v1 =	vpop (erf)  }
0x65: {  	v5 =	vsub.f32 $0.0e+00, v11;
	v10 =	vsub.f32 $0.0e+00, v10;
	v11 =	vld [tilespmem:s19+$0xFFFFFFF0];
	v16 =	vpop (erf);
	(erf) = vrcp.f32 v20;
	[tilespmem:s26+$0x10] =	vst v1  }
0x66: {  	v3 =	vmul.f32 $1.442695020e+00, v7;
	(erf) = vrcp.f32 v17;
	v7 =	vpop (erf)  }
0x67: {  	v1 =	vmul.f32 $1.442695020e+00, v5;
	v5 =	vsub.f32 $0.0e+00, v9;
	(erf) = vpow2.f32 v14;
	[tilespmem:s26+$0x60] =	vst v7;
	v7 =	vpop (erf)  }
0x68: {  	v9 =	vmul.f32 $1.442695020e+00, v4;
	v14 =	vsub.f32 $0.0e+00, v15;
	v17 =	vpop (erf);
	(erf) = vrcp.f32 v19;
	[tilespmem:s26+$0xFFFFFFC0] =	vst v7;
	s26 =	smov.u32 s13;
	s13 =	smov.u32 s19  }
0x69: {  	v4 =	vmul.f32 $1.442695020e+00, v5;
	(erf) = vpow2.f32 v13;
	v13 =	vadd.f32 $1.000000000e+00, v2;
	v2 =	vpop (erf)  }
0x6a: {  	v19 =	vsub.f32 $0.0e+00, v11;
	v7 =	vmul.f32 $1.442695020e+00, v14;
	(erf) = vpow2.f32 v12;
	v12 =	vpop (erf)  }
0x6b: {  	v15 =	vadd.f32 $1.000000000e+00, v16;
	v5 =	vmul.f32 $1.442695020e+00, v10;
	v16 =	vpop (erf);
	(erf) = vrcp.f32 v18  }
0x6c: {  	v14 =	vadd.f32 $1.000000000e+00, v17;
	v10 =	vmul.f32 $1.442695020e+00, v19;
	(erf) = vpow2.f32 v25;
	v11 =	vpop (erf)  }
0x6d: {  	v17 =	vadd.f32 $1.000000000e+00, v2;
	v12 =	vadd.f32 $1.000000000e+00, v12;
	(erf) = vpow2.f32 v24;
	v2 =	vpop (erf)  }
0x6e: {  	v11 =	vadd.f32 $1.000000000e+00, v11;
	(erf) = vpow2.f32 v9;
	v18 =	vadd.f32 $1.000000000e+00, v2;
	v2 =	vpop (erf)  }
.Ltmp0:
0x6f: {  	v20 =	vadd.f32 $1.000000000e+00, v16;
	(erf) = vpow2.f32 v27;
	[tilespmem:s26+$0x70] =	vst v2;
	v9 =	vpop (erf);
	(pc) =	sbr.rel @p0 .LBB2_2-.Ltmp0, $4  }
0x70: {  	v2 =	vpop (erf);
	[tilespmem:s26+$0x50] =	vst v9;
	(erf) = vrcp.f32 v13  }
0x71: {  	(erf) = vpow2.f32 v28;
	v13 =	vpop (erf)  }
0x72: {  	v16 =	vadd.f32 $1.000000000e+00, v8;
	v9 =	vmul.f32 $1.442695020e+00, v21;
	v19 =	vpop (erf);
	(erf) = vpow2.f32 v23;
	[tilespmem:s26+$0x30] =	vst v13  }
0x73: {  	s19 =	sadd.s32 $0x100, s19;
	v19 =	vadd.f32 $1.000000000e+00, v19;
	v13 =	vpop (erf);
	(erf) = vrcp.f32 v20  }
0x74: {  	(erf) = vrcp.f32 v18;
	v8 =	vpop (erf)  }
0x75: {  	v18 =	vpop (erf);
	(erf) = vrcp.f32 v17  }
0x76: {  	v17 =	vpop (erf);
	(erf) = vrcp.f32 v15  }
0x77: {  	v0 =	vadd.f32 $1.000000000e+00, v0;
	v15 =	vpop (erf);
	(erf) = vrcp.f32 v19  }
0x78: {  	v19 =	vpop (erf);
	(erf) = vrcp.f32 v14  }
0x79: {  	(erf) = vrcp.f32 v6;
	v6 =	vpop (erf)  }
0x7a: {  	v14 =	vpop (erf);
	(erf) = vrcp.f32 v0  }
0x7b: {  	v0 =	vpop (erf);
	(erf) = vrcp.f32 v12  }
0x7c: {  	(erf) = vpow2.f32 v10;
	v10 =	vpop (erf)  }
0x7d: {  	v12 =	vpop (erf);
	(erf) = vrcp.f32 v16  }
0x7e: {  	(erf) = vrcp.f32 v11;
	v11 =	vpop (erf)  }
0x7f: {  	(erf) = vpow2.f32 v7;
	v7 =	vpop (erf)  }
0x80: {  	v16 =	vpop (erf);
	(erf) = vpow2.f32 v3  }
0x81: {  	(erf) = vpow2.f32 v9;
	v3 =	vpop (erf)  }
0x82: {  	(erf) = vpow2.f32 v4;
	v4 =	vpop (erf)  }
0x83: {  	(erf) = vpow2.f32 v5;
	v5 =	vpop (erf)  }
0x84: {  	(erf) = vpow2.f32 v1;
	v1 =	vpop (erf)  }
0x85: {  	v9 =	vpop (erf)  }
0x86: {  	v20 =	vpop (erf)  }
0x87: {  	[tilespmem:s26+$0x0] =	vst v8;
	v8 =	vpop (erf)  }
0x88: {  	v19 =	vadd.f32 $1.000000000e+00, v19;
	[tilespmem:s26+$0x40] =	vst v6;
	v6 =	vpop (erf)  }
0x89: {  	v14 =	vadd.f32 $1.000000000e+00, v14;
	[tilespmem:s26+$0xFFFFFFE0] =	vst v10;
	v10 =	vpop (erf)  }
0x8a: {  	v0 =	vadd.f32 $1.000000000e+00, v0;
	[tilespmem:s26+$0xFFFFFFB0] =	vst v12;
	(erf) = vrcp.f32 v19;
	v12 =	vpop (erf)  }
0x8b: {  	v17 =	vadd.f32 $1.000000000e+00, v17;
	[tilespmem:s26+$0xFFFFFFD0] =	vst v11;
	(erf) = vrcp.f32 v14;
	v11 =	vpop (erf)  }
0x8c: {  	[tilespmem:s26+$0xFFFFFFF0] =	vst v7;
	(erf) = vrcp.f32 v0;
	v0 =	vadd.f32 $1.000000000e+00, v2;
	v2 =	vpop (erf)  }
0x8d: {  	[tilespmem:s13+$0xFFFFFFA0] =	vst v16;
	(erf) = vrcp.f32 v17;
	v11 =	vadd.f32 $1.000000000e+00, v11;
	v7 =	vpop (erf)  }
0x8e: {  	[tilespmem:s26+$0x20] =	vst v3;
	(erf) = vrcp.f32 v0;
	v3 =	vadd.f32 $1.000000000e+00, v7  }
0x8f: {  	[tilespmem:s26+$0xFFFFFF90] =	vst v4;
	v0 =	vadd.f32 $1.000000000e+00, v10;
	(erf) = vrcp.f32 v11  }
0x90: {  	[tilespmem:s26+$0xFFFFFF80] =	vst v5;
	v4 =	vadd.f32 $1.000000000e+00, v9;
	(erf) = vrcp.f32 v3  }
0x91: {  	[tilespmem:s26+$0x10] =	vst v1;
	v1 =	vadd.f32 $1.000000000e+00, v6;
	(erf) = vrcp.f32 v0;
	v0 =	vadd.f32 $1.000000000e+00, v15  }
0x92: {  	[tilespmem:s26+$0x60] =	vst v20;
	(erf) = vrcp.f32 v4  }
0x93: {  	[tilespmem:s26+$0xFFFFFFC0] =	vst v8;
	v3 =	vpop (erf);
	v4 =	vadd.f32 $1.000000000e+00, v13;
	(erf) = vrcp.f32 v1  }
0x94: {  	v1 =	vadd.f32 $1.000000000e+00, v12;
	[tilespmem:s13+$0x70] =	vst v3;
	v3 =	vpop (erf);
	(erf) = vrcp.f32 v0  }
0x95: {  	[tilespmem:s13+$0x50] =	vst v3;
	v3 =	vadd.f32 $1.000000000e+00, v18;
	v0 =	vpop (erf);
	(erf) = vrcp.f32 v4  }
0x96: {  	v2 =	vadd.f32 $1.000000000e+00, v2;
	[tilespmem:s13+$0x30] =	vst v0;
	v0 =	vpop (erf);
	(erf) = vrcp.f32 v1  }
0x97: {  	[tilespmem:s13+$0x0] =	vst v0;
	v0 =	vpop (erf);
	(erf) = vrcp.f32 v3  }
0x98: {  	[tilespmem:s13+$0x40] =	vst v0;
	v0 =	vpop (erf);
	(erf) = vrcp.f32 v2  }
0x99: {  	[tilespmem:s13+$0xFFFFFFE0] =	vst v0;
	v0 =	vpop (erf)  }
0x9a: {  	[tilespmem:s13+$0xFFFFFFB0] =	vst v0;
	v0 =	vpop (erf)  }
0x9b: {  	[tilespmem:s13+$0xFFFFFFD0] =	vst v0;
	v0 =	vpop (erf)  }
0x9c: {  	[tilespmem:s13+$0xFFFFFFF0] =	vst v0;
	v0 =	vpop (erf)  }
0x9d: {  	[tilespmem:s13+$0x20] =	vst v0;
	v0 =	vpop (erf)  }
0x9e: {  	[tilespmem:s13+$0xFFFFFF90] =	vst v0;
	v0 =	vpop (erf)  }
0x9f: {  	[tilespmem:s13+$0xFFFFFF80] =	vst v0;
	v0 =	vpop (erf)  }
0xa0: {  	[tilespmem:s13+$0x10] =	vst v0;
	v0 =	vpop (erf)  }
0xa1: {  	[tilespmem:s13+$0x60] =	vst v0;
	v0 =	vpop (erf)  }
0xa2: {  	s26 =	simm.s32 $0x400;
	[tilespmem:s13+$0xFFFFFFC0] =	vst v0  }
0xa3: {  	[hbm4b:s5+s3] =	stream.linear.scatter [tilespmem:s26], [sflag:$0x9], $0x2000, $0x38;
	[tilespmem:$0x10400] =	vst v63  }
0xa4: {  	_ =	swait.ge [sflag:s30], $0x2000  }
0xa5: {  	[sflag:s30] =	ssyncset.done $0x0  }
0xa6: {  	[sflag:s30] =	ssyncadd.s32 $0xFFFFE000  }
0xa7: {  	_ =	swait.ge [sflag:s31], $0x2000  }
0xa8: {  	[sflag:s31] =	ssyncset.done $0x0  }
0xa9: {  	s26 =	simm.s32 $0x24F0;
	[sflag:s31] =	ssyncadd.s32 $0xFFFFE000  }
0xaa: {  	v0 =	vld [tilespmem:s26+$0xFFFFFFD0]  }
0xab: {  	v1 =	vld [tilespmem:s26+$0xFFFFFF30]  }
0xac: {  	v2 =	vld [tilespmem:s26+$0xFFFFFF10]  }
0xad: {  	v3 =	vld [tilespmem:s26+$0xFFFFFFF0]  }
0xae: {  	v4 =	vld [tilespmem:s26+$0xFFFFFF90]  }
0xaf: {  	v5 =	vld [tilespmem:s26+$0xFFFFFF20];
	v0 =	vsub.f32 $0.0e+00, v0  }
0xb0: {  	v6 =	vld [tilespmem:s26+$0x0];
	v1 =	vsub.f32 $0.0e+00, v1  }
0xb1: {  	v7 =	vld [tilespmem:s26+$0xFFFFFFE0];
	v2 =	vsub.f32 $0.0e+00, v2;
	v0 =	vmul.f32 $1.442695020e+00, v0  }
0xb2: {  	s13 =	simm.s32 $0x25F0;
	v8 =	vld [tilespmem:s26+$0xFFFFFF80];
	v3 =	vsub.f32 $0.0e+00, v3;
	v1 =	vmul.f32 $1.442695020e+00, v1  }
0xb3: {  	v10 =	vld [tilespmem:s13+$0xFFFFFF30];
	v4 =	vsub.f32 $0.0e+00, v4;
	v2 =	vmul.f32 $1.442695020e+00, v2;
	(erf) = vpow2.f32 v0  }
0xb4: {  	v14 =	vld [tilespmem:s13+$0x0];
	v5 =	vsub.f32 $0.0e+00, v5;
	v3 =	vmul.f32 $1.442695020e+00, v3;
	(erf) = vpow2.f32 v1  }
0xb5: {  	v12 =	vld [tilespmem:s13+$0xFFFFFF10];
	v4 =	vmul.f32 $1.442695020e+00, v4;
	(erf) = vpow2.f32 v2  }
0xb6: {  	v18 =	vld [tilespmem:s13+$0xFFFFFFD0];
	v5 =	vmul.f32 $1.442695020e+00, v5;
	(erf) = vpow2.f32 v3  }
0xb7: {  	v8 =	vsub.f32 $0.0e+00, v8;
	v0 =	vld [tilespmem:s26+$0xFFFFFFC0];
	(erf) = vpow2.f32 v4  }
0xb8: {  	v19 =	vld [tilespmem:s13+$0xFFFFFFC0];
	v1 =	vsub.f32 $0.0e+00, v6;
	(erf) = vpow2.f32 v5;
	v5 =	vsub.f32 $0.0e+00, v7  }
0xb9: {  	v10 =	vsub.f32 $0.0e+00, v10;
	v14 =	vsub.f32 $0.0e+00, v14;
	v6 =	vld [tilespmem:s26+$0xFFFFFFA0]  }
0xba: {  	v12 =	vsub.f32 $0.0e+00, v12;
	v1 =	vmul.f32 $1.442695020e+00, v1;
	v7 =	vld [tilespmem:s26+$0xFFFFFFB0];
	v5 =	vmul.f32 $1.442695020e+00, v5  }
0xbb: {  	v8 =	vmul.f32 $1.442695020e+00, v8;
	v21 =	vmul.f32 $1.442695020e+00, v14;
	v14 =	vsub.f32 $0.0e+00, v18;
	v2 =	vld [tilespmem:s26+$0xFFFFFF60]  }
0xbc: {  	v10 =	vmul.f32 $1.442695020e+00, v10;
	v0 =	vsub.f32 $0.0e+00, v0;
	(erf) = vpow2.f32 v1  }
0xbd: {  	v12 =	vmul.f32 $1.442695020e+00, v12;
	v18 =	vsub.f32 $0.0e+00, v19;
	v14 =	vmul.f32 $1.442695020e+00, v14;
	v4 =	vld [tilespmem:s26+$0xFFFFFF70];
	v9 =	vpop (erf)  }
0xbe: {  	v1 =	vld [tilespmem:s26+$0xFFFFFF50];
	v6 =	vsub.f32 $0.0e+00, v6;
	v11 =	vmul.f32 $1.442695020e+00, v0;
	(erf) = vpow2.f32 v5;
	v5 =	vpop (erf)  }
0xbf: {  	v23 =	vmul.f32 $1.442695020e+00, v18;
	v3 =	vld [tilespmem:s26+$0xFFFFFF40];
	v7 =	vsub.f32 $0.0e+00, v7;
	v5 =	vadd.f32 $1.000000000e+00, v5  }
0xc0: {  	v20 =	vld [tilespmem:s13+$0xFFFFFFA0];
	v2 =	vsub.f32 $0.0e+00, v2;
	v6 =	vmul.f32 $1.442695020e+00, v6;
	(erf) = vpow2.f32 v11;
	v0 =	vpop (erf)  }
0xc1: {  	v11 =	vld [tilespmem:s13+$0xFFFFFFF0];
	v7 =	vmul.f32 $1.442695020e+00, v7;
	v13 =	vpop (erf);
	(erf) = vrcp.f32 v5  }
0xc2: {  	v4 =	vsub.f32 $0.0e+00, v4;
	v2 =	vmul.f32 $1.442695020e+00, v2;
	v15 =	vpop (erf);
	v5 =	vld [tilespmem:s13+$0xFFFFFFE0];
	(erf) = vpow2.f32 v8  }
0xc3: {  	v1 =	vsub.f32 $0.0e+00, v1;
	v8 =	vadd.f32 $1.000000000e+00, v15;
	v15 =	vld [tilespmem:s13+$0xFFFFFF90];
	(erf) = vpow2.f32 v7  }
0xc4: {  	v3 =	vsub.f32 $0.0e+00, v3;
	v4 =	vmul.f32 $1.442695020e+00, v4;
	v16 =	vpop (erf);
	(erf) = vpow2.f32 v2;
	v2 =	vld [tilespmem:s13+$0xFFFFFF60]  }
0xc5: {  	v20 =	vsub.f32 $0.0e+00, v20;
	v1 =	vmul.f32 $1.442695020e+00, v1;
	v17 =	vpop (erf);
	(erf) = vpow2.f32 v6  }
0xc6: {  	v3 =	vmul.f32 $1.442695020e+00, v3;
	v17 =	vadd.f32 $1.000000000e+00, v17;
	v6 =	vld [tilespmem:s13+$0xFFFFFF20];
	(erf) = vpow2.f32 v4  }
0xc7: {  	v11 =	vsub.f32 $0.0e+00, v11;
	v7 =	vpop (erf);
	v5 =	vsub.f32 $0.0e+00, v5;
	v4 =	vld [tilespmem:s13+$0xFFFFFF40];
	(erf) = vpow2.f32 v1  }
0xc8: {  	v19 =	vld [tilespmem:s13+$0xFFFFFF50];
	v7 =	vadd.f32 $1.000000000e+00, v7;
	v15 =	vsub.f32 $0.0e+00, v15;
	(erf) = vpow2.f32 v3  }
0xc9: {  	v1 =	vpop (erf);
	v22 =	vmul.f32 $1.442695020e+00, v5;
	v5 =	vld [tilespmem:s13+$0xFFFFFF70];
	(erf) = vrcp.f32 v17;
	v2 =	vsub.f32 $0.0e+00, v2  }
0xca: {  	v18 =	vld [tilespmem:s13+$0xFFFFFFB0];
	v11 =	vmul.f32 $1.442695020e+00, v11;
	v1 =	vadd.f32 $1.000000000e+00, v1;
	v17 =	vpop (erf);
	(erf) = vrcp.f32 v7  }
0xcb: {  	v15 =	vmul.f32 $1.442695020e+00, v15;
	v7 =	vsub.f32 $0.0e+00, v6;
	v24 =	vpop (erf);
	(erf) = vpow2.f32 v14  }
0xcc: {  	v6 =	vadd.f32 $1.000000000e+00, v16;
	v4 =	vsub.f32 $0.0e+00, v4;
	v16 =	vpop (erf);
	(erf) = vrcp.f32 v1  }
0xcd: {  	v19 =	vsub.f32 $0.0e+00, v19;
	v14 =	vld [tilespmem:s13+$0xFFFFFF80];
	v3 =	vmul.f32 $1.442695020e+00, v2;
	(erf) = vpow2.f32 v10;
	v2 =	vpop (erf)  }
0xce: {  	v1 =	vmul.f32 $1.442695020e+00, v4;
	v4 =	vsub.f32 $0.0e+00, v5;
	(erf) = vpow2.f32 v12;
	v12 =	vpop (erf)  }
0xcf: {  	v10 =	vmul.f32 $1.442695020e+00, v7;
	v5 =	vsub.f32 $0.0e+00, v18;
	v25 =	vpop (erf);
	(erf) = vrcp.f32 v8  }
0xd0: {  	v4 =	vmul.f32 $1.442695020e+00, v4;
	v8 =	vadd.f32 $1.000000000e+00, v9;
	(erf) = vpow2.f32 v11;
	v9 =	vpop (erf)  }
0xd1: {  	[tilespmem:s26+$0xFFFFFF30] =	vst v17;
	v17 =	vadd.f32 $1.000000000e+00, v2;
	v7 =	vmul.f32 $1.442695020e+00, v5;
	(erf) = vpow2.f32 v15;
	v18 =	vpop (erf)  }
0xd2: {  	v5 =	vmul.f32 $1.442695020e+00, v19;
	v11 =	vsub.f32 $0.0e+00, v14;
	(erf) = vpow2.f32 v10;
	v19 =	vpop (erf)  }
0xd3: {  	v12 =	vadd.f32 $1.000000000e+00, v12;
	v14 =	vadd.f32 $1.000000000e+00, v16;
	(erf) = vpow2.f32 v21;
	v16 =	vpop (erf)  }
0xd4: {  	v15 =	vadd.f32 $1.000000000e+00, v24;
	v10 =	vmul.f32 $1.442695020e+00, v11;
	v2 =	vpop (erf);
	(erf) = vrcp.f32 v8  }
0xd5: {  	v18 =	vadd.f32 $1.000000000e+00, v18;
	[tilespmem:s26+$0x0] =	vst v19;
	v8 =	vadd.f32 $1.000000000e+00, v25;
	(erf) = vpow2.f32 v22;
	v19 =	vpop (erf)  }
0xd6: {  	v11 =	vadd.f32 $1.000000000e+00, v9;
	v9 =	vmul.f32 $1.442695020e+00, v20;
	[tilespmem:s26+$0xFFFFFFE0] =	vst v16;
	v20 =	vpop (erf);
	(erf) = vpow2.f32 v23  }
0xd7: {  	s15 =	simm.s32 $0x42;
	s19 =	simm.s32 $0x26F0;
	v16 =	vadd.f32 $1.000000000e+00, v13;
	[tilespmem:s26+$0xFFFFFFC0] =	vst v19;
	v19 =	vadd.f32 $1.000000000e+00, v20;
	v13 =	vpop (erf);
	(erf) = vrcp.f32 v8  }
.LBB2_4:
0xd8: {  	v20 =	vld [tilespmem:s19+$0xFFFFFF30];
	s15 =	sadd.s32 $0x2, s15;
	(erf) = vrcp.f32 v18;
	v18 =	vpop (erf)  }
0xd9: {  	v21 =	vld [tilespmem:s19+$0xFFFFFF10];
	p0 =	slt.u32 s15, $0xBE;
	v8 =	vpop (erf);
	[tilespmem:s26+$0xFFFFFF90] =	vst v18;
	(erf) = vrcp.f32 v17  }
0xda: {  	v17 =	vld [tilespmem:s19+$0x0];
	v18 =	vpop (erf);
	(erf) = vrcp.f32 v15  }
0xdb: {  	v15 =	vld [tilespmem:s19+$0xFFFFFFF0];
	v22 =	vpop (erf);
	(erf) = vrcp.f32 v19  }
0xdc: {  	v26 =	vadd.f32 $1.000000000e+00, v0;
	v0 =	vmov v13;
	v19 =	vld [tilespmem:s19+$0xFFFFFFE0];
	v23 =	vpop (erf);
	(erf) = vrcp.f32 v14  }
0xdd: {  	v13 =	vsub.f32 $0.0e+00, v20;
	v14 =	vld [tilespmem:s19+$0xFFFFFFD0];
	v20 =	vadd.f32 $1.000000000e+00, v23;
	(erf) = vrcp.f32 v6;
	v6 =	vpop (erf)  }
0xde: {  	v18 =	vadd.f32 $1.000000000e+00, v18;
	v21 =	vsub.f32 $0.0e+00, v21;
	v23 =	vld [tilespmem:s19+$0xFFFFFFC0];
	v25 =	vpop (erf);
	[tilespmem:s26+$0xFFFFFFD0] =	vst v6;
	(erf) = vrcp.f32 v26  }
0xdf: {  	v13 =	vmul.f32 $1.442695020e+00, v13;
	v6 =	vld [tilespmem:s19+$0xFFFFFF90];
	v17 =	vsub.f32 $0.0e+00, v17;
	v24 =	vpop (erf);
	(erf) = vrcp.f32 v12  }
0xe0: {  	v12 =	vmul.f32 $1.442695020e+00, v21;
	v21 =	vld [tilespmem:s19+$0xFFFFFFA0];
	v15 =	vsub.f32 $0.0e+00, v15;
	(erf) = vpow2.f32 v10;
	v10 =	vpop (erf)  }
0xe1: {  	v26 =	vld [tilespmem:s19+$0xFFFFFF60];
	v27 =	vmul.f32 $1.442695020e+00, v17;
	v17 =	vadd.f32 $1.000000000e+00, v25;
	[tilespmem:s26+$0xFFFFFF70] =	vst v10;
	v10 =	vpop (erf);
	(erf) = vrcp.f32 v16  }
0xe2: {  	v16 =	vld [tilespmem:s19+$0xFFFFFF20];
	v14 =	vsub.f32 $0.0e+00, v14;
	v25 =	vmul.f32 $1.442695020e+00, v15;
	[tilespmem:s26+$0xFFFFFF40] =	vst v10;
	(erf) = vrcp.f32 v11;
	v10 =	vpop (erf)  }
0xe3: {  	v15 =	vsub.f32 $0.0e+00, v19;
	v19 =	vadd.f32 $1.000000000e+00, v24;
	v11 =	vld [tilespmem:s19+$0xFFFFFF40];
	(erf) = vpow2.f32 v7;
	[tilespmem:s26+$0xFFFFFF60] =	vst v10;
	v7 =	vpop (erf)  }
0xe4: {  	v23 =	vsub.f32 $0.0e+00, v23;
	v10 =	vld [tilespmem:s19+$0xFFFFFF50];
	v14 =	vmul.f32 $1.442695020e+00, v14;
	v24 =	vpop (erf);
	(erf) = vpow2.f32 v3;
	[tilespmem:s26+$0xFFFFFF80] =	vst v7  }
0xe5: {  	v29 =	vsub.f32 $0.0e+00, v6;
	v28 =	vmul.f32 $1.442695020e+00, v15;
	[tilespmem:s13+$0xFFFFFF30] =	vst v24;
	(erf) = vpow2.f32 v9;
	v6 =	vpop (erf)  }
0xe6: {  	v23 =	vmul.f32 $1.442695020e+00, v23;
	v7 =	vsub.f32 $0.0e+00, v26;
	v9 =	vld [tilespmem:s19+$0xFFFFFF70];
	(erf) = vpow2.f32 v4;
	[tilespmem:s26+$0xFFFFFFB0] =	vst v6;
	v4 =	vpop (erf)  }
0xe7: {  	v21 =	vsub.f32 $0.0e+00, v21;
	v24 =	vmul.f32 $1.442695020e+00, v29;
	v15 =	vld [tilespmem:s19+$0xFFFFFFB0];
	(erf) = vpow2.f32 v5;
	[tilespmem:s26+$0xFFFFFF20] =	vst v4;
	v3 =	vpop (erf)  }
0xe8: {  	v6 =	vadd.f32 $1.000000000e+00, v22;
	v4 =	vsub.f32 $0.0e+00, v16;
	(erf) = vpow2.f32 v1;
	[tilespmem:s26+$0xFFFFFF10] =	vst v3;
	v1 =	vpop (erf)  }
0xe9: {  	v5 =	vsub.f32 $0.0e+00, v11;
	v10 =	vsub.f32 $0.0e+00, v10;
	v11 =	vld [tilespmem:s19+$0xFFFFFF80];
	v16 =	vpop (erf);
	(erf) = vrcp.f32 v20;
	[tilespmem:s26+$0xFFFFFFA0] =	vst v1  }
0xea: {  	v3 =	vmul.f32 $1.442695020e+00, v7;
	(erf) = vrcp.f32 v17;
	v7 =	vpop (erf)  }
0xeb: {  	v1 =	vmul.f32 $1.442695020e+00, v5;
	v5 =	vsub.f32 $0.0e+00, v9;
	(erf) = vpow2.f32 v14;
	[tilespmem:s26+$0xFFFFFFF0] =	vst v7;
	v7 =	vpop (erf)  }
0xec: {  	v9 =	vmul.f32 $1.442695020e+00, v4;
	v14 =	vsub.f32 $0.0e+00, v15;
	v17 =	vpop (erf);
	(erf) = vrcp.f32 v19;
	[tilespmem:s26+$0xFFFFFF50] =	vst v7;
	s26 =	smov.u32 s13;
	s13 =	smov.u32 s19  }
0xed: {  	v4 =	vmul.f32 $1.442695020e+00, v5;
	(erf) = vpow2.f32 v13;
	v13 =	vadd.f32 $1.000000000e+00, v2;
	v2 =	vpop (erf)  }
0xee: {  	v19 =	vsub.f32 $0.0e+00, v11;
	v7 =	vmul.f32 $1.442695020e+00, v14;
	(erf) = vpow2.f32 v12;
	v12 =	vpop (erf)  }
0xef: {  	v15 =	vadd.f32 $1.000000000e+00, v16;
	v5 =	vmul.f32 $1.442695020e+00, v10;
	v16 =	vpop (erf);
	(erf) = vrcp.f32 v18  }
0xf0: {  	v14 =	vadd.f32 $1.000000000e+00, v17;
	v10 =	vmul.f32 $1.442695020e+00, v19;
	(erf) = vpow2.f32 v25;
	v11 =	vpop (erf)  }
0xf1: {  	v17 =	vadd.f32 $1.000000000e+00, v2;
	v12 =	vadd.f32 $1.000000000e+00, v12;
	(erf) = vpow2.f32 v24;
	v2 =	vpop (erf)  }
0xf2: {  	v11 =	vadd.f32 $1.000000000e+00, v11;
	(erf) = vpow2.f32 v9;
	v18 =	vadd.f32 $1.000000000e+00, v2;
	v2 =	vpop (erf)  }
.Ltmp1:
0xf3: {  	v20 =	vadd.f32 $1.000000000e+00, v16;
	(erf) = vpow2.f32 v27;
	[tilespmem:s26+$0x0] =	vst v2;
	v9 =	vpop (erf);
	(pc) =	sbr.rel @p0 .LBB2_4-.Ltmp1, $4  }
0xf4: {  	v2 =	vpop (erf);
	[tilespmem:s26+$0xFFFFFFE0] =	vst v9;
	(erf) = vrcp.f32 v13  }
0xf5: {  	(erf) = vpow2.f32 v28;
	v13 =	vpop (erf)  }
0xf6: {  	v16 =	vadd.f32 $1.000000000e+00, v8;
	v9 =	vmul.f32 $1.442695020e+00, v21;
	v19 =	vpop (erf);
	(erf) = vpow2.f32 v23;
	[tilespmem:s26+$0xFFFFFFC0] =	vst v13  }
0xf7: {  	s19 =	sadd.s32 $0x100, s19;
	v19 =	vadd.f32 $1.000000000e+00, v19;
	v13 =	vpop (erf);
	(erf) = vrcp.f32 v20  }
0xf8: {  	(erf) = vrcp.f32 v18;
	v8 =	vpop (erf)  }
0xf9: {  	v18 =	vpop (erf);
	(erf) = vrcp.f32 v17  }
0xfa: {  	v17 =	vpop (erf);
	(erf) = vrcp.f32 v15  }
0xfb: {  	v0 =	vadd.f32 $1.000000000e+00, v0;
	v15 =	vpop (erf);
	(erf) = vrcp.f32 v19  }
0xfc: {  	v19 =	vpop (erf);
	(erf) = vrcp.f32 v14  }
0xfd: {  	(erf) = vrcp.f32 v6;
	v6 =	vpop (erf)  }
0xfe: {  	v14 =	vpop (erf);
	(erf) = vrcp.f32 v0  }
0xff: {  	v0 =	vpop (erf);
	(erf) = vrcp.f32 v12  }
0x100: {  	(erf) = vpow2.f32 v10;
	v10 =	vpop (erf)  }
0x101: {  	v12 =	vpop (erf);
	(erf) = vrcp.f32 v16  }
0x102: {  	(erf) = vrcp.f32 v11;
	v11 =	vpop (erf)  }
0x103: {  	(erf) = vpow2.f32 v7;
	v7 =	vpop (erf)  }
0x104: {  	v16 =	vpop (erf);
	(erf) = vpow2.f32 v3  }
0x105: {  	(erf) = vpow2.f32 v9;
	v3 =	vpop (erf)  }
0x106: {  	(erf) = vpow2.f32 v4;
	v4 =	vpop (erf)  }
0x107: {  	(erf) = vpow2.f32 v5;
	v5 =	vpop (erf)  }
0x108: {  	(erf) = vpow2.f32 v1;
	v1 =	vpop (erf)  }
0x109: {  	v9 =	vpop (erf)  }
0x10a: {  	v20 =	vpop (erf)  }
0x10b: {  	[tilespmem:s26+$0xFFFFFF90] =	vst v8;
	v8 =	vpop (erf)  }
0x10c: {  	v19 =	vadd.f32 $1.000000000e+00, v19;
	[tilespmem:s26+$0xFFFFFFD0] =	vst v6;
	v6 =	vpop (erf)  }
0x10d: {  	v14 =	vadd.f32 $1.000000000e+00, v14;
	[tilespmem:s26+$0xFFFFFF70] =	vst v10;
	v10 =	vpop (erf)  }
0x10e: {  	v0 =	vadd.f32 $1.000000000e+00, v0;
	[tilespmem:s26+$0xFFFFFF40] =	vst v12;
	(erf) = vrcp.f32 v19;
	v12 =	vpop (erf)  }
0x10f: {  	v17 =	vadd.f32 $1.000000000e+00, v17;
	[tilespmem:s26+$0xFFFFFF60] =	vst v11;
	(erf) = vrcp.f32 v14;
	v11 =	vpop (erf)  }
0x110: {  	[tilespmem:s26+$0xFFFFFF80] =	vst v7;
	(erf) = vrcp.f32 v0;
	v0 =	vadd.f32 $1.000000000e+00, v2;
	v2 =	vpop (erf)  }
0x111: {  	[tilespmem:s13+$0xFFFFFF30] =	vst v16;
	(erf) = vrcp.f32 v17;
	v11 =	vadd.f32 $1.000000000e+00, v11;
	v7 =	vpop (erf)  }
0x112: {  	[tilespmem:s26+$0xFFFFFFB0] =	vst v3;
	(erf) = vrcp.f32 v0;
	v3 =	vadd.f32 $1.000000000e+00, v7  }
0x113: {  	[tilespmem:s26+$0xFFFFFF20] =	vst v4;
	v0 =	vadd.f32 $1.000000000e+00, v10;
	(erf) = vrcp.f32 v11  }
0x114: {  	[tilespmem:s26+$0xFFFFFF10] =	vst v5;
	v4 =	vadd.f32 $1.000000000e+00, v9;
	(erf) = vrcp.f32 v3  }
0x115: {  	[tilespmem:s26+$0xFFFFFFA0] =	vst v1;
	v1 =	vadd.f32 $1.000000000e+00, v6;
	(erf) = vrcp.f32 v0;
	v0 =	vadd.f32 $1.000000000e+00, v15  }
0x116: {  	[tilespmem:s26+$0xFFFFFFF0] =	vst v20;
	(erf) = vrcp.f32 v4  }
0x117: {  	[tilespmem:s26+$0xFFFFFF50] =	vst v8;
	v3 =	vpop (erf);
	v4 =	vadd.f32 $1.000000000e+00, v13;
	(erf) = vrcp.f32 v1  }
0x118: {  	v1 =	vadd.f32 $1.000000000e+00, v12;
	[tilespmem:s13+$0x0] =	vst v3;
	v3 =	vpop (erf);
	(erf) = vrcp.f32 v0  }
0x119: {  	[tilespmem:s13+$0xFFFFFFE0] =	vst v3;
	v3 =	vadd.f32 $1.000000000e+00, v18;
	v0 =	vpop (erf);
	(erf) = vrcp.f32 v4  }
0x11a: {  	v2 =	vadd.f32 $1.000000000e+00, v2;
	[tilespmem:s13+$0xFFFFFFC0] =	vst v0;
	v0 =	vpop (erf);
	(erf) = vrcp.f32 v1  }
0x11b: {  	[tilespmem:s13+$0xFFFFFF90] =	vst v0;
	v0 =	vpop (erf);
	(erf) = vrcp.f32 v3  }
0x11c: {  	[tilespmem:s13+$0xFFFFFFD0] =	vst v0;
	v0 =	vpop (erf);
	(erf) = vrcp.f32 v2  }
0x11d: {  	[tilespmem:s13+$0xFFFFFF70] =	vst v0;
	v0 =	vpop (erf)  }
0x11e: {  	[tilespmem:s13+$0xFFFFFF40] =	vst v0;
	v0 =	vpop (erf)  }
0x11f: {  	[tilespmem:s13+$0xFFFFFF60] =	vst v0;
	v0 =	vpop (erf)  }
0x120: {  	[tilespmem:s13+$0xFFFFFF80] =	vst v0;
	v0 =	vpop (erf)  }
0x121: {  	[tilespmem:s13+$0xFFFFFFB0] =	vst v0;
	v0 =	vpop (erf)  }
0x122: {  	[tilespmem:s13+$0xFFFFFF20] =	vst v0;
	v0 =	vpop (erf)  }
0x123: {  	[tilespmem:s13+$0xFFFFFF10] =	vst v0;
	v0 =	vpop (erf)  }
0x124: {  	[tilespmem:s13+$0xFFFFFFA0] =	vst v0;
	v0 =	vpop (erf)  }
0x125: {  	[tilespmem:s13+$0xFFFFFFF0] =	vst v0;
	v0 =	vpop (erf)  }
0x126: {  	s26 =	simm.s32 $0x2400;
	[tilespmem:s13+$0xFFFFFF50] =	vst v0  }
0x127: {  	[hbm4b:s6+s3] =	stream.linear.scatter [tilespmem:s26], [sflag:$0xA], $0x4000, $0x38;
	[tilespmem:$0x10400] =	vst v63  }
0x128: {  	_ =	swait.ge [sflag:s0], $0x2000  }
0x129: {  	[sflag:s0] =	ssyncset.done $0x0  }
0x12a: {  	[sflag:s0] =	ssyncadd.s32 $0xFFFFE000  }
0x12b: {  	_ =	swait.ge [sflag:s2], $0x2000  }
0x12c: {  	[sflag:s2] =	ssyncset.done $0x0  }
0x12d: {  	s26 =	simm.s32 $0x6400;
	[sflag:s2] =	ssyncadd.s32 $0xFFFFE000  }
0x12e: {  	v0 =	vld [tilespmem:s26+$0xC0]  }
0x12f: {  	v1 =	vld [tilespmem:s26+$0x20]  }
0x130: {  	v2 =	vld [tilespmem:s26+$0x0]  }
0x131: {  	v3 =	vld [tilespmem:s26+$0xE0]  }
0x132: {  	v4 =	vld [tilespmem:s26+$0x80]  }
0x133: {  	v5 =	vld [tilespmem:s26+$0x10];
	v0 =	vsub.f32 $0.0e+00, v0  }
0x134: {  	v6 =	vld [tilespmem:s26+$0xF0];
	v1 =	vsub.f32 $0.0e+00, v1  }
0x135: {  	v7 =	vld [tilespmem:s26+$0xD0];
	v2 =	vsub.f32 $0.0e+00, v2;
	v0 =	vmul.f32 $1.442695020e+00, v0  }
0x136: {  	s13 =	simm.s32 $0x6500;
	v8 =	vld [tilespmem:s26+$0x70];
	v3 =	vsub.f32 $0.0e+00, v3;
	v1 =	vmul.f32 $1.442695020e+00, v1  }
0x137: {  	v10 =	vld [tilespmem:s13+$0x20];
	v4 =	vsub.f32 $0.0e+00, v4;
	v2 =	vmul.f32 $1.442695020e+00, v2;
	(erf) = vpow2.f32 v0  }
0x138: {  	v14 =	vld [tilespmem:s13+$0xF0];
	v5 =	vsub.f32 $0.0e+00, v5;
	v3 =	vmul.f32 $1.442695020e+00, v3;
	(erf) = vpow2.f32 v1  }
0x139: {  	v12 =	vld [tilespmem:s13+$0x0];
	v4 =	vmul.f32 $1.442695020e+00, v4;
	(erf) = vpow2.f32 v2  }
0x13a: {  	v18 =	vld [tilespmem:s13+$0xC0];
	v5 =	vmul.f32 $1.442695020e+00, v5;
	(erf) = vpow2.f32 v3  }
0x13b: {  	v8 =	vsub.f32 $0.0e+00, v8;
	v0 =	vld [tilespmem:s26+$0xB0];
	(erf) = vpow2.f32 v4  }
0x13c: {  	v19 =	vld [tilespmem:s13+$0xB0];
	v1 =	vsub.f32 $0.0e+00, v6;
	(erf) = vpow2.f32 v5;
	v5 =	vsub.f32 $0.0e+00, v7  }
0x13d: {  	v10 =	vsub.f32 $0.0e+00, v10;
	v14 =	vsub.f32 $0.0e+00, v14;
	v6 =	vld [tilespmem:s26+$0x90]  }
0x13e: {  	v12 =	vsub.f32 $0.0e+00, v12;
	v1 =	vmul.f32 $1.442695020e+00, v1;
	v7 =	vld [tilespmem:s26+$0xA0];
	v5 =	vmul.f32 $1.442695020e+00, v5  }
0x13f: {  	v8 =	vmul.f32 $1.442695020e+00, v8;
	v21 =	vmul.f32 $1.442695020e+00, v14;
	v14 =	vsub.f32 $0.0e+00, v18;
	v2 =	vld [tilespmem:s26+$0x50]  }
0x140: {  	v10 =	vmul.f32 $1.442695020e+00, v10;
	v0 =	vsub.f32 $0.0e+00, v0;
	(erf) = vpow2.f32 v1  }
0x141: {  	v12 =	vmul.f32 $1.442695020e+00, v12;
	v18 =	vsub.f32 $0.0e+00, v19;
	v14 =	vmul.f32 $1.442695020e+00, v14;
	v4 =	vld [tilespmem:s26+$0x60];
	v9 =	vpop (erf)  }
0x142: {  	v1 =	vld [tilespmem:s26+$0x40];
	v6 =	vsub.f32 $0.0e+00, v6;
	v11 =	vmul.f32 $1.442695020e+00, v0;
	(erf) = vpow2.f32 v5;
	v5 =	vpop (erf)  }
0x143: {  	v23 =	vmul.f32 $1.442695020e+00, v18;
	v3 =	vld [tilespmem:s26+$0x30];
	v7 =	vsub.f32 $0.0e+00, v7;
	v5 =	vadd.f32 $1.000000000e+00, v5  }
0x144: {  	v20 =	vld [tilespmem:s13+$0x90];
	v2 =	vsub.f32 $0.0e+00, v2;
	v6 =	vmul.f32 $1.442695020e+00, v6;
	(erf) = vpow2.f32 v11;
	v0 =	vpop (erf)  }
0x145: {  	v11 =	vld [tilespmem:s13+$0xE0];
	v7 =	vmul.f32 $1.442695020e+00, v7;
	v13 =	vpop (erf);
	(erf) = vrcp.f32 v5  }
0x146: {  	v4 =	vsub.f32 $0.0e+00, v4;
	v2 =	vmul.f32 $1.442695020e+00, v2;
	v15 =	vpop (erf);
	v5 =	vld [tilespmem:s13+$0xD0];
	(erf) = vpow2.f32 v8  }
0x147: {  	v1 =	vsub.f32 $0.0e+00, v1;
	v8 =	vadd.f32 $1.000000000e+00, v15;
	v15 =	vld [tilespmem:s13+$0x80];
	(erf) = vpow2.f32 v7  }
0x148: {  	v3 =	vsub.f32 $0.0e+00, v3;
	v4 =	vmul.f32 $1.442695020e+00, v4;
	v16 =	vpop (erf);
	(erf) = vpow2.f32 v2;
	v2 =	vld [tilespmem:s13+$0x50]  }
0x149: {  	v20 =	vsub.f32 $0.0e+00, v20;
	v1 =	vmul.f32 $1.442695020e+00, v1;
	v17 =	vpop (erf);
	(erf) = vpow2.f32 v6  }
0x14a: {  	v3 =	vmul.f32 $1.442695020e+00, v3;
	v17 =	vadd.f32 $1.000000000e+00, v17;
	v6 =	vld [tilespmem:s13+$0x10];
	(erf) = vpow2.f32 v4  }
0x14b: {  	v11 =	vsub.f32 $0.0e+00, v11;
	v7 =	vpop (erf);
	v5 =	vsub.f32 $0.0e+00, v5;
	v4 =	vld [tilespmem:s13+$0x30];
	(erf) = vpow2.f32 v1  }
0x14c: {  	v19 =	vld [tilespmem:s13+$0x40];
	v7 =	vadd.f32 $1.000000000e+00, v7;
	v15 =	vsub.f32 $0.0e+00, v15;
	(erf) = vpow2.f32 v3  }
0x14d: {  	v1 =	vpop (erf);
	v22 =	vmul.f32 $1.442695020e+00, v5;
	v5 =	vld [tilespmem:s13+$0x60];
	(erf) = vrcp.f32 v17;
	v2 =	vsub.f32 $0.0e+00, v2  }
0x14e: {  	v18 =	vld [tilespmem:s13+$0xA0];
	v11 =	vmul.f32 $1.442695020e+00, v11;
	v1 =	vadd.f32 $1.000000000e+00, v1;
	v17 =	vpop (erf);
	(erf) = vrcp.f32 v7  }
0x14f: {  	v15 =	vmul.f32 $1.442695020e+00, v15;
	v7 =	vsub.f32 $0.0e+00, v6;
	v24 =	vpop (erf);
	(erf) = vpow2.f32 v14  }
0x150: {  	v6 =	vadd.f32 $1.000000000e+00, v16;
	v4 =	vsub.f32 $0.0e+00, v4;
	v16 =	vpop (erf);
	(erf) = vrcp.f32 v1  }
0x151: {  	v19 =	vsub.f32 $0.0e+00, v19;
	v14 =	vld [tilespmem:s13+$0x70];
	v3 =	vmul.f32 $1.442695020e+00, v2;
	(erf) = vpow2.f32 v10;
	v2 =	vpop (erf)  }
0x152: {  	v1 =	vmul.f32 $1.442695020e+00, v4;
	v4 =	vsub.f32 $0.0e+00, v5;
	(erf) = vpow2.f32 v12;
	v12 =	vpop (erf)  }
0x153: {  	v10 =	vmul.f32 $1.442695020e+00, v7;
	v5 =	vsub.f32 $0.0e+00, v18;
	v25 =	vpop (erf);
	(erf) = vrcp.f32 v8  }
0x154: {  	v4 =	vmul.f32 $1.442695020e+00, v4;
	v8 =	vadd.f32 $1.000000000e+00, v9;
	(erf) = vpow2.f32 v11;
	v9 =	vpop (erf)  }
0x155: {  	[tilespmem:s26+$0x20] =	vst v17;
	v17 =	vadd.f32 $1.000000000e+00, v2;
	v7 =	vmul.f32 $1.442695020e+00, v5;
	(erf) = vpow2.f32 v15;
	v18 =	vpop (erf)  }
0x156: {  	v5 =	vmul.f32 $1.442695020e+00, v19;
	v11 =	vsub.f32 $0.0e+00, v14;
	(erf) = vpow2.f32 v10;
	v19 =	vpop (erf)  }
0x157: {  	v12 =	vadd.f32 $1.000000000e+00, v12;
	v14 =	vadd.f32 $1.000000000e+00, v16;
	(erf) = vpow2.f32 v21;
	v16 =	vpop (erf)  }
0x158: {  	v15 =	vadd.f32 $1.000000000e+00, v24;
	v10 =	vmul.f32 $1.442695020e+00, v11;
	v2 =	vpop (erf);
	(erf) = vrcp.f32 v8  }
0x159: {  	v18 =	vadd.f32 $1.000000000e+00, v18;
	[tilespmem:s26+$0xF0] =	vst v19;
	v8 =	vadd.f32 $1.000000000e+00, v25;
	(erf) = vpow2.f32 v22;
	v19 =	vpop (erf)  }
0x15a: {  	v11 =	vadd.f32 $1.000000000e+00, v9;
	v9 =	vmul.f32 $1.442695020e+00, v20;
	[tilespmem:s26+$0xD0] =	vst v16;
	v20 =	vpop (erf);
	(erf) = vpow2.f32 v23  }
0x15b: {  	s15 =	simm.s32 $0xC2;
	s19 =	simm.s32 $0x6600;
	v16 =	vadd.f32 $1.000000000e+00, v13;
	[tilespmem:s26+$0xB0] =	vst v19;
	v19 =	vadd.f32 $1.000000000e+00, v20;
	v13 =	vpop (erf);
	(erf) = vrcp.f32 v8  }
.LBB2_6:
0x15c: {  	v20 =	vld [tilespmem:s19+$0x20];
	s15 =	sadd.s32 $0x2, s15;
	(erf) = vrcp.f32 v18;
	v18 =	vpop (erf)  }
0x15d: {  	v21 =	vld [tilespmem:s19+$0x0];
	p0 =	slt.u32 s15, $0x13E;
	v8 =	vpop (erf);
	[tilespmem:s26+$0x80] =	vst v18;
	(erf) = vrcp.f32 v17  }
0x15e: {  	v17 =	vld [tilespmem:s19+$0xF0];
	v18 =	vpop (erf);
	(erf) = vrcp.f32 v15  }
0x15f: {  	v15 =	vld [tilespmem:s19+$0xE0];
	v22 =	vpop (erf);
	(erf) = vrcp.f32 v19  }
0x160: {  	v26 =	vadd.f32 $1.000000000e+00, v0;
	v0 =	vmov v13;
	v19 =	vld [tilespmem:s19+$0xD0];
	v23 =	vpop (erf);
	(erf) = vrcp.f32 v14  }
0x161: {  	v13 =	vsub.f32 $0.0e+00, v20;
	v14 =	vld [tilespmem:s19+$0xC0];
	v20 =	vadd.f32 $1.000000000e+00, v23;
	(erf) = vrcp.f32 v6;
	v6 =	vpop (erf)  }
0x162: {  	v18 =	vadd.f32 $1.000000000e+00, v18;
	v21 =	vsub.f32 $0.0e+00, v21;
	v23 =	vld [tilespmem:s19+$0xB0];
	v25 =	vpop (erf);
	[tilespmem:s26+$0xC0] =	vst v6;
	(erf) = vrcp.f32 v26  }
0x163: {  	v13 =	vmul.f32 $1.442695020e+00, v13;
	v6 =	vld [tilespmem:s19+$0x80];
	v17 =	vsub.f32 $0.0e+00, v17;
	v24 =	vpop (erf);
	(erf) = vrcp.f32 v12  }
0x164: {  	v12 =	vmul.f32 $1.442695020e+00, v21;
	v21 =	vld [tilespmem:s19+$0x90];
	v15 =	vsub.f32 $0.0e+00, v15;
	(erf) = vpow2.f32 v10;
	v10 =	vpop (erf)  }
0x165: {  	v26 =	vld [tilespmem:s19+$0x50];
	v27 =	vmul.f32 $1.442695020e+00, v17;
	v17 =	vadd.f32 $1.000000000e+00, v25;
	[tilespmem:s26+$0x60] =	vst v10;
	v10 =	vpop (erf);
	(erf) = vrcp.f32 v16  }
0x166: {  	v16 =	vld [tilespmem:s19+$0x10];
	v14 =	vsub.f32 $0.0e+00, v14;
	v25 =	vmul.f32 $1.442695020e+00, v15;
	[tilespmem:s26+$0x30] =	vst v10;
	(erf) = vrcp.f32 v11;
	v10 =	vpop (erf)  }
0x167: {  	v15 =	vsub.f32 $0.0e+00, v19;
	v19 =	vadd.f32 $1.000000000e+00, v24;
	v11 =	vld [tilespmem:s19+$0x30];
	(erf) = vpow2.f32 v7;
	[tilespmem:s26+$0x50] =	vst v10;
	v7 =	vpop (erf)  }
0x168: {  	v23 =	vsub.f32 $0.0e+00, v23;
	v10 =	vld [tilespmem:s19+$0x40];
	v14 =	vmul.f32 $1.442695020e+00, v14;
	v24 =	vpop (erf);
	(erf) = vpow2.f32 v3;
	[tilespmem:s26+$0x70] =	vst v7  }
0x169: {  	v29 =	vsub.f32 $0.0e+00, v6;
	v28 =	vmul.f32 $1.442695020e+00, v15;
	[tilespmem:s13+$0x20] =	vst v24;
	(erf) = vpow2.f32 v9;
	v6 =	vpop (erf)  }
0x16a: {  	v23 =	vmul.f32 $1.442695020e+00, v23;
	v7 =	vsub.f32 $0.0e+00, v26;
	v9 =	vld [tilespmem:s19+$0x60];
	(erf) = vpow2.f32 v4;
	[tilespmem:s26+$0xA0] =	vst v6;
	v4 =	vpop (erf)  }
0x16b: {  	v21 =	vsub.f32 $0.0e+00, v21;
	v24 =	vmul.f32 $1.442695020e+00, v29;
	v15 =	vld [tilespmem:s19+$0xA0];
	(erf) = vpow2.f32 v5;
	[tilespmem:s26+$0x10] =	vst v4;
	v3 =	vpop (erf)  }
0x16c: {  	v6 =	vadd.f32 $1.000000000e+00, v22;
	v4 =	vsub.f32 $0.0e+00, v16;
	(erf) = vpow2.f32 v1;
	[tilespmem:s26+$0x0] =	vst v3;
	v1 =	vpop (erf)  }
0x16d: {  	v5 =	vsub.f32 $0.0e+00, v11;
	v10 =	vsub.f32 $0.0e+00, v10;
	v11 =	vld [tilespmem:s19+$0x70];
	v16 =	vpop (erf);
	(erf) = vrcp.f32 v20;
	[tilespmem:s26+$0x90] =	vst v1  }
0x16e: {  	v3 =	vmul.f32 $1.442695020e+00, v7;
	(erf) = vrcp.f32 v17;
	v7 =	vpop (erf)  }
0x16f: {  	v1 =	vmul.f32 $1.442695020e+00, v5;
	v5 =	vsub.f32 $0.0e+00, v9;
	(erf) = vpow2.f32 v14;
	[tilespmem:s26+$0xE0] =	vst v7;
	v7 =	vpop (erf)  }
0x170: {  	v9 =	vmul.f32 $1.442695020e+00, v4;
	v14 =	vsub.f32 $0.0e+00, v15;
	v17 =	vpop (erf);
	(erf) = vrcp.f32 v19;
	[tilespmem:s26+$0x40] =	vst v7;
	s26 =	smov.u32 s13;
	s13 =	smov.u32 s19  }
0x171: {  	v4 =	vmul.f32 $1.442695020e+00, v5;
	(erf) = vpow2.f32 v13;
	v13 =	vadd.f32 $1.000000000e+00, v2;
	v2 =	vpop (erf)  }
0x172: {  	v19 =	vsub.f32 $0.0e+00, v11;
	v7 =	vmul.f32 $1.442695020e+00, v14;
	(erf) = vpow2.f32 v12;
	v12 =	vpop (erf)  }
0x173: {  	v15 =	vadd.f32 $1.000000000e+00, v16;
	v5 =	vmul.f32 $1.442695020e+00, v10;
	v16 =	vpop (erf);
	(erf) = vrcp.f32 v18  }
0x174: {  	v14 =	vadd.f32 $1.000000000e+00, v17;
	v10 =	vmul.f32 $1.442695020e+00, v19;
	(erf) = vpow2.f32 v25;
	v11 =	vpop (erf)  }
0x175: {  	v17 =	vadd.f32 $1.000000000e+00, v2;
	v12 =	vadd.f32 $1.000000000e+00, v12;
	(erf) = vpow2.f32 v24;
	v2 =	vpop (erf)  }
0x176: {  	v11 =	vadd.f32 $1.000000000e+00, v11;
	(erf) = vpow2.f32 v9;
	v18 =	vadd.f32 $1.000000000e+00, v2;
	v2 =	vpop (erf)  }
.Ltmp2:
0x177: {  	v20 =	vadd.f32 $1.000000000e+00, v16;
	(erf) = vpow2.f32 v27;
	[tilespmem:s26+$0xF0] =	vst v2;
	v9 =	vpop (erf);
	(pc) =	sbr.rel @p0 .LBB2_6-.Ltmp2, $4  }
0x178: {  	v2 =	vpop (erf);
	[tilespmem:s26+$0xD0] =	vst v9;
	(erf) = vrcp.f32 v13  }
0x179: {  	(erf) = vpow2.f32 v28;
	v13 =	vpop (erf)  }
0x17a: {  	v16 =	vadd.f32 $1.000000000e+00, v8;
	v9 =	vmul.f32 $1.442695020e+00, v21;
	v19 =	vpop (erf);
	(erf) = vpow2.f32 v23;
	[tilespmem:s26+$0xB0] =	vst v13  }
0x17b: {  	s19 =	sadd.s32 $0x100, s19;
	v19 =	vadd.f32 $1.000000000e+00, v19;
	v13 =	vpop (erf);
	(erf) = vrcp.f32 v20  }
0x17c: {  	(erf) = vrcp.f32 v18;
	v8 =	vpop (erf)  }
0x17d: {  	v18 =	vpop (erf);
	(erf) = vrcp.f32 v17  }
0x17e: {  	v17 =	vpop (erf);
	(erf) = vrcp.f32 v15  }
0x17f: {  	v0 =	vadd.f32 $1.000000000e+00, v0;
	v15 =	vpop (erf);
	(erf) = vrcp.f32 v19  }
0x180: {  	v19 =	vpop (erf);
	(erf) = vrcp.f32 v14  }
0x181: {  	(erf) = vrcp.f32 v6;
	v6 =	vpop (erf)  }
0x182: {  	v14 =	vpop (erf);
	(erf) = vrcp.f32 v0  }
0x183: {  	v0 =	vpop (erf);
	(erf) = vrcp.f32 v12  }
0x184: {  	(erf) = vpow2.f32 v10;
	v10 =	vpop (erf)  }
0x185: {  	v12 =	vpop (erf);
	(erf) = vrcp.f32 v16  }
0x186: {  	(erf) = vrcp.f32 v11;
	v11 =	vpop (erf)  }
0x187: {  	(erf) = vpow2.f32 v7;
	v7 =	vpop (erf)  }
0x188: {  	v16 =	vpop (erf);
	(erf) = vpow2.f32 v3  }
0x189: {  	(erf) = vpow2.f32 v9;
	v3 =	vpop (erf)  }
0x18a: {  	(erf) = vpow2.f32 v4;
	v4 =	vpop (erf)  }
0x18b: {  	(erf) = vpow2.f32 v5;
	v5 =	vpop (erf)  }
0x18c: {  	(erf) = vpow2.f32 v1;
	v1 =	vpop (erf)  }
0x18d: {  	v9 =	vpop (erf)  }
0x18e: {  	v20 =	vpop (erf)  }
0x18f: {  	[tilespmem:s26+$0x80] =	vst v8;
	v8 =	vpop (erf)  }
0x190: {  	v19 =	vadd.f32 $1.000000000e+00, v19;
	[tilespmem:s26+$0xC0] =	vst v6;
	v6 =	vpop (erf)  }
0x191: {  	v14 =	vadd.f32 $1.000000000e+00, v14;
	[tilespmem:s26+$0x60] =	vst v10;
	v10 =	vpop (erf)  }
0x192: {  	v0 =	vadd.f32 $1.000000000e+00, v0;
	[tilespmem:s26+$0x30] =	vst v12;
	(erf) = vrcp.f32 v19;
	v12 =	vpop (erf)  }
0x193: {  	v17 =	vadd.f32 $1.000000000e+00, v17;
	[tilespmem:s26+$0x50] =	vst v11;
	(erf) = vrcp.f32 v14;
	v11 =	vpop (erf)  }
0x194: {  	[tilespmem:s26+$0x70] =	vst v7;
	(erf) = vrcp.f32 v0;
	v0 =	vadd.f32 $1.000000000e+00, v2;
	v2 =	vpop (erf)  }
0x195: {  	[tilespmem:s13+$0x20] =	vst v16;
	(erf) = vrcp.f32 v17;
	v11 =	vadd.f32 $1.000000000e+00, v11;
	v7 =	vpop (erf)  }
0x196: {  	[tilespmem:s26+$0xA0] =	vst v3;
	(erf) = vrcp.f32 v0;
	v3 =	vadd.f32 $1.000000000e+00, v7  }
0x197: {  	[tilespmem:s26+$0x10] =	vst v4;
	v0 =	vadd.f32 $1.000000000e+00, v10;
	(erf) = vrcp.f32 v11  }
0x198: {  	[tilespmem:s26+$0x0] =	vst v5;
	v4 =	vadd.f32 $1.000000000e+00, v9;
	(erf) = vrcp.f32 v3  }
0x199: {  	[tilespmem:s26+$0x90] =	vst v1;
	v1 =	vadd.f32 $1.000000000e+00, v6;
	(erf) = vrcp.f32 v0;
	v0 =	vadd.f32 $1.000000000e+00, v15  }
0x19a: {  	[tilespmem:s26+$0xE0] =	vst v20;
	(erf) = vrcp.f32 v4  }
0x19b: {  	[tilespmem:s26+$0x40] =	vst v8;
	v3 =	vpop (erf);
	v4 =	vadd.f32 $1.000000000e+00, v13;
	(erf) = vrcp.f32 v1  }
0x19c: {  	v1 =	vadd.f32 $1.000000000e+00, v12;
	[tilespmem:s13+$0xF0] =	vst v3;
	v3 =	vpop (erf);
	(erf) = vrcp.f32 v0  }
0x19d: {  	[tilespmem:s13+$0xD0] =	vst v3;
	v3 =	vadd.f32 $1.000000000e+00, v18;
	v0 =	vpop (erf);
	(erf) = vrcp.f32 v4  }
0x19e: {  	v2 =	vadd.f32 $1.000000000e+00, v2;
	[tilespmem:s13+$0xB0] =	vst v0;
	v0 =	vpop (erf);
	(erf) = vrcp.f32 v1  }
0x19f: {  	[tilespmem:s13+$0x80] =	vst v0;
	v0 =	vpop (erf);
	(erf) = vrcp.f32 v3  }
0x1a0: {  	[tilespmem:s13+$0xC0] =	vst v0;
	v0 =	vpop (erf);
	(erf) = vrcp.f32 v2  }
0x1a1: {  	[tilespmem:s13+$0x60] =	vst v0;
	v0 =	vpop (erf)  }
0x1a2: {  	[tilespmem:s13+$0x30] =	vst v0;
	v0 =	vpop (erf)  }
0x1a3: {  	[tilespmem:s13+$0x50] =	vst v0;
	v0 =	vpop (erf)  }
0x1a4: {  	[tilespmem:s13+$0x70] =	vst v0;
	v0 =	vpop (erf)  }
0x1a5: {  	[tilespmem:s13+$0xA0] =	vst v0;
	v0 =	vpop (erf)  }
0x1a6: {  	[tilespmem:s13+$0x10] =	vst v0;
	v0 =	vpop (erf)  }
0x1a7: {  	[tilespmem:s13+$0x0] =	vst v0;
	v0 =	vpop (erf)  }
0x1a8: {  	[tilespmem:s13+$0x90] =	vst v0;
	v0 =	vpop (erf)  }
0x1a9: {  	[tilespmem:s13+$0xE0] =	vst v0;
	v0 =	vpop (erf)  }
0x1aa: {  	s26 =	simm.s32 $0x6400;
	[tilespmem:s13+$0x40] =	vst v0  }
0x1ab: {  	[hbm4b:s7+s3] =	stream.linear.scatter [tilespmem:s26], [sflag:$0xB], $0x4000, $0x38;
	[tilespmem:$0x10400] =	vst v63  }
0x1ac: {  	_ =	swait.ge [sflag:s14], $0x2000  }
0x1ad: {  	[sflag:s14] =	ssyncset.done $0x0  }
0x1ae: {  	[sflag:s14] =	ssyncadd.s32 $0xFFFFE000  }
0x1af: {  	_ =	swait.ge [sflag:s16], $0x2000  }
0x1b0: {  	[sflag:s16] =	ssyncset.done $0x0  }
0x1b1: {  	s26 =	simm.s32 $0xA400;
	[sflag:s16] =	ssyncadd.s32 $0xFFFFE000  }
0x1b2: {  	v0 =	vld [tilespmem:s26+$0xC0]  }
0x1b3: {  	v1 =	vld [tilespmem:s26+$0x20]  }
0x1b4: {  	v2 =	vld [tilespmem:s26+$0x0]  }
0x1b5: {  	v3 =	vld [tilespmem:s26+$0xE0]  }
0x1b6: {  	v4 =	vld [tilespmem:s26+$0x80]  }
0x1b7: {  	v5 =	vld [tilespmem:s26+$0x10];
	v0 =	vsub.f32 $0.0e+00, v0  }
0x1b8: {  	v6 =	vld [tilespmem:s26+$0xF0];
	v1 =	vsub.f32 $0.0e+00, v1  }
0x1b9: {  	v7 =	vld [tilespmem:s26+$0xD0];
	v2 =	vsub.f32 $0.0e+00, v2;
	v0 =	vmul.f32 $1.442695020e+00, v0  }
0x1ba: {  	s13 =	simm.s32 $0xA500;
	v8 =	vld [tilespmem:s26+$0x70];
	v3 =	vsub.f32 $0.0e+00, v3;
	v1 =	vmul.f32 $1.442695020e+00, v1  }
0x1bb: {  	v10 =	vld [tilespmem:s13+$0x20];
	v4 =	vsub.f32 $0.0e+00, v4;
	v2 =	vmul.f32 $1.442695020e+00, v2;
	(erf) = vpow2.f32 v0  }
0x1bc: {  	v14 =	vld [tilespmem:s13+$0xF0];
	v5 =	vsub.f32 $0.0e+00, v5;
	v3 =	vmul.f32 $1.442695020e+00, v3;
	(erf) = vpow2.f32 v1  }
0x1bd: {  	v12 =	vld [tilespmem:s13+$0x0];
	v4 =	vmul.f32 $1.442695020e+00, v4;
	(erf) = vpow2.f32 v2  }
0x1be: {  	v18 =	vld [tilespmem:s13+$0xC0];
	v5 =	vmul.f32 $1.442695020e+00, v5;
	(erf) = vpow2.f32 v3  }
0x1bf: {  	v8 =	vsub.f32 $0.0e+00, v8;
	v0 =	vld [tilespmem:s26+$0xB0];
	(erf) = vpow2.f32 v4  }
0x1c0: {  	v19 =	vld [tilespmem:s13+$0xB0];
	v1 =	vsub.f32 $0.0e+00, v6;
	(erf) = vpow2.f32 v5;
	v5 =	vsub.f32 $0.0e+00, v7  }
0x1c1: {  	v10 =	vsub.f32 $0.0e+00, v10;
	v14 =	vsub.f32 $0.0e+00, v14;
	v6 =	vld [tilespmem:s26+$0x90]  }
0x1c2: {  	v12 =	vsub.f32 $0.0e+00, v12;
	v1 =	vmul.f32 $1.442695020e+00, v1;
	v7 =	vld [tilespmem:s26+$0xA0];
	v5 =	vmul.f32 $1.442695020e+00, v5  }
0x1c3: {  	v8 =	vmul.f32 $1.442695020e+00, v8;
	v21 =	vmul.f32 $1.442695020e+00, v14;
	v14 =	vsub.f32 $0.0e+00, v18;
	v2 =	vld [tilespmem:s26+$0x50]  }
0x1c4: {  	v10 =	vmul.f32 $1.442695020e+00, v10;
	v0 =	vsub.f32 $0.0e+00, v0;
	(erf) = vpow2.f32 v1  }
0x1c5: {  	v12 =	vmul.f32 $1.442695020e+00, v12;
	v18 =	vsub.f32 $0.0e+00, v19;
	v14 =	vmul.f32 $1.442695020e+00, v14;
	v4 =	vld [tilespmem:s26+$0x60];
	v9 =	vpop (erf)  }
0x1c6: {  	v1 =	vld [tilespmem:s26+$0x40];
	v6 =	vsub.f32 $0.0e+00, v6;
	v11 =	vmul.f32 $1.442695020e+00, v0;
	(erf) = vpow2.f32 v5;
	v5 =	vpop (erf)  }
0x1c7: {  	v23 =	vmul.f32 $1.442695020e+00, v18;
	v3 =	vld [tilespmem:s26+$0x30];
	v7 =	vsub.f32 $0.0e+00, v7;
	v5 =	vadd.f32 $1.000000000e+00, v5  }
0x1c8: {  	v20 =	vld [tilespmem:s13+$0x90];
	v2 =	vsub.f32 $0.0e+00, v2;
	v6 =	vmul.f32 $1.442695020e+00, v6;
	(erf) = vpow2.f32 v11;
	v0 =	vpop (erf)  }
0x1c9: {  	v11 =	vld [tilespmem:s13+$0xE0];
	v7 =	vmul.f32 $1.442695020e+00, v7;
	v13 =	vpop (erf);
	(erf) = vrcp.f32 v5  }
0x1ca: {  	v4 =	vsub.f32 $0.0e+00, v4;
	v2 =	vmul.f32 $1.442695020e+00, v2;
	v15 =	vpop (erf);
	v5 =	vld [tilespmem:s13+$0xD0];
	(erf) = vpow2.f32 v8  }
0x1cb: {  	v1 =	vsub.f32 $0.0e+00, v1;
	v8 =	vadd.f32 $1.000000000e+00, v15;
	v15 =	vld [tilespmem:s13+$0x80];
	(erf) = vpow2.f32 v7  }
0x1cc: {  	v3 =	vsub.f32 $0.0e+00, v3;
	v4 =	vmul.f32 $1.442695020e+00, v4;
	v16 =	vpop (erf);
	(erf) = vpow2.f32 v2;
	v2 =	vld [tilespmem:s13+$0x50]  }
0x1cd: {  	v20 =	vsub.f32 $0.0e+00, v20;
	v1 =	vmul.f32 $1.442695020e+00, v1;
	v17 =	vpop (erf);
	(erf) = vpow2.f32 v6  }
0x1ce: {  	v3 =	vmul.f32 $1.442695020e+00, v3;
	v17 =	vadd.f32 $1.000000000e+00, v17;
	v6 =	vld [tilespmem:s13+$0x10];
	(erf) = vpow2.f32 v4  }
0x1cf: {  	v11 =	vsub.f32 $0.0e+00, v11;
	v7 =	vpop (erf);
	v5 =	vsub.f32 $0.0e+00, v5;
	v4 =	vld [tilespmem:s13+$0x30];
	(erf) = vpow2.f32 v1  }
0x1d0: {  	v19 =	vld [tilespmem:s13+$0x40];
	v7 =	vadd.f32 $1.000000000e+00, v7;
	v15 =	vsub.f32 $0.0e+00, v15;
	(erf) = vpow2.f32 v3  }
0x1d1: {  	v1 =	vpop (erf);
	v22 =	vmul.f32 $1.442695020e+00, v5;
	v5 =	vld [tilespmem:s13+$0x60];
	(erf) = vrcp.f32 v17;
	v2 =	vsub.f32 $0.0e+00, v2  }
0x1d2: {  	v18 =	vld [tilespmem:s13+$0xA0];
	v11 =	vmul.f32 $1.442695020e+00, v11;
	v1 =	vadd.f32 $1.000000000e+00, v1;
	v17 =	vpop (erf);
	(erf) = vrcp.f32 v7  }
0x1d3: {  	v15 =	vmul.f32 $1.442695020e+00, v15;
	v7 =	vsub.f32 $0.0e+00, v6;
	v24 =	vpop (erf);
	(erf) = vpow2.f32 v14  }
0x1d4: {  	v6 =	vadd.f32 $1.000000000e+00, v16;
	v4 =	vsub.f32 $0.0e+00, v4;
	v16 =	vpop (erf);
	(erf) = vrcp.f32 v1  }
0x1d5: {  	v19 =	vsub.f32 $0.0e+00, v19;
	v14 =	vld [tilespmem:s13+$0x70];
	v3 =	vmul.f32 $1.442695020e+00, v2;
	(erf) = vpow2.f32 v10;
	v2 =	vpop (erf)  }
0x1d6: {  	v1 =	vmul.f32 $1.442695020e+00, v4;
	v4 =	vsub.f32 $0.0e+00, v5;
	(erf) = vpow2.f32 v12;
	v12 =	vpop (erf)  }
0x1d7: {  	v10 =	vmul.f32 $1.442695020e+00, v7;
	v5 =	vsub.f32 $0.0e+00, v18;
	v25 =	vpop (erf);
	(erf) = vrcp.f32 v8  }
0x1d8: {  	v4 =	vmul.f32 $1.442695020e+00, v4;
	v8 =	vadd.f32 $1.000000000e+00, v9;
	(erf) = vpow2.f32 v11;
	v9 =	vpop (erf)  }
0x1d9: {  	[tilespmem:s26+$0x20] =	vst v17;
	v17 =	vadd.f32 $1.000000000e+00, v2;
	v7 =	vmul.f32 $1.442695020e+00, v5;
	(erf) = vpow2.f32 v15;
	v18 =	vpop (erf)  }
0x1da: {  	v5 =	vmul.f32 $1.442695020e+00, v19;
	v11 =	vsub.f32 $0.0e+00, v14;
	(erf) = vpow2.f32 v10;
	v19 =	vpop (erf)  }
0x1db: {  	v12 =	vadd.f32 $1.000000000e+00, v12;
	v14 =	vadd.f32 $1.000000000e+00, v16;
	(erf) = vpow2.f32 v21;
	v16 =	vpop (erf)  }
0x1dc: {  	v15 =	vadd.f32 $1.000000000e+00, v24;
	v10 =	vmul.f32 $1.442695020e+00, v11;
	v2 =	vpop (erf);
	(erf) = vrcp.f32 v8  }
0x1dd: {  	v18 =	vadd.f32 $1.000000000e+00, v18;
	[tilespmem:s26+$0xF0] =	vst v19;
	v8 =	vadd.f32 $1.000000000e+00, v25;
	(erf) = vpow2.f32 v22;
	v19 =	vpop (erf)  }
0x1de: {  	v11 =	vadd.f32 $1.000000000e+00, v9;
	v9 =	vmul.f32 $1.442695020e+00, v20;
	[tilespmem:s26+$0xD0] =	vst v16;
	v20 =	vpop (erf);
	(erf) = vpow2.f32 v23  }
0x1df: {  	s15 =	simm.s32 $0x142;
	s19 =	simm.s32 $0xA600;
	v16 =	vadd.f32 $1.000000000e+00, v13;
	[tilespmem:s26+$0xB0] =	vst v19;
	v19 =	vadd.f32 $1.000000000e+00, v20;
	v13 =	vpop (erf);
	(erf) = vrcp.f32 v8  }
.LBB2_8:
0x1e0: {  	v20 =	vld [tilespmem:s19+$0x20];
	s15 =	sadd.s32 $0x2, s15;
	(erf) = vrcp.f32 v18;
	v18 =	vpop (erf)  }
0x1e1: {  	v21 =	vld [tilespmem:s19+$0x0];
	p0 =	slt.u32 s15, $0x1BE;
	v8 =	vpop (erf);
	[tilespmem:s26+$0x80] =	vst v18;
	(erf) = vrcp.f32 v17  }
0x1e2: {  	v17 =	vld [tilespmem:s19+$0xF0];
	v18 =	vpop (erf);
	(erf) = vrcp.f32 v15  }
0x1e3: {  	v15 =	vld [tilespmem:s19+$0xE0];
	v22 =	vpop (erf);
	(erf) = vrcp.f32 v19  }
0x1e4: {  	v26 =	vadd.f32 $1.000000000e+00, v0;
	v0 =	vmov v13;
	v19 =	vld [tilespmem:s19+$0xD0];
	v23 =	vpop (erf);
	(erf) = vrcp.f32 v14  }
0x1e5: {  	v13 =	vsub.f32 $0.0e+00, v20;
	v14 =	vld [tilespmem:s19+$0xC0];
	v20 =	vadd.f32 $1.000000000e+00, v23;
	(erf) = vrcp.f32 v6;
	v6 =	vpop (erf)  }
0x1e6: {  	v18 =	vadd.f32 $1.000000000e+00, v18;
	v21 =	vsub.f32 $0.0e+00, v21;
	v23 =	vld [tilespmem:s19+$0xB0];
	v25 =	vpop (erf);
	[tilespmem:s26+$0xC0] =	vst v6;
	(erf) = vrcp.f32 v26  }
0x1e7: {  	v13 =	vmul.f32 $1.442695020e+00, v13;
	v6 =	vld [tilespmem:s19+$0x80];
	v17 =	vsub.f32 $0.0e+00, v17;
	v24 =	vpop (erf);
	(erf) = vrcp.f32 v12  }
0x1e8: {  	v12 =	vmul.f32 $1.442695020e+00, v21;
	v21 =	vld [tilespmem:s19+$0x90];
	v15 =	vsub.f32 $0.0e+00, v15;
	(erf) = vpow2.f32 v10;
	v10 =	vpop (erf)  }
0x1e9: {  	v26 =	vld [tilespmem:s19+$0x50];
	v27 =	vmul.f32 $1.442695020e+00, v17;
	v17 =	vadd.f32 $1.000000000e+00, v25;
	[tilespmem:s26+$0x60] =	vst v10;
	v10 =	vpop (erf);
	(erf) = vrcp.f32 v16  }
0x1ea: {  	v16 =	vld [tilespmem:s19+$0x10];
	v14 =	vsub.f32 $0.0e+00, v14;
	v25 =	vmul.f32 $1.442695020e+00, v15;
	[tilespmem:s26+$0x30] =	vst v10;
	(erf) = vrcp.f32 v11;
	v10 =	vpop (erf)  }
0x1eb: {  	v15 =	vsub.f32 $0.0e+00, v19;
	v19 =	vadd.f32 $1.000000000e+00, v24;
	v11 =	vld [tilespmem:s19+$0x30];
	(erf) = vpow2.f32 v7;
	[tilespmem:s26+$0x50] =	vst v10;
	v7 =	vpop (erf)  }
0x1ec: {  	v23 =	vsub.f32 $0.0e+00, v23;
	v10 =	vld [tilespmem:s19+$0x40];
	v14 =	vmul.f32 $1.442695020e+00, v14;
	v24 =	vpop (erf);
	(erf) = vpow2.f32 v3;
	[tilespmem:s26+$0x70] =	vst v7  }
0x1ed: {  	v29 =	vsub.f32 $0.0e+00, v6;
	v28 =	vmul.f32 $1.442695020e+00, v15;
	[tilespmem:s13+$0x20] =	vst v24;
	(erf) = vpow2.f32 v9;
	v6 =	vpop (erf)  }
0x1ee: {  	v23 =	vmul.f32 $1.442695020e+00, v23;
	v7 =	vsub.f32 $0.0e+00, v26;
	v9 =	vld [tilespmem:s19+$0x60];
	(erf) = vpow2.f32 v4;
	[tilespmem:s26+$0xA0] =	vst v6;
	v4 =	vpop (erf)  }
0x1ef: {  	v21 =	vsub.f32 $0.0e+00, v21;
	v24 =	vmul.f32 $1.442695020e+00, v29;
	v15 =	vld [tilespmem:s19+$0xA0];
	(erf) = vpow2.f32 v5;
	[tilespmem:s26+$0x10] =	vst v4;
	v3 =	vpop (erf)  }
0x1f0: {  	v6 =	vadd.f32 $1.000000000e+00, v22;
	v4 =	vsub.f32 $0.0e+00, v16;
	(erf) = vpow2.f32 v1;
	[tilespmem:s26+$0x0] =	vst v3;
	v1 =	vpop (erf)  }
0x1f1: {  	v5 =	vsub.f32 $0.0e+00, v11;
	v10 =	vsub.f32 $0.0e+00, v10;
	v11 =	vld [tilespmem:s19+$0x70];
	v16 =	vpop (erf);
	(erf) = vrcp.f32 v20;
	[tilespmem:s26+$0x90] =	vst v1  }
0x1f2: {  	v3 =	vmul.f32 $1.442695020e+00, v7;
	(erf) = vrcp.f32 v17;
	v7 =	vpop (erf)  }
0x1f3: {  	v1 =	vmul.f32 $1.442695020e+00, v5;
	v5 =	vsub.f32 $0.0e+00, v9;
	(erf) = vpow2.f32 v14;
	[tilespmem:s26+$0xE0] =	vst v7;
	v7 =	vpop (erf)  }
0x1f4: {  	v9 =	vmul.f32 $1.442695020e+00, v4;
	v14 =	vsub.f32 $0.0e+00, v15;
	v17 =	vpop (erf);
	(erf) = vrcp.f32 v19;
	[tilespmem:s26+$0x40] =	vst v7;
	s26 =	smov.u32 s13;
	s13 =	smov.u32 s19  }
0x1f5: {  	v4 =	vmul.f32 $1.442695020e+00, v5;
	(erf) = vpow2.f32 v13;
	v13 =	vadd.f32 $1.000000000e+00, v2;
	v2 =	vpop (erf)  }
0x1f6: {  	v19 =	vsub.f32 $0.0e+00, v11;
	v7 =	vmul.f32 $1.442695020e+00, v14;
	(erf) = vpow2.f32 v12;
	v12 =	vpop (erf)  }
0x1f7: {  	v15 =	vadd.f32 $1.000000000e+00, v16;
	v5 =	vmul.f32 $1.442695020e+00, v10;
	v16 =	vpop (erf);
	(erf) = vrcp.f32 v18  }
0x1f8: {  	v14 =	vadd.f32 $1.000000000e+00, v17;
	v10 =	vmul.f32 $1.442695020e+00, v19;
	(erf) = vpow2.f32 v25;
	v11 =	vpop (erf)  }
0x1f9: {  	v17 =	vadd.f32 $1.000000000e+00, v2;
	v12 =	vadd.f32 $1.000000000e+00, v12;
	(erf) = vpow2.f32 v24;
	v2 =	vpop (erf)  }
0x1fa: {  	v11 =	vadd.f32 $1.000000000e+00, v11;
	(erf) = vpow2.f32 v9;
	v18 =	vadd.f32 $1.000000000e+00, v2;
	v2 =	vpop (erf)  }
.Ltmp3:
0x1fb: {  	v20 =	vadd.f32 $1.000000000e+00, v16;
	(erf) = vpow2.f32 v27;
	[tilespmem:s26+$0xF0] =	vst v2;
	v9 =	vpop (erf);
	(pc) =	sbr.rel @p0 .LBB2_8-.Ltmp3, $4  }
0x1fc: {  	v2 =	vpop (erf);
	[tilespmem:s26+$0xD0] =	vst v9;
	(erf) = vrcp.f32 v13  }
0x1fd: {  	(erf) = vpow2.f32 v28;
	v13 =	vpop (erf)  }
0x1fe: {  	v16 =	vadd.f32 $1.000000000e+00, v8;
	v9 =	vmul.f32 $1.442695020e+00, v21;
	v19 =	vpop (erf);
	(erf) = vpow2.f32 v23;
	[tilespmem:s26+$0xB0] =	vst v13  }
0x1ff: {  	s19 =	sadd.s32 $0x100, s19;
	v19 =	vadd.f32 $1.000000000e+00, v19;
	v13 =	vpop (erf);
	(erf) = vrcp.f32 v20  }
0x200: {  	(erf) = vrcp.f32 v18;
	v8 =	vpop (erf)  }
0x201: {  	v18 =	vpop (erf);
	(erf) = vrcp.f32 v17  }
0x202: {  	v17 =	vpop (erf);
	(erf) = vrcp.f32 v15  }
0x203: {  	v0 =	vadd.f32 $1.000000000e+00, v0;
	v15 =	vpop (erf);
	(erf) = vrcp.f32 v19  }
0x204: {  	v19 =	vpop (erf);
	(erf) = vrcp.f32 v14  }
0x205: {  	(erf) = vrcp.f32 v6;
	v6 =	vpop (erf)  }
0x206: {  	v14 =	vpop (erf);
	(erf) = vrcp.f32 v0  }
0x207: {  	v0 =	vpop (erf);
	(erf) = vrcp.f32 v12  }
0x208: {  	(erf) = vpow2.f32 v10;
	v10 =	vpop (erf)  }
0x209: {  	v12 =	vpop (erf);
	(erf) = vrcp.f32 v16  }
0x20a: {  	(erf) = vrcp.f32 v11;
	v11 =	vpop (erf)  }
0x20b: {  	(erf) = vpow2.f32 v7;
	v7 =	vpop (erf)  }
0x20c: {  	v16 =	vpop (erf);
	(erf) = vpow2.f32 v3  }
0x20d: {  	(erf) = vpow2.f32 v9;
	v3 =	vpop (erf)  }
0x20e: {  	(erf) = vpow2.f32 v4;
	v4 =	vpop (erf)  }
0x20f: {  	(erf) = vpow2.f32 v5;
	v5 =	vpop (erf)  }
0x210: {  	(erf) = vpow2.f32 v1;
	v1 =	vpop (erf)  }
0x211: {  	v9 =	vpop (erf)  }
0x212: {  	v20 =	vpop (erf)  }
0x213: {  	[tilespmem:s26+$0x80] =	vst v8;
	v8 =	vpop (erf)  }
0x214: {  	v19 =	vadd.f32 $1.000000000e+00, v19;
	[tilespmem:s26+$0xC0] =	vst v6;
	v6 =	vpop (erf)  }
0x215: {  	v14 =	vadd.f32 $1.000000000e+00, v14;
	[tilespmem:s26+$0x60] =	vst v10;
	v10 =	vpop (erf)  }
0x216: {  	v0 =	vadd.f32 $1.000000000e+00, v0;
	[tilespmem:s26+$0x30] =	vst v12;
	(erf) = vrcp.f32 v19;
	v12 =	vpop (erf)  }
0x217: {  	v17 =	vadd.f32 $1.000000000e+00, v17;
	[tilespmem:s26+$0x50] =	vst v11;
	(erf) = vrcp.f32 v14;
	v11 =	vpop (erf)  }
0x218: {  	[tilespmem:s26+$0x70] =	vst v7;
	(erf) = vrcp.f32 v0;
	v0 =	vadd.f32 $1.000000000e+00, v2;
	v2 =	vpop (erf)  }
0x219: {  	[tilespmem:s13+$0x20] =	vst v16;
	(erf) = vrcp.f32 v17;
	v11 =	vadd.f32 $1.000000000e+00, v11;
	v7 =	vpop (erf)  }
0x21a: {  	[tilespmem:s26+$0xA0] =	vst v3;
	(erf) = vrcp.f32 v0;
	v3 =	vadd.f32 $1.000000000e+00, v7  }
0x21b: {  	[tilespmem:s26+$0x10] =	vst v4;
	v0 =	vadd.f32 $1.000000000e+00, v10;
	(erf) = vrcp.f32 v11  }
0x21c: {  	[tilespmem:s26+$0x0] =	vst v5;
	v4 =	vadd.f32 $1.000000000e+00, v9;
	(erf) = vrcp.f32 v3  }
0x21d: {  	[tilespmem:s26+$0x90] =	vst v1;
	v1 =	vadd.f32 $1.000000000e+00, v6;
	(erf) = vrcp.f32 v0;
	v0 =	vadd.f32 $1.000000000e+00, v15  }
0x21e: {  	[tilespmem:s26+$0xE0] =	vst v20;
	(erf) = vrcp.f32 v4  }
0x21f: {  	[tilespmem:s26+$0x40] =	vst v8;
	v3 =	vpop (erf);
	v4 =	vadd.f32 $1.000000000e+00, v13;
	(erf) = vrcp.f32 v1  }
0x220: {  	v1 =	vadd.f32 $1.000000000e+00, v12;
	[tilespmem:s13+$0xF0] =	vst v3;
	v3 =	vpop (erf);
	(erf) = vrcp.f32 v0  }
0x221: {  	[tilespmem:s13+$0xD0] =	vst v3;
	v3 =	vadd.f32 $1.000000000e+00, v18;
	v0 =	vpop (erf);
	(erf) = vrcp.f32 v4  }
0x222: {  	v2 =	vadd.f32 $1.000000000e+00, v2;
	[tilespmem:s13+$0xB0] =	vst v0;
	v0 =	vpop (erf);
	(erf) = vrcp.f32 v1  }
0x223: {  	[tilespmem:s13+$0x80] =	vst v0;
	v0 =	vpop (erf);
	(erf) = vrcp.f32 v3  }
0x224: {  	[tilespmem:s13+$0xC0] =	vst v0;
	v0 =	vpop (erf);
	(erf) = vrcp.f32 v2  }
0x225: {  	[tilespmem:s13+$0x60] =	vst v0;
	v0 =	vpop (erf)  }
0x226: {  	[tilespmem:s13+$0x30] =	vst v0;
	v0 =	vpop (erf)  }
0x227: {  	[tilespmem:s13+$0x50] =	vst v0;
	v0 =	vpop (erf)  }
0x228: {  	[tilespmem:s13+$0x70] =	vst v0;
	v0 =	vpop (erf)  }
0x229: {  	[tilespmem:s13+$0xA0] =	vst v0;
	v0 =	vpop (erf)  }
0x22a: {  	[tilespmem:s13+$0x10] =	vst v0;
	v0 =	vpop (erf)  }
0x22b: {  	[tilespmem:s13+$0x0] =	vst v0;
	v0 =	vpop (erf)  }
0x22c: {  	[tilespmem:s13+$0x90] =	vst v0;
	v0 =	vpop (erf)  }
0x22d: {  	[tilespmem:s13+$0xE0] =	vst v0;
	v0 =	vpop (erf)  }
0x22e: {  	[tilespmem:s13+$0x40] =	vst v0  }
0x22f: {  	[hbm4b:s8+s3] =	stream.linear.scatter [tilespmem:s23], [sflag:$0xC], $0x4000, $0x38;
	[tilespmem:$0x10400] =	vst v63  }
0x230: {  	_ =	swait.ge [sflag:s17], $0x2000  }
0x231: {  	[sflag:s17] =	ssyncset.done $0x0  }
0x232: {  	s26 =	simm.s32 $0xE400;
	[sflag:s17] =	ssyncadd.s32 $0xFFFFE000  }
0x233: {  	v0 =	vld [tilespmem:s26+$0xC0]  }
0x234: {  	v1 =	vld [tilespmem:s26+$0x20]  }
0x235: {  	v2 =	vld [tilespmem:s26+$0x0]  }
0x236: {  	v3 =	vld [tilespmem:s26+$0xE0]  }
0x237: {  	v4 =	vld [tilespmem:s26+$0x80]  }
0x238: {  	v5 =	vld [tilespmem:s26+$0x10];
	v0 =	vsub.f32 $0.0e+00, v0  }
0x239: {  	v6 =	vld [tilespmem:s26+$0xF0];
	v1 =	vsub.f32 $0.0e+00, v1  }
0x23a: {  	v7 =	vld [tilespmem:s26+$0xD0];
	v2 =	vsub.f32 $0.0e+00, v2;
	v0 =	vmul.f32 $1.442695020e+00, v0  }
0x23b: {  	s13 =	simm.s32 $0xE500;
	v8 =	vld [tilespmem:s26+$0x70];
	v3 =	vsub.f32 $0.0e+00, v3;
	v1 =	vmul.f32 $1.442695020e+00, v1  }
0x23c: {  	v10 =	vld [tilespmem:s13+$0x20];
	v4 =	vsub.f32 $0.0e+00, v4;
	v2 =	vmul.f32 $1.442695020e+00, v2;
	(erf) = vpow2.f32 v0  }
0x23d: {  	v14 =	vld [tilespmem:s13+$0xF0];
	v5 =	vsub.f32 $0.0e+00, v5;
	v3 =	vmul.f32 $1.442695020e+00, v3;
	(erf) = vpow2.f32 v1  }
0x23e: {  	v12 =	vld [tilespmem:s13+$0x0];
	v4 =	vmul.f32 $1.442695020e+00, v4;
	(erf) = vpow2.f32 v2  }
0x23f: {  	v18 =	vld [tilespmem:s13+$0xC0];
	v5 =	vmul.f32 $1.442695020e+00, v5;
	(erf) = vpow2.f32 v3  }
0x240: {  	v8 =	vsub.f32 $0.0e+00, v8;
	v0 =	vld [tilespmem:s26+$0xB0];
	(erf) = vpow2.f32 v4  }
0x241: {  	v19 =	vld [tilespmem:s13+$0xB0];
	v1 =	vsub.f32 $0.0e+00, v6;
	(erf) = vpow2.f32 v5;
	v5 =	vsub.f32 $0.0e+00, v7  }
0x242: {  	v10 =	vsub.f32 $0.0e+00, v10;
	v14 =	vsub.f32 $0.0e+00, v14;
	v6 =	vld [tilespmem:s26+$0x90]  }
0x243: {  	v12 =	vsub.f32 $0.0e+00, v12;
	v1 =	vmul.f32 $1.442695020e+00, v1;
	v7 =	vld [tilespmem:s26+$0xA0];
	v5 =	vmul.f32 $1.442695020e+00, v5  }
0x244: {  	v8 =	vmul.f32 $1.442695020e+00, v8;
	v21 =	vmul.f32 $1.442695020e+00, v14;
	v14 =	vsub.f32 $0.0e+00, v18;
	v2 =	vld [tilespmem:s26+$0x50]  }
0x245: {  	v10 =	vmul.f32 $1.442695020e+00, v10;
	v0 =	vsub.f32 $0.0e+00, v0;
	(erf) = vpow2.f32 v1  }
0x246: {  	v12 =	vmul.f32 $1.442695020e+00, v12;
	v18 =	vsub.f32 $0.0e+00, v19;
	v14 =	vmul.f32 $1.442695020e+00, v14;
	v4 =	vld [tilespmem:s26+$0x60];
	v9 =	vpop (erf)  }
0x247: {  	v1 =	vld [tilespmem:s26+$0x40];
	v6 =	vsub.f32 $0.0e+00, v6;
	v11 =	vmul.f32 $1.442695020e+00, v0;
	(erf) = vpow2.f32 v5;
	v5 =	vpop (erf)  }
0x248: {  	v23 =	vmul.f32 $1.442695020e+00, v18;
	v3 =	vld [tilespmem:s26+$0x30];
	v7 =	vsub.f32 $0.0e+00, v7;
	v5 =	vadd.f32 $1.000000000e+00, v5  }
0x249: {  	v20 =	vld [tilespmem:s13+$0x90];
	v2 =	vsub.f32 $0.0e+00, v2;
	v6 =	vmul.f32 $1.442695020e+00, v6;
	(erf) = vpow2.f32 v11;
	v0 =	vpop (erf)  }
0x24a: {  	v11 =	vld [tilespmem:s13+$0xE0];
	v7 =	vmul.f32 $1.442695020e+00, v7;
	v13 =	vpop (erf);
	(erf) = vrcp.f32 v5  }
0x24b: {  	v4 =	vsub.f32 $0.0e+00, v4;
	v2 =	vmul.f32 $1.442695020e+00, v2;
	v15 =	vpop (erf);
	v5 =	vld [tilespmem:s13+$0xD0];
	(erf) = vpow2.f32 v8  }
0x24c: {  	v1 =	vsub.f32 $0.0e+00, v1;
	v8 =	vadd.f32 $1.000000000e+00, v15;
	v15 =	vld [tilespmem:s13+$0x80];
	(erf) = vpow2.f32 v7  }
0x24d: {  	v3 =	vsub.f32 $0.0e+00, v3;
	v4 =	vmul.f32 $1.442695020e+00, v4;
	v16 =	vpop (erf);
	(erf) = vpow2.f32 v2;
	v2 =	vld [tilespmem:s13+$0x50]  }
0x24e: {  	v20 =	vsub.f32 $0.0e+00, v20;
	v1 =	vmul.f32 $1.442695020e+00, v1;
	v17 =	vpop (erf);
	(erf) = vpow2.f32 v6  }
0x24f: {  	v3 =	vmul.f32 $1.442695020e+00, v3;
	v17 =	vadd.f32 $1.000000000e+00, v17;
	v6 =	vld [tilespmem:s13+$0x10];
	(erf) = vpow2.f32 v4  }
0x250: {  	v11 =	vsub.f32 $0.0e+00, v11;
	v7 =	vpop (erf);
	v5 =	vsub.f32 $0.0e+00, v5;
	v4 =	vld [tilespmem:s13+$0x30];
	(erf) = vpow2.f32 v1  }
0x251: {  	v19 =	vld [tilespmem:s13+$0x40];
	v7 =	vadd.f32 $1.000000000e+00, v7;
	v15 =	vsub.f32 $0.0e+00, v15;
	(erf) = vpow2.f32 v3  }
0x252: {  	v1 =	vpop (erf);
	v22 =	vmul.f32 $1.442695020e+00, v5;
	v5 =	vld [tilespmem:s13+$0x60];
	(erf) = vrcp.f32 v17;
	v2 =	vsub.f32 $0.0e+00, v2  }
0x253: {  	v18 =	vld [tilespmem:s13+$0xA0];
	v11 =	vmul.f32 $1.442695020e+00, v11;
	v1 =	vadd.f32 $1.000000000e+00, v1;
	v17 =	vpop (erf);
	(erf) = vrcp.f32 v7  }
0x254: {  	v15 =	vmul.f32 $1.442695020e+00, v15;
	v7 =	vsub.f32 $0.0e+00, v6;
	v24 =	vpop (erf);
	(erf) = vpow2.f32 v14  }
0x255: {  	v6 =	vadd.f32 $1.000000000e+00, v16;
	v4 =	vsub.f32 $0.0e+00, v4;
	v16 =	vpop (erf);
	(erf) = vrcp.f32 v1  }
0x256: {  	v19 =	vsub.f32 $0.0e+00, v19;
	v14 =	vld [tilespmem:s13+$0x70];
	v3 =	vmul.f32 $1.442695020e+00, v2;
	(erf) = vpow2.f32 v10;
	v2 =	vpop (erf)  }
0x257: {  	v1 =	vmul.f32 $1.442695020e+00, v4;
	v4 =	vsub.f32 $0.0e+00, v5;
	(erf) = vpow2.f32 v12;
	v12 =	vpop (erf)  }
0x258: {  	v10 =	vmul.f32 $1.442695020e+00, v7;
	v5 =	vsub.f32 $0.0e+00, v18;
	v25 =	vpop (erf);
	(erf) = vrcp.f32 v8  }
0x259: {  	v4 =	vmul.f32 $1.442695020e+00, v4;
	v8 =	vadd.f32 $1.000000000e+00, v9;
	(erf) = vpow2.f32 v11;
	v9 =	vpop (erf)  }
0x25a: {  	[tilespmem:s26+$0x20] =	vst v17;
	v17 =	vadd.f32 $1.000000000e+00, v2;
	v7 =	vmul.f32 $1.442695020e+00, v5;
	(erf) = vpow2.f32 v15;
	v18 =	vpop (erf)  }
0x25b: {  	v5 =	vmul.f32 $1.442695020e+00, v19;
	v11 =	vsub.f32 $0.0e+00, v14;
	(erf) = vpow2.f32 v10;
	v19 =	vpop (erf)  }
0x25c: {  	v12 =	vadd.f32 $1.000000000e+00, v12;
	v14 =	vadd.f32 $1.000000000e+00, v16;
	(erf) = vpow2.f32 v21;
	v16 =	vpop (erf)  }
0x25d: {  	v15 =	vadd.f32 $1.000000000e+00, v24;
	v10 =	vmul.f32 $1.442695020e+00, v11;
	v2 =	vpop (erf);
	(erf) = vrcp.f32 v8  }
0x25e: {  	v18 =	vadd.f32 $1.000000000e+00, v18;
	[tilespmem:s26+$0xF0] =	vst v19;
	v8 =	vadd.f32 $1.000000000e+00, v25;
	(erf) = vpow2.f32 v22;
	v19 =	vpop (erf)  }
0x25f: {  	v11 =	vadd.f32 $1.000000000e+00, v9;
	v9 =	vmul.f32 $1.442695020e+00, v20;
	[tilespmem:s26+$0xD0] =	vst v16;
	v20 =	vpop (erf);
	(erf) = vpow2.f32 v23  }
0x260: {  	s15 =	simm.s32 $0x1C2;
	s19 =	simm.s32 $0xE600;
	v16 =	vadd.f32 $1.000000000e+00, v13;
	[tilespmem:s26+$0xB0] =	vst v19;
	v19 =	vadd.f32 $1.000000000e+00, v20;
	v13 =	vpop (erf);
	(erf) = vrcp.f32 v8  }
.LBB2_10:
0x261: {  	v20 =	vld [tilespmem:s19+$0x20];
	s15 =	sadd.s32 $0x2, s15;
	(erf) = vrcp.f32 v18;
	v18 =	vpop (erf)  }
0x262: {  	v21 =	vld [tilespmem:s19+$0x0];
	p0 =	slt.u32 s15, $0x1FE;
	v8 =	vpop (erf);
	[tilespmem:s26+$0x80] =	vst v18;
	(erf) = vrcp.f32 v17  }
0x263: {  	v17 =	vld [tilespmem:s19+$0xF0];
	v18 =	vpop (erf);
	(erf) = vrcp.f32 v15  }
0x264: {  	v15 =	vld [tilespmem:s19+$0xE0];
	v22 =	vpop (erf);
	(erf) = vrcp.f32 v19  }
0x265: {  	v26 =	vadd.f32 $1.000000000e+00, v0;
	v0 =	vmov v13;
	v19 =	vld [tilespmem:s19+$0xD0];
	v23 =	vpop (erf);
	(erf) = vrcp.f32 v14  }
0x266: {  	v13 =	vsub.f32 $0.0e+00, v20;
	v14 =	vld [tilespmem:s19+$0xC0];
	v20 =	vadd.f32 $1.000000000e+00, v23;
	(erf) = vrcp.f32 v6;
	v6 =	vpop (erf)  }
0x267: {  	v18 =	vadd.f32 $1.000000000e+00, v18;
	v21 =	vsub.f32 $0.0e+00, v21;
	v23 =	vld [tilespmem:s19+$0xB0];
	v25 =	vpop (erf);
	[tilespmem:s26+$0xC0] =	vst v6;
	(erf) = vrcp.f32 v26  }
0x268: {  	v13 =	vmul.f32 $1.442695020e+00, v13;
	v6 =	vld [tilespmem:s19+$0x80];
	v17 =	vsub.f32 $0.0e+00, v17;
	v24 =	vpop (erf);
	(erf) = vrcp.f32 v12  }
0x269: {  	v12 =	vmul.f32 $1.442695020e+00, v21;
	v21 =	vld [tilespmem:s19+$0x90];
	v15 =	vsub.f32 $0.0e+00, v15;
	(erf) = vpow2.f32 v10;
	v10 =	vpop (erf)  }
0x26a: {  	v26 =	vld [tilespmem:s19+$0x50];
	v27 =	vmul.f32 $1.442695020e+00, v17;
	v17 =	vadd.f32 $1.000000000e+00, v25;
	[tilespmem:s26+$0x60] =	vst v10;
	v10 =	vpop (erf);
	(erf) = vrcp.f32 v16  }
0x26b: {  	v16 =	vld [tilespmem:s19+$0x10];
	v14 =	vsub.f32 $0.0e+00, v14;
	v25 =	vmul.f32 $1.442695020e+00, v15;
	[tilespmem:s26+$0x30] =	vst v10;
	(erf) = vrcp.f32 v11;
	v10 =	vpop (erf)  }
0x26c: {  	v15 =	vsub.f32 $0.0e+00, v19;
	v19 =	vadd.f32 $1.000000000e+00, v24;
	v11 =	vld [tilespmem:s19+$0x30];
	(erf) = vpow2.f32 v7;
	[tilespmem:s26+$0x50] =	vst v10;
	v7 =	vpop (erf)  }
0x26d: {  	v23 =	vsub.f32 $0.0e+00, v23;
	v10 =	vld [tilespmem:s19+$0x40];
	v14 =	vmul.f32 $1.442695020e+00, v14;
	v24 =	vpop (erf);
	(erf) = vpow2.f32 v3;
	[tilespmem:s26+$0x70] =	vst v7  }
0x26e: {  	v29 =	vsub.f32 $0.0e+00, v6;
	v28 =	vmul.f32 $1.442695020e+00, v15;
	[tilespmem:s13+$0x20] =	vst v24;
	(erf) = vpow2.f32 v9;
	v6 =	vpop (erf)  }
0x26f: {  	v23 =	vmul.f32 $1.442695020e+00, v23;
	v7 =	vsub.f32 $0.0e+00, v26;
	v9 =	vld [tilespmem:s19+$0x60];
	(erf) = vpow2.f32 v4;
	[tilespmem:s26+$0xA0] =	vst v6;
	v4 =	vpop (erf)  }
0x270: {  	v21 =	vsub.f32 $0.0e+00, v21;
	v24 =	vmul.f32 $1.442695020e+00, v29;
	v15 =	vld [tilespmem:s19+$0xA0];
	(erf) = vpow2.f32 v5;
	[tilespmem:s26+$0x10] =	vst v4;
	v3 =	vpop (erf)  }
0x271: {  	v6 =	vadd.f32 $1.000000000e+00, v22;
	v4 =	vsub.f32 $0.0e+00, v16;
	(erf) = vpow2.f32 v1;
	[tilespmem:s26+$0x0] =	vst v3;
	v1 =	vpop (erf)  }
0x272: {  	v5 =	vsub.f32 $0.0e+00, v11;
	v10 =	vsub.f32 $0.0e+00, v10;
	v11 =	vld [tilespmem:s19+$0x70];
	v16 =	vpop (erf);
	(erf) = vrcp.f32 v20;
	[tilespmem:s26+$0x90] =	vst v1  }
0x273: {  	v3 =	vmul.f32 $1.442695020e+00, v7;
	(erf) = vrcp.f32 v17;
	v7 =	vpop (erf)  }
0x274: {  	v1 =	vmul.f32 $1.442695020e+00, v5;
	v5 =	vsub.f32 $0.0e+00, v9;
	(erf) = vpow2.f32 v14;
	[tilespmem:s26+$0xE0] =	vst v7;
	v7 =	vpop (erf)  }
0x275: {  	v9 =	vmul.f32 $1.442695020e+00, v4;
	v14 =	vsub.f32 $0.0e+00, v15;
	v17 =	vpop (erf);
	(erf) = vrcp.f32 v19;
	[tilespmem:s26+$0x40] =	vst v7;
	s26 =	smov.u32 s13;
	s13 =	smov.u32 s19  }
0x276: {  	v4 =	vmul.f32 $1.442695020e+00, v5;
	(erf) = vpow2.f32 v13;
	v13 =	vadd.f32 $1.000000000e+00, v2;
	v2 =	vpop (erf)  }
0x277: {  	v19 =	vsub.f32 $0.0e+00, v11;
	v7 =	vmul.f32 $1.442695020e+00, v14;
	(erf) = vpow2.f32 v12;
	v12 =	vpop (erf)  }
0x278: {  	v15 =	vadd.f32 $1.000000000e+00, v16;
	v5 =	vmul.f32 $1.442695020e+00, v10;
	v16 =	vpop (erf);
	(erf) = vrcp.f32 v18  }
0x279: {  	v14 =	vadd.f32 $1.000000000e+00, v17;
	v10 =	vmul.f32 $1.442695020e+00, v19;
	(erf) = vpow2.f32 v25;
	v11 =	vpop (erf)  }
0x27a: {  	v17 =	vadd.f32 $1.000000000e+00, v2;
	v12 =	vadd.f32 $1.000000000e+00, v12;
	(erf) = vpow2.f32 v24;
	v2 =	vpop (erf)  }
0x27b: {  	v11 =	vadd.f32 $1.000000000e+00, v11;
	(erf) = vpow2.f32 v9;
	v18 =	vadd.f32 $1.000000000e+00, v2;
	v2 =	vpop (erf)  }
.Ltmp4:
0x27c: {  	v20 =	vadd.f32 $1.000000000e+00, v16;
	(erf) = vpow2.f32 v27;
	[tilespmem:s26+$0xF0] =	vst v2;
	v9 =	vpop (erf);
	(pc) =	sbr.rel @p0 .LBB2_10-.Ltmp4, $4  }
0x27d: {  	v2 =	vpop (erf);
	[tilespmem:s26+$0xD0] =	vst v9;
	(erf) = vrcp.f32 v13  }
0x27e: {  	(erf) = vpow2.f32 v28;
	v13 =	vpop (erf)  }
0x27f: {  	v16 =	vadd.f32 $1.000000000e+00, v8;
	v9 =	vmul.f32 $1.442695020e+00, v21;
	v19 =	vpop (erf);
	(erf) = vpow2.f32 v23;
	[tilespmem:s26+$0xB0] =	vst v13  }
0x280: {  	s19 =	sadd.s32 $0x100, s19;
	v19 =	vadd.f32 $1.000000000e+00, v19;
	v13 =	vpop (erf);
	(erf) = vrcp.f32 v20  }
0x281: {  	(erf) = vrcp.f32 v18;
	v8 =	vpop (erf)  }
0x282: {  	v56 =	vpop (erf);
	(erf) = vrcp.f32 v17  }
0x283: {  	v57 =	vpop (erf);
	(erf) = vrcp.f32 v15  }
0x284: {  	v58 =	vpop (erf);
	(erf) = vrcp.f32 v19  }
0x285: {  	v0 =	vadd.f32 $1.000000000e+00, v0;
	v59 =	vpop (erf);
	(erf) = vrcp.f32 v14  }
0x286: {  	(erf) = vrcp.f32 v6;
	v60 =	vpop (erf)  }
0x287: {  	v61 =	vpop (erf);
	(erf) = vrcp.f32 v0  }
0x288: {  	v62 =	vpop (erf);
	(erf) = vrcp.f32 v12  }
0x289: {  	(erf) = vpow2.f32 v10;
	v63 =	vpop (erf)  }
0x28a: {  	v24 =	vpop (erf);
	(erf) = vrcp.f32 v16  }
0x28b: {  	(erf) = vrcp.f32 v11;
	v25 =	vpop (erf)  }
0x28c: {  	(erf) = vpow2.f32 v7;
	v26 =	vpop (erf)  }
0x28d: {  	v27 =	vpop (erf);
	(erf) = vpow2.f32 v3  }
0x28e: {  	(erf) = vpow2.f32 v9;
	v28 =	vpop (erf)  }
0x28f: {  	(erf) = vpow2.f32 v4;
	v29 =	vpop (erf)  }
0x290: {  	(erf) = vpow2.f32 v5;
	v30 =	vpop (erf)  }
0x291: {  	(erf) = vpow2.f32 v1;
	v31 =	vpop (erf)  }
0x292: {  	v32 =	vpop (erf)  }
0x293: {  	v20 =	vpop (erf)  }
0x294: {  	[tilespmem:s26+$0x80] =	vst v8;
	v33 =	vpop (erf)  }
0x295: {  	v19 =	vadd.f32 $1.000000000e+00, v59;
	[tilespmem:s26+$0xC0] =	vst v60;
	v34 =	vpop (erf)  }
0x296: {  	v14 =	vadd.f32 $1.000000000e+00, v61;
	[tilespmem:s26+$0x60] =	vst v63;
	v35 =	vpop (erf)  }
0x297: {  	v0 =	vadd.f32 $1.000000000e+00, v62;
	[tilespmem:s26+$0x30] =	vst v24;
	(erf) = vrcp.f32 v19;
	v36 =	vpop (erf)  }
0x298: {  	v17 =	vadd.f32 $1.000000000e+00, v57;
	[tilespmem:s26+$0x50] =	vst v25;
	(erf) = vrcp.f32 v14;
	v37 =	vpop (erf)  }
0x299: {  	v38 =	vadd.f32 $1.000000000e+00, v2;
	[tilespmem:s26+$0x70] =	vst v26;
	(erf) = vrcp.f32 v0;
	v39 =	vpop (erf)  }
0x29a: {  	[tilespmem:s13+$0x20] =	vst v27;
	(erf) = vrcp.f32 v17;
	v11 =	vadd.f32 $1.000000000e+00, v37;
	v40 =	vpop (erf)  }
0x29b: {  	[tilespmem:s26+$0xA0] =	vst v28;
	(erf) = vrcp.f32 v38;
	v41 =	vadd.f32 $1.000000000e+00, v40  }
0x29c: {  	[tilespmem:s26+$0x10] =	vst v29;
	v42 =	vadd.f32 $1.000000000e+00, v35;
	(erf) = vrcp.f32 v11  }
0x29d: {  	[tilespmem:s26+$0x0] =	vst v30;
	v43 =	vadd.f32 $1.000000000e+00, v32;
	(erf) = vrcp.f32 v41  }
0x29e: {  	[tilespmem:s26+$0x90] =	vst v31;
	v44 =	vadd.f32 $1.000000000e+00, v34;
	(erf) = vrcp.f32 v42  }
0x29f: {  	v45 =	vadd.f32 $1.000000000e+00, v58;
	[tilespmem:s26+$0xE0] =	vst v20;
	(erf) = vrcp.f32 v43  }
0x2a0: {  	v47 =	vadd.f32 $1.000000000e+00, v13;
	[tilespmem:s26+$0x40] =	vst v33;
	v46 =	vpop (erf);
	(erf) = vrcp.f32 v44  }
0x2a1: {  	v48 =	vadd.f32 $1.000000000e+00, v36;
	[tilespmem:s13+$0xF0] =	vst v46;
	v49 =	vpop (erf);
	(erf) = vrcp.f32 v45  }
0x2a2: {  	v51 =	vadd.f32 $1.000000000e+00, v56;
	[tilespmem:s13+$0xD0] =	vst v49;
	v50 =	vpop (erf);
	(erf) = vrcp.f32 v47  }
0x2a3: {  	v2 =	vadd.f32 $1.000000000e+00, v39;
	[tilespmem:s13+$0xB0] =	vst v50;
	v52 =	vpop (erf);
	(erf) = vrcp.f32 v48  }
0x2a4: {  	[tilespmem:s13+$0x80] =	vst v52;
	v53 =	vpop (erf);
	(erf) = vrcp.f32 v51  }
0x2a5: {  	[tilespmem:s13+$0xC0] =	vst v53;
	v54 =	vpop (erf);
	(erf) = vrcp.f32 v2  }
0x2a6: {  	[tilespmem:s13+$0x60] =	vst v54;
	v55 =	vpop (erf)  }
0x2a7: {  	[tilespmem:s13+$0x30] =	vst v55;
	v56 =	vpop (erf)  }
0x2a8: {  	[tilespmem:s13+$0x50] =	vst v56;
	v57 =	vpop (erf)  }
0x2a9: {  	[tilespmem:s13+$0x70] =	vst v57;
	v58 =	vpop (erf)  }
0x2aa: {  	[tilespmem:s13+$0xA0] =	vst v58;
	v59 =	vpop (erf)  }
0x2ab: {  	[tilespmem:s13+$0x10] =	vst v59;
	v60 =	vpop (erf)  }
0x2ac: {  	[tilespmem:s13+$0x0] =	vst v60;
	v61 =	vpop (erf)  }
0x2ad: {  	[tilespmem:s13+$0x90] =	vst v61;
	v62 =	vpop (erf)  }
0x2ae: {  	[tilespmem:s13+$0xE0] =	vst v62;
	v63 =	vpop (erf)  }
0x2af: {  	[tilespmem:s13+$0x40] =	vst v63  }
0x2b0: {  	[hbm4b:s9+s3] =	stream.linear.scatter [tilespmem:s28], [sflag:$0xD], $0x2000, $0x38;
	[tilespmem:$0x10400] =	vst v63  }
0x2b1: {  	_ =	swait.ge [sflag:s18], $0x2000  }
0x2b2: {  	[sflag:s18] =	ssyncset.done $0x0  }
0x2b3: {  	[sflag:s18] =	ssyncadd.s32 $0xFFFFE000  }
0x2b4: {  	_ =	swait.ge [sflag:s20], $0x4000  }
0x2b5: {  	[sflag:s20] =	ssyncset.done $0x0  }
0x2b6: {  	[sflag:s20] =	ssyncadd.s32 $0xFFFFC000  }
0x2b7: {  	_ =	swait.ge [sflag:s21], $0x4000  }
0x2b8: {  	[sflag:s21] =	ssyncset.done $0x0  }
0x2b9: {  	s25 =	sadd.s32 $0x1, s25;
	[sflag:s21] =	ssyncadd.s32 $0xFFFFC000  }
0x2ba: {  	p0 =	sne.s32 s25, s10;
	_ =	swait.ge [sflag:s22], $0x4000  }
.Ltmp5:
0x2bb: {  	[sflag:s22] =	ssyncset.done $0x0;
	(pc) =	sbr.rel @p0 .LBB2_1-.Ltmp5, $4  }
0x2bc: {  	[sflag:s22] =	ssyncadd.s32 $0xFFFFC000  }
0x2bd: {  	_ =	swait.ge [sflag:s24], $0x2000  }
0x2be: {  	[sflag:s24] =	ssyncset.done $0x0  }
0x2bf: {  	[sflag:s24] =	ssyncadd.s32 $0xFFFFE000  }
0x2c0: {  	_ =	sfence.sel $0x180000  }
0x2c1: {  	[bflag:$0x0] =	sbarrier.arrive $0xFFFF  }
0x2c2: {  	_ =	strace $0x90000047  }
0x2c3: {  	s0 =	stileid.u32;
	[bflag:$0x2] =	sbarrier.arrive $0xFFFF  }
0x2c4: {  	p0 =	sne.s32 s0, $0x0;
	s0 =	rddreg [dreg:$0x3]  }
0x2c5: {  	s0 =	sadd.s32 @!p0 $0x100000, s0  }
0x2c6: {  	[sflag:s0] =	ssyncadd.tile.s32 @!p0 $0x1;
	_ =	shalt  }
.Lfunc_end2:
_tile_overlayer_lowered:
.L_overlay_start_2:
0x2c7: {  	(tag) =	ssettag $0x2  }
0x2c8: {  	s0 =	rddreg [dreg:$0x0];
	s2 =	stileid.u32  }
0x2c9: {  	s1 =	rddreg [dreg:$0x1];
	p0 =	sne.s32 s2, $0x0  }
0x2ca: {  	s3 =	rddreg [dreg:$0x2];
	[bflag:$0x3] =	sbarrier.arrive $0xFFFF;
	s2 =	simm.s32 @!p0 $0x1C0E  }
0x2cb: {  	[timem:s3], [sflag:s2] =	dma.local @!p0 [hbm:s0], s1  }
0x2cc: {  	s0 =	simm.s32 @!p0 $0xE  }
0x2cd: {  	_ =	swait.ge @!p0 [sflag:s0], s1  }
0x2ce: {  	s1 =	ssub.s32 @!p0 $0x0, s1;
	[sflag:s0] =	ssyncset.done @!p0 $0x0  }
0x2cf: {  	[sflag:s0] =	ssyncadd.s32 @!p0 s1  }
0x2d0: {  	[bflag:$0x3] =	sbarrier.arrive $0xFFFF  }
0x2d1: {  	_ =	shalt  }

</sc_bundles>
